<compile_context>
chip_gen: v7x
topology: tpu7x:2x2x1
jax: 0.10.2.dev20260603
libtpu: 0.0.44.dev20260713+nightly
codegen_flags: <defaults>
</compile_context>

<pallas_src>
import functools

import jax
import jax.numpy as jnp
from jax import lax
from jax.experimental import pallas as pl
from jax.experimental.pallas import tpu as pltpu
from jax.experimental.pallas import tpu_sc as plsc

N0 = 10000
NP = 10240
E0 = 320000
B = 128
NW = 32
NS = 16
NC = 2
G = 80
EP = NW * G * B
RPT = NP // NS
NSL = 4

_mesh = functools.partial(
    plsc.VectorSubcoreMesh, core_axis_name="c", subcore_axis_name="s"
)


def _make_deg_kernel():

    @functools.partial(
        pl.kernel,
        mesh=_mesh(),
        out_type=jax.ShapeDtypeStruct((NC, NP), jnp.float32),
        scratch_types=[
            pltpu.VMEM((G, B), jnp.int32),
            pltpu.VMEM((128,), jnp.float32),
            pltpu.VMEM((B,), jnp.float32),
            pltpu.VMEM_SHARED((NP,), jnp.float32),
        ],
    )
    def deg_kernel(dst_hbm, out_hbm, dst_v, zbuf, ones_v, acc):
        c = lax.axis_index("c")
        s = lax.axis_index("s")
        wid = s * NC + c
        pltpu.sync_copy(dst_hbm.at[wid], dst_v)
        for i in range(8):
            zbuf[pl.ds(i * 16, 16)] = jnp.zeros((16,), jnp.float32)
        for i in range(B // 16):
            ones_v[pl.ds(i * 16, 16)] = jnp.ones((16,), jnp.float32)
        base = s * RPT
        for off in range(0, RPT, 128):
            pltpu.sync_copy(zbuf, acc.at[pl.ds(base + off, 128)])
        plsc.subcore_barrier()

        def body(g, carry):
            pltpu.sync_copy(ones_v, acc.at[dst_v.at[g]], add=True)
            return carry

        lax.fori_loop(0, G, body, None)
        plsc.subcore_barrier()
        for off in range(0, RPT, 128):
            pltpu.sync_copy(
                acc.at[pl.ds(base + off, 128)], out_hbm.at[c, pl.ds(base + off, 128)]
            )

    return deg_kernel


def _make_scatter_kernel(D, tc_tiling=True):

    @functools.partial(
        pl.kernel,
        mesh=_mesh(),
        out_type=jax.ShapeDtypeStruct((NC, NP, D), jnp.float32),
        compiler_params=pltpu.CompilerParams(use_tc_tiling_on_sc=tc_tiling),
        scratch_types=[
            pltpu.VMEM((NSL, 2, B), jnp.int32),
            pltpu.VMEM((B, D), jnp.float32),
            pltpu.VMEM((B, D), jnp.float32),
            pltpu.VMEM_SHARED((NP, D), jnp.float32),
            pltpu.SemaphoreType.DMA,
            pltpu.SemaphoreType.DMA,
            pltpu.SemaphoreType.DMA,
            pltpu.SemaphoreType.DMA,
            pltpu.SemaphoreType.DMA,
            pltpu.SemaphoreType.DMA,
        ],
    )
    def scatter_kernel(
        table_hbm, sd_hbm, out_hbm,
        sdidx, rbuf0, rbuf1, acc,
        gsem0, gsem1, isem0, isem1, isem2, isem3,
    ):
        c = lax.axis_index("c")
        s = lax.axis_index("s")
        wid = s * NC + c
        rbufs = (rbuf0, rbuf1)
        gsems = (gsem0, gsem1)
        isems = (isem0, isem1, isem2, isem3)

        def zrow(r, carry):
            for i in range(D // 16):
                rbuf0[r, pl.ds(i * 16, 16)] = jnp.zeros((16,), jnp.float32)
            return carry

        lax.fori_loop(0, B, zrow, None)
        base = s * RPT
        for off in range(0, RPT, B):
            pltpu.sync_copy(rbuf0, acc.at[pl.ds(base + off, B)])
        plsc.subcore_barrier()

        def prefetch_idx(b2, g):
            pltpu.async_copy(sd_hbm.at[wid, g], sdidx.at[b2], isems[b2])

        def wait_idx(b2, g):
            pltpu.make_async_copy(sd_hbm.at[wid, g], sdidx.at[b2], isems[b2]).wait()

        for b2 in range(NSL):
            prefetch_idx(b2, b2)
        wait_idx(0, 0)
        pltpu.async_copy(table_hbm.at[sdidx.at[0, 0]], rbuf0, gsem0)

        def body(i, carry):
            for b in range(NSL):
                g = i * NSL + b
                nb = (b + 1) % NSL
                wait_idx(nb, g + 1)
                pltpu.async_copy(
                    table_hbm.at[sdidx.at[nb, 0]], rbufs[(b + 1) % 2], gsems[(b + 1) % 2]
                )
                pltpu.make_async_copy(
                    table_hbm.at[sdidx.at[b, 0]], rbufs[b % 2], gsems[b % 2]
                ).wait()
                pltpu.sync_copy(rbufs[b % 2], acc.at[sdidx.at[b, 1]], add=True)
                prefetch_idx(b, g + NSL)
            return carry

        lax.fori_loop(0, G // NSL, body, None)
        pltpu.make_async_copy(table_hbm.at[sdidx.at[0, 0]], rbuf0, gsem0).wait()
        for b2 in range(1, NSL):
            wait_idx(b2, G + b2)
        plsc.subcore_barrier()
        for off in range(0, RPT, B):
            pltpu.sync_copy(
                acc.at[pl.ds(base + off, B)],
                out_hbm.at[c, pl.ds(base + off, B)],
            )

    return scatter_kernel


_deg_kernel = _make_deg_kernel()
_scatter128 = _make_scatter_kernel(128)
_scatter64 = _make_scatter_kernel(64, tc_tiling=False)


def _tc1_body(degp_ref, x_ref, dinv_ref, xp_ref):
    deg = degp_ref[0] + degp_ref[1] + 1.0
    dinv = lax.rsqrt(deg)
    dinv_ref[...] = dinv
    xp_ref[...] = x_ref[...] * dinv


def _tc2_body(parts_ref, xp_ref, dinv_ref, w1_ref, b1_ref, w2_ref, zp_ref):
    dinv = dinv_ref[...]
    p = (parts_ref[0] + parts_ref[1] + xp_ref[...]) * dinv
    h = jnp.dot(p, w1_ref[...], preferred_element_type=jnp.float32) + b1_ref[...]
    h = jnp.maximum(h, 0.0)
    z = jnp.dot(h, w2_ref[...], preferred_element_type=jnp.float32)
    zp_ref[...] = z * dinv


def _tc3_body(parts_ref, zp_ref, dinv_ref, b2_ref, out_ref):
    d_out = out_ref.shape[1]
    out_ref[...] = (
        parts_ref[0][:, :d_out] + parts_ref[1][:, :d_out] + zp_ref[:, :d_out]
    ) * dinv_ref[...] + b2_ref[...]


def kernel(x, edge_index, W1, b1, W2, b2):
    d_in = x.shape[1]
    d_hid = W1.shape[1]
    d_out = W2.shape[1]

    pad = EP - E0
    pad_idx = N0 + (jnp.arange(pad, dtype=jnp.int32) % (NP - N0))
    src_p = jnp.concatenate([edge_index[0], pad_idx]).reshape(NW, G, B)
    dst_p = jnp.concatenate([edge_index[1], pad_idx]).reshape(NW, G, B)
    extra = N0 + (
        jnp.arange(NW * NSL * 2 * B, dtype=jnp.int32).reshape(NW, NSL, 2, B)
        % (NP - N0)
    )
    sd_p = jnp.concatenate([jnp.stack([src_p, dst_p], axis=2), extra], axis=1)
    x_pad = jnp.concatenate([x, jnp.zeros((NP - N0, d_in), x.dtype)])

    deg_parts = _deg_kernel(dst_p)

    dinv, xp = pl.pallas_call(
        _tc1_body,
        out_shape=(
            jax.ShapeDtypeStruct((NP, 1), jnp.float32),
            jax.ShapeDtypeStruct((NP, d_in), jnp.float32),
        ),
    )(deg_parts.reshape(NC, NP, 1), x_pad)

    parts1 = _scatter128(xp, sd_p)

    R = 1024
    zp = pl.pallas_call(
        _tc2_body,
        grid=(NP // R,),
        in_specs=[
            pl.BlockSpec((NC, R, d_in), lambda i: (0, i, 0)),
            pl.BlockSpec((R, d_in), lambda i: (i, 0)),
            pl.BlockSpec((R, 1), lambda i: (i, 0)),
            pl.BlockSpec((d_in, d_hid), lambda i: (0, 0)),
            pl.BlockSpec((1, d_hid), lambda i: (0, 0)),
            pl.BlockSpec((d_hid, d_out), lambda i: (0, 0)),
        ],
        out_specs=pl.BlockSpec((R, d_out), lambda i: (i, 0)),
        out_shape=jax.ShapeDtypeStruct((NP, d_out), jnp.float32),
    )(parts1, xp, dinv, W1, b1.reshape(1, d_hid), W2)

    parts2 = _scatter64(zp, sd_p)

    R3 = 400
    out = pl.pallas_call(
        _tc3_body,
        grid=(N0 // R3,),
        in_specs=[
            pl.BlockSpec((NC, R3, d_out), lambda i: (0, i, 0)),
            pl.BlockSpec((R3, d_out), lambda i: (i, 0)),
            pl.BlockSpec((R3, 1), lambda i: (i, 0)),
            pl.BlockSpec((1, d_out), lambda i: (0, 0)),
        ],
        out_specs=pl.BlockSpec((R3, d_out), lambda i: (i, 0)),
        out_shape=jax.ShapeDtypeStruct((N0, d_out), jnp.float32),
    )(parts2, zp, dinv, b2.reshape(1, d_out))

    return out

# --- scband reference (transcript-rebuilt; emitter-appended) ---
"""Pipeline reference for scband-gcn-24300924961367 (READ-ONLY COPY).

The authoritative reference and input builder live on the scoring server;
editing this copy changes nothing except your own understanding.
"""

import jax, jax.numpy as jnp
import numpy as np

N = 10000
E = 320000
D_IN = 128
D_HID = 256
D_OUT = 64


def setup_inputs(seed: int = 0):
    key = jax.random.key(seed)
    k1, k2, k3, k4 = jax.random.split(key, 4)
    x = jax.random.normal(k1, (N, D_IN), dtype=jnp.float32)
    edge_index = jax.random.randint(k2, (2, E), 0, N, dtype=jnp.int32)
    W1 = jax.random.normal(k3, (D_IN, D_HID), dtype=jnp.float32) * (1.0 / np.sqrt(D_IN))
    b1 = jnp.zeros((D_HID,), dtype=jnp.float32)
    W2 = jax.random.normal(k4, (D_HID, D_OUT), dtype=jnp.float32) * (1.0 / np.sqrt(D_HID))
    b2 = jnp.zeros((D_OUT,), dtype=jnp.float32)
    return {"x": x, "edge_index": edge_index, "W1": W1, "b1": b1, "W2": W2, "b2": b2}


def _gcn_conv(x, W, b, src, dst, n):
    # GCNConv with normalize=True: out = D^{-1/2} (A + I) D^{-1/2} (X W) + b
    h = x @ W
    deg = jnp.zeros((n,), dtype=x.dtype).at[dst].add(jnp.ones_like(dst, dtype=x.dtype))
    dinv = jnp.where(deg > 0, jax.lax.rsqrt(deg), 0.0)
    norm = dinv[src] * dinv[dst]
    msg = jnp.take(h, src, axis=0) * norm[:, None]
    out = jnp.zeros((n, h.shape[1]), dtype=x.dtype).at[dst].add(msg)
    return out + b


def reference(x, edge_index, W1, b1, W2, b2):
    n = x.shape[0]
    loop = jnp.arange(n, dtype=edge_index.dtype)
    src = jnp.concatenate([edge_index[0], loop])
    dst = jnp.concatenate([edge_index[1], loop])
    h = _gcn_conv(x, W1, b1, src, dst, n)
    h = jax.nn.relu(h)
    # F.dropout with training=False is identity at inference
    out = _gcn_conv(h, W2, b2, src, dst, n)
    return out

if __name__ == "__main__":
    import jax
    _d = setup_inputs()
    print(jax.jit(kernel)(*tuple(_d.values())))

</pallas_src>

<mosaic_0001>
#map = affine_map<(d0, d1) -> (0, 0)>
#map1 = affine_map<(d0, d1) -> (0, 0, 0, 0)>
#map2 = affine_map<(d0, d1) -> (0, 0, 0)>
module attributes {stable_mosaic.version = 14 : i64} {
  func.func @scatter_kernel(%arg0: i32, %arg1: i32, %arg2: memref<10240x64xf32, #tpu.memory_space<hbm>>, %arg3: memref<32x84x2x128xi32, #tpu.memory_space<hbm>>, %arg4: memref<2x10240x64xf32, #tpu.memory_space<hbm>>, %arg5: memref<4x2x128xi32, #tpu.memory_space<vmem>>, %arg6: memref<128x64xf32, #tpu.memory_space<vmem>>, %arg7: memref<128x64xf32, #tpu.memory_space<vmem>>, %arg8: memref<10240x64xf32, #tpu.memory_space<vmem_shared>>, %arg9: memref<!tpu.dma_semaphore, #tpu.memory_space<semaphore_mem>>, %arg10: memref<!tpu.dma_semaphore, #tpu.memory_space<semaphore_mem>>, %arg11: memref<!tpu.dma_semaphore, #tpu.memory_space<semaphore_mem>>, %arg12: memref<!tpu.dma_semaphore, #tpu.memory_space<semaphore_mem>>, %arg13: memref<!tpu.dma_semaphore, #tpu.memory_space<semaphore_mem>>, %arg14: memref<!tpu.dma_semaphore, #tpu.memory_space<semaphore_mem>>) attributes {dimension_semantics = [#tpu.dimension_semantics<core_parallel>, #tpu.dimension_semantics<subcore_parallel>], iteration_bounds = array<i64: 2, 16>, scalar_prefetch = 0 : i64, scratch_operands = 10 : i64, tpu.core_type = #tpu.core_type<sc_vector_subcore>, window_params = [{transform_indices = #map}, {transform_indices = #map1}, {transform_indices = #map2}]} {
    %mul3A = arith.constant 2 : i32
    %mul3A_0 = arith.muli %arg1, %mul3A : i32
    %add3A = arith.addi %mul3A_0, %arg0 : i32
    %scan3A = arith.constant 0 : i32
    %scan3A_1 = arith.constant 128 : i32
    %scan3A_2 = arith.addi %scan3A, %scan3A_1 : i32
    %scan3A_3 = arith.constant 1 : i32
    scf.for %scan3A_201 = %scan3A to %scan3A_2 step %scan3A_3  : i32 {
      %broadcast_in_dim3A = arith.constant 0.000000e+00 : f32
      %broadcast_in_dim3A_202 = vector.broadcast %broadcast_in_dim3A : f32 to vector<16xf32>
      %swap3A = arith.index_cast %scan3A_201 : i32 to index
      %swap3A_203 = arith.constant 0 : index
      %swap3A_204 = tpu.vector_load %arg6[%swap3A, %swap3A_203] {strides = array<i32>} : memref<128x64xf32, #tpu.memory_space<vmem>>, vector<1x16xf32>,
      %swap3A_205 = vector.shape_cast %swap3A_204 : vector<1x16xf32> to vector<16xf32>
      %swap3A_206 = vector.shape_cast %broadcast_in_dim3A_202 : vector<16xf32> to vector<1x16xf32>
      tpu.vector_store %arg6[%swap3A, %swap3A_203], %swap3A_206 {strides = array<i32>} : memref<128x64xf32, #tpu.memory_space<vmem>>, vector<1x16xf32>,
      %broadcast_in_dim3A_207 = arith.constant 0.000000e+00 : f32
      %broadcast_in_dim3A_208 = vector.broadcast %broadcast_in_dim3A_207 : f32 to vector<16xf32>
      %swap3A_209 = arith.index_cast %scan3A_201 : i32 to index
      %swap3A_210 = arith.constant 16 : index
      %swap3A_211 = tpu.vector_load %arg6[%swap3A_209, %swap3A_210] {strides = array<i32>} : memref<128x64xf32, #tpu.memory_space<vmem>>, vector<1x16xf32>,
      %swap3A_212 = vector.shape_cast %swap3A_211 : vector<1x16xf32> to vector<16xf32>
      %swap3A_213 = vector.shape_cast %broadcast_in_dim3A_208 : vector<16xf32> to vector<1x16xf32>
      tpu.vector_store %arg6[%swap3A_209, %swap3A_210], %swap3A_213 {strides = array<i32>} : memref<128x64xf32, #tpu.memory_space<vmem>>, vector<1x16xf32>,
      %broadcast_in_dim3A_214 = arith.constant 0.000000e+00 : f32
      %broadcast_in_dim3A_215 = vector.broadcast %broadcast_in_dim3A_214 : f32 to vector<16xf32>
      %swap3A_216 = arith.index_cast %scan3A_201 : i32 to index
      %swap3A_217 = arith.constant 32 : index
      %swap3A_218 = tpu.vector_load %arg6[%swap3A_216, %swap3A_217] {strides = array<i32>} : memref<128x64xf32, #tpu.memory_space<vmem>>, vector<1x16xf32>,
      %swap3A_219 = vector.shape_cast %swap3A_218 : vector<1x16xf32> to vector<16xf32>
      %swap3A_220 = vector.shape_cast %broadcast_in_dim3A_215 : vector<16xf32> to vector<1x16xf32>
      tpu.vector_store %arg6[%swap3A_216, %swap3A_217], %swap3A_220 {strides = array<i32>} : memref<128x64xf32, #tpu.memory_space<vmem>>, vector<1x16xf32>,
      %broadcast_in_dim3A_221 = arith.constant 0.000000e+00 : f32
      %broadcast_in_dim3A_222 = vector.broadcast %broadcast_in_dim3A_221 : f32 to vector<16xf32>
      %swap3A_223 = arith.index_cast %scan3A_201 : i32 to index
      %swap3A_224 = arith.constant 48 : index
      %swap3A_225 = tpu.vector_load %arg6[%swap3A_223, %swap3A_224] {strides = array<i32>} : memref<128x64xf32, #tpu.memory_space<vmem>>, vector<1x16xf32>,
      %swap3A_226 = vector.shape_cast %swap3A_225 : vector<1x16xf32> to vector<16xf32>
      %swap3A_227 = vector.shape_cast %broadcast_in_dim3A_222 : vector<16xf32> to vector<1x16xf32>
      tpu.vector_store %arg6[%swap3A_223, %swap3A_224], %swap3A_227 {strides = array<i32>} : memref<128x64xf32, #tpu.memory_space<vmem>>, vector<1x16xf32>,
    }
    %scan3A_4 = arith.constant 128 : i32
    %mul3A_5 = arith.constant 640 : i32
    %mul3A_6 = arith.muli %arg1, %mul3A_5 : i32
    %add3A_7 = arith.constant 0 : i32
    %add3A_8 = arith.addi %mul3A_6, %add3A_7 : i32
    "tpu.region"() ({
      %run_scoped3A = tpu.sem_alloc : memref<!tpu.dma_semaphore, #tpu.memory_space<semaphore_mem>>
      %dma_start3A_201 = arith.constant 0 : i32
      %dma_start3A_202 = tpu.memref_slice %arg8[%add3A_8, %dma_start3A_201] : memref<10240x64xf32, #tpu.memory_space<vmem_shared>> -> memref<128x64xf32, #tpu.memory_space<vmem_shared>>
      %dma_start3A_203 = arith.constant 0 : i32
      %dma_start3A_204 = tpu.memref_slice %arg8[%add3A_8, %dma_start3A_203] : memref<10240x64xf32, #tpu.memory_space<vmem_shared>> -> memref<128x64xf32, #tpu.memory_space<vmem_shared>>
      tpu.enqueue_dma source(%arg6 : memref<128x64xf32, #tpu.memory_space<vmem>>) target(%dma_start3A_204 : memref<128x64xf32, #tpu.memory_space<vmem_shared>>) target_semaphore(%run_scoped3A : memref<!tpu.dma_semaphore, #tpu.memory_space<semaphore_mem>>)
      %dma_wait3A_205 = arith.constant 0 : i32
      %dma_wait3A_206 = tpu.memref_slice %arg8[%add3A_8, %dma_wait3A_205] : memref<10240x64xf32, #tpu.memory_space<vmem_shared>> -> memref<128x64xf32, #tpu.memory_space<vmem_shared>>
      %dma_wait3A_207 = arith.constant 0 : i32
      %dma_wait3A_208 = tpu.memref_slice %arg8[%add3A_8, %dma_wait3A_207] : memref<10240x64xf32, #tpu.memory_space<vmem_shared>> -> memref<128x64xf32, #tpu.memory_space<vmem_shared>>
      tpu.wait_dma2 semaphore(%run_scoped3A : memref<!tpu.dma_semaphore, #tpu.memory_space<semaphore_mem>>) src(%arg6 : memref<128x64xf32, #tpu.memory_space<vmem>>) dst(%dma_wait3A_208 : memref<128x64xf32, #tpu.memory_space<vmem_shared>>)
      tpu.yield
    }) : () -> ()
    %add3A_9 = arith.constant 128 : i32
    %add3A_10 = arith.addi %mul3A_6, %add3A_9 : i32
    "tpu.region"() ({
      %run_scoped3A = tpu.sem_alloc : memref<!tpu.dma_semaphore, #tpu.memory_space<semaphore_mem>>
      %dma_start3A_201 = arith.constant 0 : i32
      %dma_start3A_202 = tpu.memref_slice %arg8[%add3A_10, %dma_start3A_201] : memref<10240x64xf32, #tpu.memory_space<vmem_shared>> -> memref<128x64xf32, #tpu.memory_space<vmem_shared>>
      %dma_start3A_203 = arith.constant 0 : i32
      %dma_start3A_204 = tpu.memref_slice %arg8[%add3A_10, %dma_start3A_203] : memref<10240x64xf32, #tpu.memory_space<vmem_shared>> -> memref<128x64xf32, #tpu.memory_space<vmem_shared>>
      tpu.enqueue_dma source(%arg6 : memref<128x64xf32, #tpu.memory_space<vmem>>) target(%dma_start3A_204 : memref<128x64xf32, #tpu.memory_space<vmem_shared>>) target_semaphore(%run_scoped3A : memref<!tpu.dma_semaphore, #tpu.memory_space<semaphore_mem>>)
      %dma_wait3A_205 = arith.constant 0 : i32
      %dma_wait3A_206 = tpu.memref_slice %arg8[%add3A_10, %dma_wait3A_205] : memref<10240x64xf32, #tpu.memory_space<vmem_shared>> -> memref<128x64xf32, #tpu.memory_space<vmem_shared>>
      %dma_wait3A_207 = arith.constant 0 : i32
      %dma_wait3A_208 = tpu.memref_slice %arg8[%add3A_10, %dma_wait3A_207] : memref<10240x64xf32, #tpu.memory_space<vmem_shared>> -> memref<128x64xf32, #tpu.memory_space<vmem_shared>>
      tpu.wait_dma2 semaphore(%run_scoped3A : memref<!tpu.dma_semaphore, #tpu.memory_space<semaphore_mem>>) src(%arg6 : memref<128x64xf32, #tpu.memory_space<vmem>>) dst(%dma_wait3A_208 : memref<128x64xf32, #tpu.memory_space<vmem_shared>>)
      tpu.yield
    }) : () -> ()
    %add3A_11 = arith.constant 256 : i32
    %add3A_12 = arith.addi %mul3A_6, %add3A_11 : i32
    "tpu.region"() ({
      %run_scoped3A = tpu.sem_alloc : memref<!tpu.dma_semaphore, #tpu.memory_space<semaphore_mem>>
      %dma_start3A_201 = arith.constant 0 : i32
      %dma_start3A_202 = tpu.memref_slice %arg8[%add3A_12, %dma_start3A_201] : memref<10240x64xf32, #tpu.memory_space<vmem_shared>> -> memref<128x64xf32, #tpu.memory_space<vmem_shared>>
      %dma_start3A_203 = arith.constant 0 : i32
      %dma_start3A_204 = tpu.memref_slice %arg8[%add3A_12, %dma_start3A_203] : memref<10240x64xf32, #tpu.memory_space<vmem_shared>> -> memref<128x64xf32, #tpu.memory_space<vmem_shared>>
      tpu.enqueue_dma source(%arg6 : memref<128x64xf32, #tpu.memory_space<vmem>>) target(%dma_start3A_204 : memref<128x64xf32, #tpu.memory_space<vmem_shared>>) target_semaphore(%run_scoped3A : memref<!tpu.dma_semaphore, #tpu.memory_space<semaphore_mem>>)
      %dma_wait3A_205 = arith.constant 0 : i32
      %dma_wait3A_206 = tpu.memref_slice %arg8[%add3A_12, %dma_wait3A_205] : memref<10240x64xf32, #tpu.memory_space<vmem_shared>> -> memref<128x64xf32, #tpu.memory_space<vmem_shared>>
      %dma_wait3A_207 = arith.constant 0 : i32
      %dma_wait3A_208 = tpu.memref_slice %arg8[%add3A_12, %dma_wait3A_207] : memref<10240x64xf32, #tpu.memory_space<vmem_shared>> -> memref<128x64xf32, #tpu.memory_space<vmem_shared>>
      tpu.wait_dma2 semaphore(%run_scoped3A : memref<!tpu.dma_semaphore, #tpu.memory_space<semaphore_mem>>) src(%arg6 : memref<128x64xf32, #tpu.memory_space<vmem>>) dst(%dma_wait3A_208 : memref<128x64xf32, #tpu.memory_space<vmem_shared>>)
      tpu.yield
    }) : () -> ()
    %add3A_13 = arith.constant 384 : i32
    %add3A_14 = arith.addi %mul3A_6, %add3A_13 : i32
    "tpu.region"() ({
      %run_scoped3A = tpu.sem_alloc : memref<!tpu.dma_semaphore, #tpu.memory_space<semaphore_mem>>
      %dma_start3A_201 = arith.constant 0 : i32
      %dma_start3A_202 = tpu.memref_slice %arg8[%add3A_14, %dma_start3A_201] : memref<10240x64xf32, #tpu.memory_space<vmem_shared>> -> memref<128x64xf32, #tpu.memory_space<vmem_shared>>
      %dma_start3A_203 = arith.constant 0 : i32
      %dma_start3A_204 = tpu.memref_slice %arg8[%add3A_14, %dma_start3A_203] : memref<10240x64xf32, #tpu.memory_space<vmem_shared>> -> memref<128x64xf32, #tpu.memory_space<vmem_shared>>
      tpu.enqueue_dma source(%arg6 : memref<128x64xf32, #tpu.memory_space<vmem>>) target(%dma_start3A_204 : memref<128x64xf32, #tpu.memory_space<vmem_shared>>) target_semaphore(%run_scoped3A : memref<!tpu.dma_semaphore, #tpu.memory_space<semaphore_mem>>)
      %dma_wait3A_205 = arith.constant 0 : i32
      %dma_wait3A_206 = tpu.memref_slice %arg8[%add3A_14, %dma_wait3A_205] : memref<10240x64xf32, #tpu.memory_space<vmem_shared>> -> memref<128x64xf32, #tpu.memory_space<vmem_shared>>
      %dma_wait3A_207 = arith.constant 0 : i32
      %dma_wait3A_208 = tpu.memref_slice %arg8[%add3A_14, %dma_wait3A_207] : memref<10240x64xf32, #tpu.memory_space<vmem_shared>> -> memref<128x64xf32, #tpu.memory_space<vmem_shared>>
      tpu.wait_dma2 semaphore(%run_scoped3A : memref<!tpu.dma_semaphore, #tpu.memory_space<semaphore_mem>>) src(%arg6 : memref<128x64xf32, #tpu.memory_space<vmem>>) dst(%dma_wait3A_208 : memref<128x64xf32, #tpu.memory_space<vmem_shared>>)
      tpu.yield
    }) : () -> ()
    %add3A_15 = arith.constant 512 : i32
    %add3A_16 = arith.addi %mul3A_6, %add3A_15 : i32
    "tpu.region"() ({
      %run_scoped3A = tpu.sem_alloc : memref<!tpu.dma_semaphore, #tpu.memory_space<semaphore_mem>>
      %dma_start3A_201 = arith.constant 0 : i32
      %dma_start3A_202 = tpu.memref_slice %arg8[%add3A_16, %dma_start3A_201] : memref<10240x64xf32, #tpu.memory_space<vmem_shared>> -> memref<128x64xf32, #tpu.memory_space<vmem_shared>>
      %dma_start3A_203 = arith.constant 0 : i32
      %dma_start3A_204 = tpu.memref_slice %arg8[%add3A_16, %dma_start3A_203] : memref<10240x64xf32, #tpu.memory_space<vmem_shared>> -> memref<128x64xf32, #tpu.memory_space<vmem_shared>>
      tpu.enqueue_dma source(%arg6 : memref<128x64xf32, #tpu.memory_space<vmem>>) target(%dma_start3A_204 : memref<128x64xf32, #tpu.memory_space<vmem_shared>>) target_semaphore(%run_scoped3A : memref<!tpu.dma_semaphore, #tpu.memory_space<semaphore_mem>>)
      %dma_wait3A_205 = arith.constant 0 : i32
      %dma_wait3A_206 = tpu.memref_slice %arg8[%add3A_16, %dma_wait3A_205] : memref<10240x64xf32, #tpu.memory_space<vmem_shared>> -> memref<128x64xf32, #tpu.memory_space<vmem_shared>>
      %dma_wait3A_207 = arith.constant 0 : i32
      %dma_wait3A_208 = tpu.memref_slice %arg8[%add3A_16, %dma_wait3A_207] : memref<10240x64xf32, #tpu.memory_space<vmem_shared>> -> memref<128x64xf32, #tpu.memory_space<vmem_shared>>
      tpu.wait_dma2 semaphore(%run_scoped3A : memref<!tpu.dma_semaphore, #tpu.memory_space<semaphore_mem>>) src(%arg6 : memref<128x64xf32, #tpu.memory_space<vmem>>) dst(%dma_wait3A_208 : memref<128x64xf32, #tpu.memory_space<vmem_shared>>)
      tpu.yield
    }) : () -> ()
    %barrier3A = arith.constant 0 : index
    tpu.barrier barrier_id(%barrier3A)
    %dma_start3A = arith.constant 0 : i32
    %dma_start3A_17 = arith.constant 0 : i32
    %dma_start3A_18 = arith.constant 0 : i32
    %dma_start3A_19 = arith.constant 0 : i32
    %dma_start3A_20 = tpu.memref_slice %arg5[%dma_start3A_17, %dma_start3A_18, %dma_start3A_19] : memref<4x2x128xi32, #tpu.memory_space<vmem>> -> memref<1x2x128xi32, #tpu.memory_space<vmem>>
    %dma_start3A_21 = tpu.memref_squeeze %dma_start3A_20 : memref<1x2x128xi32, #tpu.memory_space<vmem>> -> memref<2x128xi32, #tpu.memory_space<vmem>>
    %dma_start3A_22 = arith.constant 0 : i32
    %dma_start3A_23 = arith.constant 0 : i32
    %dma_start3A_24 = tpu.memref_slice %arg3[%add3A, %dma_start3A, %dma_start3A_22, %dma_start3A_23] : memref<32x84x2x128xi32, #tpu.memory_space<hbm>> -> memref<1x1x2x128xi32, #tpu.memory_space<hbm>>
    %dma_start3A_25 = tpu.memref_squeeze %dma_start3A_24 : memref<1x1x2x128xi32, #tpu.memory_space<hbm>> -> memref<2x128xi32, #tpu.memory_space<hbm>>
    %dma_start3A_26 = arith.constant 0 : i32
    %dma_start3A_27 = arith.constant 0 : i32
    %dma_start3A_28 = tpu.memref_slice %arg5[%dma_start3A_17, %dma_start3A_26, %dma_start3A_27] : memref<4x2x128xi32, #tpu.memory_space<vmem>> -> memref<1x2x128xi32, #tpu.memory_space<vmem>>
    %dma_start3A_29 = tpu.memref_squeeze %dma_start3A_28 : memref<1x2x128xi32, #tpu.memory_space<vmem>> -> memref<2x128xi32, #tpu.memory_space<vmem>>
    %dma_start3A_30 = arith.constant 0 : i32
    %dma_start3A_31 = arith.constant 0 : i32
    %dma_start3A_32 = tpu.memref_slice %arg3[%add3A, %dma_start3A, %dma_start3A_30, %dma_start3A_31] : memref<32x84x2x128xi32, #tpu.memory_space<hbm>> -> memref<1x1x2x128xi32, #tpu.memory_space<hbm>>
    %dma_start3A_33 = tpu.memref_squeeze %dma_start3A_32 : memref<1x1x2x128xi32, #tpu.memory_space<hbm>> -> memref<2x128xi32, #tpu.memory_space<hbm>>
    tpu.enqueue_dma source(%dma_start3A_33 : memref<2x128xi32, #tpu.memory_space<hbm>>) target(%dma_start3A_29 : memref<2x128xi32, #tpu.memory_space<vmem>>) target_semaphore(%arg11 : memref<!tpu.dma_semaphore, #tpu.memory_space<semaphore_mem>>)
    %dma_start3A_34 = arith.constant 1 : i32
    %dma_start3A_35 = arith.constant 1 : i32
    %dma_start3A_36 = arith.constant 0 : i32
    %dma_start3A_37 = arith.constant 0 : i32
    %dma_start3A_38 = tpu.memref_slice %arg5[%dma_start3A_35, %dma_start3A_36, %dma_start3A_37] : memref<4x2x128xi32, #tpu.memory_space<vmem>> -> memref<1x2x128xi32, #tpu.memory_space<vmem>>
    %dma_start3A_39 = tpu.memref_squeeze %dma_start3A_38 : memref<1x2x128xi32, #tpu.memory_space<vmem>> -> memref<2x128xi32, #tpu.memory_space<vmem>>
    %dma_start3A_40 = arith.constant 0 : i32
    %dma_start3A_41 = arith.constant 0 : i32
    %dma_start3A_42 = tpu.memref_slice %arg3[%add3A, %dma_start3A_34, %dma_start3A_40, %dma_start3A_41] : memref<32x84x2x128xi32, #tpu.memory_space<hbm>> -> memref<1x1x2x128xi32, #tpu.memory_space<hbm>>
    %dma_start3A_43 = tpu.memref_squeeze %dma_start3A_42 : memref<1x1x2x128xi32, #tpu.memory_space<hbm>> -> memref<2x128xi32, #tpu.memory_space<hbm>>
    %dma_start3A_44 = arith.constant 0 : i32
    %dma_start3A_45 = arith.constant 0 : i32
    %dma_start3A_46 = tpu.memref_slice %arg5[%dma_start3A_35, %dma_start3A_44, %dma_start3A_45] : memref<4x2x128xi32, #tpu.memory_space<vmem>> -> memref<1x2x128xi32, #tpu.memory_space<vmem>>
    %dma_start3A_47 = tpu.memref_squeeze %dma_start3A_46 : memref<1x2x128xi32, #tpu.memory_space<vmem>> -> memref<2x128xi32, #tpu.memory_space<vmem>>
    %dma_start3A_48 = arith.constant 0 : i32
    %dma_start3A_49 = arith.constant 0 : i32
    %dma_start3A_50 = tpu.memref_slice %arg3[%add3A, %dma_start3A_34, %dma_start3A_48, %dma_start3A_49] : memref<32x84x2x128xi32, #tpu.memory_space<hbm>> -> memref<1x1x2x128xi32, #tpu.memory_space<hbm>>
    %dma_start3A_51 = tpu.memref_squeeze %dma_start3A_50 : memref<1x1x2x128xi32, #tpu.memory_space<hbm>> -> memref<2x128xi32, #tpu.memory_space<hbm>>
    tpu.enqueue_dma source(%dma_start3A_51 : memref<2x128xi32, #tpu.memory_space<hbm>>) target(%dma_start3A_47 : memref<2x128xi32, #tpu.memory_space<vmem>>) target_semaphore(%arg12 : memref<!tpu.dma_semaphore, #tpu.memory_space<semaphore_mem>>)
    %dma_start3A_52 = arith.constant 2 : i32
    %dma_start3A_53 = arith.constant 2 : i32
    %dma_start3A_54 = arith.constant 0 : i32
    %dma_start3A_55 = arith.constant 0 : i32
    %dma_start3A_56 = tpu.memref_slice %arg5[%dma_start3A_53, %dma_start3A_54, %dma_start3A_55] : memref<4x2x128xi32, #tpu.memory_space<vmem>> -> memref<1x2x128xi32, #tpu.memory_space<vmem>>
    %dma_start3A_57 = tpu.memref_squeeze %dma_start3A_56 : memref<1x2x128xi32, #tpu.memory_space<vmem>> -> memref<2x128xi32, #tpu.memory_space<vmem>>
    %dma_start3A_58 = arith.constant 0 : i32
    %dma_start3A_59 = arith.constant 0 : i32
    %dma_start3A_60 = tpu.memref_slice %arg3[%add3A, %dma_start3A_52, %dma_start3A_58, %dma_start3A_59] : memref<32x84x2x128xi32, #tpu.memory_space<hbm>> -> memref<1x1x2x128xi32, #tpu.memory_space<hbm>>
    %dma_start3A_61 = tpu.memref_squeeze %dma_start3A_60 : memref<1x1x2x128xi32, #tpu.memory_space<hbm>> -> memref<2x128xi32, #tpu.memory_space<hbm>>
    %dma_start3A_62 = arith.constant 0 : i32
    %dma_start3A_63 = arith.constant 0 : i32
    %dma_start3A_64 = tpu.memref_slice %arg5[%dma_start3A_53, %dma_start3A_62, %dma_start3A_63] : memref<4x2x128xi32, #tpu.memory_space<vmem>> -> memref<1x2x128xi32, #tpu.memory_space<vmem>>
    %dma_start3A_65 = tpu.memref_squeeze %dma_start3A_64 : memref<1x2x128xi32, #tpu.memory_space<vmem>> -> memref<2x128xi32, #tpu.memory_space<vmem>>
    %dma_start3A_66 = arith.constant 0 : i32
    %dma_start3A_67 = arith.constant 0 : i32
    %dma_start3A_68 = tpu.memref_slice %arg3[%add3A, %dma_start3A_52, %dma_start3A_66, %dma_start3A_67] : memref<32x84x2x128xi32, #tpu.memory_space<hbm>> -> memref<1x1x2x128xi32, #tpu.memory_space<hbm>>
    %dma_start3A_69 = tpu.memref_squeeze %dma_start3A_68 : memref<1x1x2x128xi32, #tpu.memory_space<hbm>> -> memref<2x128xi32, #tpu.memory_space<hbm>>
    tpu.enqueue_dma source(%dma_start3A_69 : memref<2x128xi32, #tpu.memory_space<hbm>>) target(%dma_start3A_65 : memref<2x128xi32, #tpu.memory_space<vmem>>) target_semaphore(%arg13 : memref<!tpu.dma_semaphore, #tpu.memory_space<semaphore_mem>>)
    %dma_start3A_70 = arith.constant 3 : i32
    %dma_start3A_71 = arith.constant 3 : i32
    %dma_start3A_72 = arith.constant 0 : i32
    %dma_start3A_73 = arith.constant 0 : i32
    %dma_start3A_74 = tpu.memref_slice %arg5[%dma_start3A_71, %dma_start3A_72, %dma_start3A_73] : memref<4x2x128xi32, #tpu.memory_space<vmem>> -> memref<1x2x128xi32, #tpu.memory_space<vmem>>
    %dma_start3A_75 = tpu.memref_squeeze %dma_start3A_74 : memref<1x2x128xi32, #tpu.memory_space<vmem>> -> memref<2x128xi32, #tpu.memory_space<vmem>>
    %dma_start3A_76 = arith.constant 0 : i32
    %dma_start3A_77 = arith.constant 0 : i32
    %dma_start3A_78 = tpu.memref_slice %arg3[%add3A, %dma_start3A_70, %dma_start3A_76, %dma_start3A_77] : memref<32x84x2x128xi32, #tpu.memory_space<hbm>> -> memref<1x1x2x128xi32, #tpu.memory_space<hbm>>
    %dma_start3A_79 = tpu.memref_squeeze %dma_start3A_78 : memref<1x1x2x128xi32, #tpu.memory_space<hbm>> -> memref<2x128xi32, #tpu.memory_space<hbm>>
    %dma_start3A_80 = arith.constant 0 : i32
    %dma_start3A_81 = arith.constant 0 : i32
    %dma_start3A_82 = tpu.memref_slice %arg5[%dma_start3A_71, %dma_start3A_80, %dma_start3A_81] : memref<4x2x128xi32, #tpu.memory_space<vmem>> -> memref<1x2x128xi32, #tpu.memory_space<vmem>>
    %dma_start3A_83 = tpu.memref_squeeze %dma_start3A_82 : memref<1x2x128xi32, #tpu.memory_space<vmem>> -> memref<2x128xi32, #tpu.memory_space<vmem>>
    %dma_start3A_84 = arith.constant 0 : i32
    %dma_start3A_85 = arith.constant 0 : i32
    %dma_start3A_86 = tpu.memref_slice %arg3[%add3A, %dma_start3A_70, %dma_start3A_84, %dma_start3A_85] : memref<32x84x2x128xi32, #tpu.memory_space<hbm>> -> memref<1x1x2x128xi32, #tpu.memory_space<hbm>>
    %dma_start3A_87 = tpu.memref_squeeze %dma_start3A_86 : memref<1x1x2x128xi32, #tpu.memory_space<hbm>> -> memref<2x128xi32, #tpu.memory_space<hbm>>
    tpu.enqueue_dma source(%dma_start3A_87 : memref<2x128xi32, #tpu.memory_space<hbm>>) target(%dma_start3A_83 : memref<2x128xi32, #tpu.memory_space<vmem>>) target_semaphore(%arg14 : memref<!tpu.dma_semaphore, #tpu.memory_space<semaphore_mem>>)
    %dma_wait3A = arith.constant 0 : i32
    %dma_wait3A_88 = arith.constant 0 : i32
    %dma_wait3A_89 = arith.constant 0 : i32
    %dma_wait3A_90 = arith.constant 0 : i32
    %dma_wait3A_91 = tpu.memref_slice %arg5[%dma_wait3A_88, %dma_wait3A_89, %dma_wait3A_90] : memref<4x2x128xi32, #tpu.memory_space<vmem>> -> memref<1x2x128xi32, #tpu.memory_space<vmem>>
    %dma_wait3A_92 = tpu.memref_squeeze %dma_wait3A_91 : memref<1x2x128xi32, #tpu.memory_space<vmem>> -> memref<2x128xi32, #tpu.memory_space<vmem>>
    %dma_wait3A_93 = arith.constant 0 : i32
    %dma_wait3A_94 = arith.constant 0 : i32
    %dma_wait3A_95 = tpu.memref_slice %arg3[%add3A, %dma_wait3A, %dma_wait3A_93, %dma_wait3A_94] : memref<32x84x2x128xi32, #tpu.memory_space<hbm>> -> memref<1x1x2x128xi32, #tpu.memory_space<hbm>>
    %dma_wait3A_96 = tpu.memref_squeeze %dma_wait3A_95 : memref<1x1x2x128xi32, #tpu.memory_space<hbm>> -> memref<2x128xi32, #tpu.memory_space<hbm>>
    %dma_wait3A_97 = arith.constant 0 : i32
    %dma_wait3A_98 = arith.constant 0 : i32
    %dma_wait3A_99 = tpu.memref_slice %arg5[%dma_wait3A_88, %dma_wait3A_97, %dma_wait3A_98] : memref<4x2x128xi32, #tpu.memory_space<vmem>> -> memref<1x2x128xi32, #tpu.memory_space<vmem>>
    %dma_wait3A_100 = tpu.memref_squeeze %dma_wait3A_99 : memref<1x2x128xi32, #tpu.memory_space<vmem>> -> memref<2x128xi32, #tpu.memory_space<vmem>>
    %dma_wait3A_101 = arith.constant 0 : i32
    %dma_wait3A_102 = arith.constant 0 : i32
    %dma_wait3A_103 = tpu.memref_slice %arg3[%add3A, %dma_wait3A, %dma_wait3A_101, %dma_wait3A_102] : memref<32x84x2x128xi32, #tpu.memory_space<hbm>> -> memref<1x1x2x128xi32, #tpu.memory_space<hbm>>
    %dma_wait3A_104 = tpu.memref_squeeze %dma_wait3A_103 : memref<1x1x2x128xi32, #tpu.memory_space<hbm>> -> memref<2x128xi32, #tpu.memory_space<hbm>>
    tpu.wait_dma2 semaphore(%arg11 : memref<!tpu.dma_semaphore, #tpu.memory_space<semaphore_mem>>) src(%dma_wait3A_104 : memref<2x128xi32, #tpu.memory_space<hbm>>) dst(%dma_wait3A_100 : memref<2x128xi32, #tpu.memory_space<vmem>>)
    %dma_start3A_105 = arith.constant 0 : i32
    %dma_start3A_106 = arith.constant 0 : i32
    %dma_start3A_107 = arith.constant 0 : i32
    %dma_start3A_108 = tpu.memref_slice %arg5[%dma_start3A_105, %dma_start3A_106, %dma_start3A_107] : memref<4x2x128xi32, #tpu.memory_space<vmem>> -> memref<1x1x128xi32, #tpu.memory_space<vmem>>
    %dma_start3A_109 = tpu.memref_squeeze %dma_start3A_108 : memref<1x1x128xi32, #tpu.memory_space<vmem>> -> memref<128xi32, #tpu.memory_space<vmem>>
    %dma_start3A_110 = arith.constant 0 : i32
    %dma_start3A_111 = arith.constant 0 : i32
    %dma_start3A_112 = tpu.memref_slice %arg2[%dma_start3A_110, %dma_start3A_111] : memref<10240x64xf32, #tpu.memory_space<hbm>> -> memref<10240x64xf32, #tpu.memory_space<hbm>>
    tpu.enqueue_indirect_dma source(%dma_start3A_112 : memref<10240x64xf32, #tpu.memory_space<hbm>>) target(%arg6 : memref<128x64xf32, #tpu.memory_space<vmem>>) offsets(%dma_start3A_109 : memref<128xi32, #tpu.memory_space<vmem>>) semaphore(%arg9 : memref<!tpu.dma_semaphore, #tpu.memory_space<semaphore_mem>>)
    %scan3A_113 = arith.constant 0 : i32
    %scan3A_114 = arith.constant 20 : i32
    %scan3A_115 = arith.addi %scan3A_113, %scan3A_114 : i32
    %scan3A_116 = arith.constant 1 : i32
    scf.for %scan3A_201 = %scan3A_113 to %scan3A_115 step %scan3A_116  : i32 {
      %mul3A_202 = arith.constant 4 : i32
      %mul3A_203 = arith.muli %scan3A_201, %mul3A_202 : i32
      %add3A_204 = arith.constant 0 : i32
      %add3A_205 = arith.addi %mul3A_203, %add3A_204 : i32
      %add3A_206 = arith.constant 1 : i32
      %add3A_207 = arith.addi %add3A_205, %add3A_206 : i32
      %dma_wait3A_208 = arith.constant 1 : i32
      %dma_wait3A_209 = arith.constant 0 : i32
      %dma_wait3A_210 = arith.constant 0 : i32
      %dma_wait3A_211 = tpu.memref_slice %arg5[%dma_wait3A_208, %dma_wait3A_209, %dma_wait3A_210] : memref<4x2x128xi32, #tpu.memory_space<vmem>> -> memref<1x2x128xi32, #tpu.memory_space<vmem>>
      %dma_wait3A_212 = tpu.memref_squeeze %dma_wait3A_211 : memref<1x2x128xi32, #tpu.memory_space<vmem>> -> memref<2x128xi32, #tpu.memory_space<vmem>>
      %dma_wait3A_213 = arith.constant 0 : i32
      %dma_wait3A_214 = arith.constant 0 : i32
      %dma_wait3A_215 = tpu.memref_slice %arg3[%add3A, %add3A_207, %dma_wait3A_213, %dma_wait3A_214] : memref<32x84x2x128xi32, #tpu.memory_space<hbm>> -> memref<1x1x2x128xi32, #tpu.memory_space<hbm>>
      %dma_wait3A_216 = tpu.memref_squeeze %dma_wait3A_215 : memref<1x1x2x128xi32, #tpu.memory_space<hbm>> -> memref<2x128xi32, #tpu.memory_space<hbm>>
      %dma_wait3A_217 = arith.constant 0 : i32
      %dma_wait3A_218 = arith.constant 0 : i32
      %dma_wait3A_219 = tpu.memref_slice %arg5[%dma_wait3A_208, %dma_wait3A_217, %dma_wait3A_218] : memref<4x2x128xi32, #tpu.memory_space<vmem>> -> memref<1x2x128xi32, #tpu.memory_space<vmem>>
      %dma_wait3A_220 = tpu.memref_squeeze %dma_wait3A_219 : memref<1x2x128xi32, #tpu.memory_space<vmem>> -> memref<2x128xi32, #tpu.memory_space<vmem>>
      %dma_wait3A_221 = arith.constant 0 : i32
      %dma_wait3A_222 = arith.constant 0 : i32
      %dma_wait3A_223 = tpu.memref_slice %arg3[%add3A, %add3A_207, %dma_wait3A_221, %dma_wait3A_222] : memref<32x84x2x128xi32, #tpu.memory_space<hbm>> -> memref<1x1x2x128xi32, #tpu.memory_space<hbm>>
      %dma_wait3A_224 = tpu.memref_squeeze %dma_wait3A_223 : memref<1x1x2x128xi32, #tpu.memory_space<hbm>> -> memref<2x128xi32, #tpu.memory_space<hbm>>
      tpu.wait_dma2 semaphore(%arg12 : memref<!tpu.dma_semaphore, #tpu.memory_space<semaphore_mem>>) src(%dma_wait3A_224 : memref<2x128xi32, #tpu.memory_space<hbm>>) dst(%dma_wait3A_220 : memref<2x128xi32, #tpu.memory_space<vmem>>)
      %dma_start3A_225 = arith.constant 1 : i32
      %dma_start3A_226 = arith.constant 0 : i32
      %dma_start3A_227 = arith.constant 0 : i32
      %dma_start3A_228 = tpu.memref_slice %arg5[%dma_start3A_225, %dma_start3A_226, %dma_start3A_227] : memref<4x2x128xi32, #tpu.memory_space<vmem>> -> memref<1x1x128xi32, #tpu.memory_space<vmem>>
      %dma_start3A_229 = tpu.memref_squeeze %dma_start3A_228 : memref<1x1x128xi32, #tpu.memory_space<vmem>> -> memref<128xi32, #tpu.memory_space<vmem>>
      %dma_start3A_230 = arith.constant 0 : i32
      %dma_start3A_231 = arith.constant 0 : i32
      %dma_start3A_232 = tpu.memref_slice %arg2[%dma_start3A_230, %dma_start3A_231] : memref<10240x64xf32, #tpu.memory_space<hbm>> -> memref<10240x64xf32, #tpu.memory_space<hbm>>
      tpu.enqueue_indirect_dma source(%dma_start3A_232 : memref<10240x64xf32, #tpu.memory_space<hbm>>) target(%arg7 : memref<128x64xf32, #tpu.memory_space<vmem>>) offsets(%dma_start3A_229 : memref<128xi32, #tpu.memory_space<vmem>>) semaphore(%arg10 : memref<!tpu.dma_semaphore, #tpu.memory_space<semaphore_mem>>)
      %dma_wait3A_233 = arith.constant 0 : i32
      %dma_wait3A_234 = arith.constant 0 : i32
      %dma_wait3A_235 = arith.constant 0 : i32
      %dma_wait3A_236 = tpu.memref_slice %arg5[%dma_wait3A_233, %dma_wait3A_234, %dma_wait3A_235] : memref<4x2x128xi32, #tpu.memory_space<vmem>> -> memref<1x1x128xi32, #tpu.memory_space<vmem>>
      %dma_wait3A_237 = tpu.memref_squeeze %dma_wait3A_236 : memref<1x1x128xi32, #tpu.memory_space<vmem>> -> memref<128xi32, #tpu.memory_space<vmem>>
      %dma_wait3A_238 = arith.constant 0 : i32
      %dma_wait3A_239 = arith.constant 0 : i32
      %dma_wait3A_240 = tpu.memref_slice %arg2[%dma_wait3A_238, %dma_wait3A_239] : memref<10240x64xf32, #tpu.memory_space<hbm>> -> memref<10240x64xf32, #tpu.memory_space<hbm>>
      tpu.wait_indirect_dma semaphore(%arg9 : memref<!tpu.dma_semaphore, #tpu.memory_space<semaphore_mem>>) src(%dma_wait3A_240 : memref<10240x64xf32, #tpu.memory_space<hbm>>) dst(%arg6 : memref<128x64xf32, #tpu.memory_space<vmem>>)
      %run_scoped3A = arith.constant 0 : i32
      %run_scoped3A_241 = arith.constant 1 : i32
      "tpu.region"() ({
        %run_scoped3A_441 = tpu.sem_alloc : memref<!tpu.dma_semaphore, #tpu.memory_space<semaphore_mem>>
        %dma_start3A_442 = arith.constant 0 : i32
        %dma_start3A_443 = tpu.memref_slice %arg5[%run_scoped3A, %run_scoped3A_241, %dma_start3A_442] : memref<4x2x128xi32, #tpu.memory_space<vmem>> -> memref<1x1x128xi32, #tpu.memory_space<vmem>>
        %dma_start3A_444 = tpu.memref_squeeze %dma_start3A_443 : memref<1x1x128xi32, #tpu.memory_space<vmem>> -> memref<128xi32, #tpu.memory_space<vmem>>
        %dma_start3A_445 = arith.constant 0 : i32
        %dma_start3A_446 = arith.constant 0 : i32
        %dma_start3A_447 = tpu.memref_slice %arg8[%dma_start3A_445, %dma_start3A_446] : memref<10240x64xf32, #tpu.memory_space<vmem_shared>> -> memref<10240x64xf32, #tpu.memory_space<vmem_shared>>
        tpu.enqueue_indirect_dma source(%arg6 : memref<128x64xf32, #tpu.memory_space<vmem>>) target(%dma_start3A_447 : memref<10240x64xf32, #tpu.memory_space<vmem_shared>>) offsets(%dma_start3A_444 : memref<128xi32, #tpu.memory_space<vmem>>) semaphore(%run_scoped3A_441 : memref<!tpu.dma_semaphore, #tpu.memory_space<semaphore_mem>>) {add = true}
        %dma_wait3A_448 = arith.constant 0 : i32
        %dma_wait3A_449 = tpu.memref_slice %arg5[%run_scoped3A, %run_scoped3A_241, %dma_wait3A_448] : memref<4x2x128xi32, #tpu.memory_space<vmem>> -> memref<1x1x128xi32, #tpu.memory_space<vmem>>
        %dma_wait3A_450 = tpu.memref_squeeze %dma_wait3A_449 : memref<1x1x128xi32, #tpu.memory_space<vmem>> -> memref<128xi32, #tpu.memory_space<vmem>>
        %dma_wait3A_451 = arith.constant 0 : i32
        %dma_wait3A_452 = arith.constant 0 : i32
        %dma_wait3A_453 = tpu.memref_slice %arg8[%dma_wait3A_451, %dma_wait3A_452] : memref<10240x64xf32, #tpu.memory_space<vmem_shared>> -> memref<10240x64xf32, #tpu.memory_space<vmem_shared>>
        tpu.wait_indirect_dma semaphore(%run_scoped3A_441 : memref<!tpu.dma_semaphore, #tpu.memory_space<semaphore_mem>>) src(%arg6 : memref<128x64xf32, #tpu.memory_space<vmem>>) dst(%dma_wait3A_453 : memref<10240x64xf32, #tpu.memory_space<vmem_shared>>)
        tpu.yield
      }) : () -> ()
      %add3A_242 = arith.constant 4 : i32
      %add3A_243 = arith.addi %add3A_205, %add3A_242 : i32
      %dma_start3A_244 = arith.constant 0 : i32
      %dma_start3A_245 = arith.constant 0 : i32
      %dma_start3A_246 = arith.constant 0 : i32
      %dma_start3A_247 = tpu.memref_slice %arg5[%dma_start3A_244, %dma_start3A_245, %dma_start3A_246] : memref<4x2x128xi32, #tpu.memory_space<vmem>> -> memref<1x2x128xi32, #tpu.memory_space<vmem>>
      %dma_start3A_248 = tpu.memref_squeeze %dma_start3A_247 : memref<1x2x128xi32, #tpu.memory_space<vmem>> -> memref<2x128xi32, #tpu.memory_space<vmem>>
      %dma_start3A_249 = arith.constant 0 : i32
      %dma_start3A_250 = arith.constant 0 : i32
      %dma_start3A_251 = tpu.memref_slice %arg3[%add3A, %add3A_243, %dma_start3A_249, %dma_start3A_250] : memref<32x84x2x128xi32, #tpu.memory_space<hbm>> -> memref<1x1x2x128xi32, #tpu.memory_space<hbm>>
      %dma_start3A_252 = tpu.memref_squeeze %dma_start3A_251 : memref<1x1x2x128xi32, #tpu.memory_space<hbm>> -> memref<2x128xi32, #tpu.memory_space<hbm>>
      %dma_start3A_253 = arith.constant 0 : i32
      %dma_start3A_254 = arith.constant 0 : i32
      %dma_start3A_255 = tpu.memref_slice %arg5[%dma_start3A_244, %dma_start3A_253, %dma_start3A_254] : memref<4x2x128xi32, #tpu.memory_space<vmem>> -> memref<1x2x128xi32, #tpu.memory_space<vmem>>
      %dma_start3A_256 = tpu.memref_squeeze %dma_start3A_255 : memref<1x2x128xi32, #tpu.memory_space<vmem>> -> memref<2x128xi32, #tpu.memory_space<vmem>>
      %dma_start3A_257 = arith.constant 0 : i32
      %dma_start3A_258 = arith.constant 0 : i32
      %dma_start3A_259 = tpu.memref_slice %arg3[%add3A, %add3A_243, %dma_start3A_257, %dma_start3A_258] : memref<32x84x2x128xi32, #tpu.memory_space<hbm>> -> memref<1x1x2x128xi32, #tpu.memory_space<hbm>>
      %dma_start3A_260 = tpu.memref_squeeze %dma_start3A_259 : memref<1x1x2x128xi32, #tpu.memory_space<hbm>> -> memref<2x128xi32, #tpu.memory_space<hbm>>
      tpu.enqueue_dma source(%dma_start3A_260 : memref<2x128xi32, #tpu.memory_space<hbm>>) target(%dma_start3A_256 : memref<2x128xi32, #tpu.memory_space<vmem>>) target_semaphore(%arg11 : memref<!tpu.dma_semaphore, #tpu.memory_space<semaphore_mem>>)
      %mul3A_261 = arith.constant 4 : i32
      %mul3A_262 = arith.muli %scan3A_201, %mul3A_261 : i32
      %add3A_263 = arith.constant 1 : i32
      %add3A_264 = arith.addi %mul3A_262, %add3A_263 : i32
      %add3A_265 = arith.constant 1 : i32
      %add3A_266 = arith.addi %add3A_264, %add3A_265 : i32
      %dma_wait3A_267 = arith.constant 2 : i32
      %dma_wait3A_268 = arith.constant 0 : i32
      %dma_wait3A_269 = arith.constant 0 : i32
      %dma_wait3A_270 = tpu.memref_slice %arg5[%dma_wait3A_267, %dma_wait3A_268, %dma_wait3A_269] : memref<4x2x128xi32, #tpu.memory_space<vmem>> -> memref<1x2x128xi32, #tpu.memory_space<vmem>>
      %dma_wait3A_271 = tpu.memref_squeeze %dma_wait3A_270 : memref<1x2x128xi32, #tpu.memory_space<vmem>> -> memref<2x128xi32, #tpu.memory_space<vmem>>
      %dma_wait3A_272 = arith.constant 0 : i32
      %dma_wait3A_273 = arith.constant 0 : i32
      %dma_wait3A_274 = tpu.memref_slice %arg3[%add3A, %add3A_266, %dma_wait3A_272, %dma_wait3A_273] : memref<32x84x2x128xi32, #tpu.memory_space<hbm>> -> memref<1x1x2x128xi32, #tpu.memory_space<hbm>>
      %dma_wait3A_275 = tpu.memref_squeeze %dma_wait3A_274 : memref<1x1x2x128xi32, #tpu.memory_space<hbm>> -> memref<2x128xi32, #tpu.memory_space<hbm>>
      %dma_wait3A_276 = arith.constant 0 : i32
      %dma_wait3A_277 = arith.constant 0 : i32
      %dma_wait3A_278 = tpu.memref_slice %arg5[%dma_wait3A_267, %dma_wait3A_276, %dma_wait3A_277] : memref<4x2x128xi32, #tpu.memory_space<vmem>> -> memref<1x2x128xi32, #tpu.memory_space<vmem>>
      %dma_wait3A_279 = tpu.memref_squeeze %dma_wait3A_278 : memref<1x2x128xi32, #tpu.memory_space<vmem>> -> memref<2x128xi32, #tpu.memory_space<vmem>>
      %dma_wait3A_280 = arith.constant 0 : i32
      %dma_wait3A_281 = arith.constant 0 : i32
      %dma_wait3A_282 = tpu.memref_slice %arg3[%add3A, %add3A_266, %dma_wait3A_280, %dma_wait3A_281] : memref<32x84x2x128xi32, #tpu.memory_space<hbm>> -> memref<1x1x2x128xi32, #tpu.memory_space<hbm>>
      %dma_wait3A_283 = tpu.memref_squeeze %dma_wait3A_282 : memref<1x1x2x128xi32, #tpu.memory_space<hbm>> -> memref<2x128xi32, #tpu.memory_space<hbm>>
      tpu.wait_dma2 semaphore(%arg13 : memref<!tpu.dma_semaphore, #tpu.memory_space<semaphore_mem>>) src(%dma_wait3A_283 : memref<2x128xi32, #tpu.memory_space<hbm>>) dst(%dma_wait3A_279 : memref<2x128xi32, #tpu.memory_space<vmem>>)
      %dma_start3A_284 = arith.constant 2 : i32
      %dma_start3A_285 = arith.constant 0 : i32
      %dma_start3A_286 = arith.constant 0 : i32
      %dma_start3A_287 = tpu.memref_slice %arg5[%dma_start3A_284, %dma_start3A_285, %dma_start3A_286] : memref<4x2x128xi32, #tpu.memory_space<vmem>> -> memref<1x1x128xi32, #tpu.memory_space<vmem>>
      %dma_start3A_288 = tpu.memref_squeeze %dma_start3A_287 : memref<1x1x128xi32, #tpu.memory_space<vmem>> -> memref<128xi32, #tpu.memory_space<vmem>>
      %dma_start3A_289 = arith.constant 0 : i32
      %dma_start3A_290 = arith.constant 0 : i32
      %dma_start3A_291 = tpu.memref_slice %arg2[%dma_start3A_289, %dma_start3A_290] : memref<10240x64xf32, #tpu.memory_space<hbm>> -> memref<10240x64xf32, #tpu.memory_space<hbm>>
      tpu.enqueue_indirect_dma source(%dma_start3A_291 : memref<10240x64xf32, #tpu.memory_space<hbm>>) target(%arg6 : memref<128x64xf32, #tpu.memory_space<vmem>>) offsets(%dma_start3A_288 : memref<128xi32, #tpu.memory_space<vmem>>) semaphore(%arg9 : memref<!tpu.dma_semaphore, #tpu.memory_space<semaphore_mem>>)
      %dma_wait3A_292 = arith.constant 1 : i32
      %dma_wait3A_293 = arith.constant 0 : i32
      %dma_wait3A_294 = arith.constant 0 : i32
      %dma_wait3A_295 = tpu.memref_slice %arg5[%dma_wait3A_292, %dma_wait3A_293, %dma_wait3A_294] : memref<4x2x128xi32, #tpu.memory_space<vmem>> -> memref<1x1x128xi32, #tpu.memory_space<vmem>>
      %dma_wait3A_296 = tpu.memref_squeeze %dma_wait3A_295 : memref<1x1x128xi32, #tpu.memory_space<vmem>> -> memref<128xi32, #tpu.memory_space<vmem>>
      %dma_wait3A_297 = arith.constant 0 : i32
      %dma_wait3A_298 = arith.constant 0 : i32
      %dma_wait3A_299 = tpu.memref_slice %arg2[%dma_wait3A_297, %dma_wait3A_298] : memref<10240x64xf32, #tpu.memory_space<hbm>> -> memref<10240x64xf32, #tpu.memory_space<hbm>>
      tpu.wait_indirect_dma semaphore(%arg10 : memref<!tpu.dma_semaphore, #tpu.memory_space<semaphore_mem>>) src(%dma_wait3A_299 : memref<10240x64xf32, #tpu.memory_space<hbm>>) dst(%arg7 : memref<128x64xf32, #tpu.memory_space<vmem>>)
      %run_scoped3A_300 = arith.constant 1 : i32
      %run_scoped3A_301 = arith.constant 1 : i32
      "tpu.region"() ({
        %run_scoped3A_441 = tpu.sem_alloc : memref<!tpu.dma_semaphore, #tpu.memory_space<semaphore_mem>>
        %dma_start3A_442 = arith.constant 0 : i32
        %dma_start3A_443 = tpu.memref_slice %arg5[%run_scoped3A_300, %run_scoped3A_301, %dma_start3A_442] : memref<4x2x128xi32, #tpu.memory_space<vmem>> -> memref<1x1x128xi32, #tpu.memory_space<vmem>>
        %dma_start3A_444 = tpu.memref_squeeze %dma_start3A_443 : memref<1x1x128xi32, #tpu.memory_space<vmem>> -> memref<128xi32, #tpu.memory_space<vmem>>
        %dma_start3A_445 = arith.constant 0 : i32
        %dma_start3A_446 = arith.constant 0 : i32
        %dma_start3A_447 = tpu.memref_slice %arg8[%dma_start3A_445, %dma_start3A_446] : memref<10240x64xf32, #tpu.memory_space<vmem_shared>> -> memref<10240x64xf32, #tpu.memory_space<vmem_shared>>
        tpu.enqueue_indirect_dma source(%arg7 : memref<128x64xf32, #tpu.memory_space<vmem>>) target(%dma_start3A_447 : memref<10240x64xf32, #tpu.memory_space<vmem_shared>>) offsets(%dma_start3A_444 : memref<128xi32, #tpu.memory_space<vmem>>) semaphore(%run_scoped3A_441 : memref<!tpu.dma_semaphore, #tpu.memory_space<semaphore_mem>>) {add = true}
        %dma_wait3A_448 = arith.constant 0 : i32
        %dma_wait3A_449 = tpu.memref_slice %arg5[%run_scoped3A_300, %run_scoped3A_301, %dma_wait3A_448] : memref<4x2x128xi32, #tpu.memory_space<vmem>> -> memref<1x1x128xi32, #tpu.memory_space<vmem>>
        %dma_wait3A_450 = tpu.memref_squeeze %dma_wait3A_449 : memref<1x1x128xi32, #tpu.memory_space<vmem>> -> memref<128xi32, #tpu.memory_space<vmem>>
        %dma_wait3A_451 = arith.constant 0 : i32
        %dma_wait3A_452 = arith.constant 0 : i32
        %dma_wait3A_453 = tpu.memref_slice %arg8[%dma_wait3A_451, %dma_wait3A_452] : memref<10240x64xf32, #tpu.memory_space<vmem_shared>> -> memref<10240x64xf32, #tpu.memory_space<vmem_shared>>
        tpu.wait_indirect_dma semaphore(%run_scoped3A_441 : memref<!tpu.dma_semaphore, #tpu.memory_space<semaphore_mem>>) src(%arg7 : memref<128x64xf32, #tpu.memory_space<vmem>>) dst(%dma_wait3A_453 : memref<10240x64xf32, #tpu.memory_space<vmem_shared>>)
        tpu.yield
      }) : () -> ()
      %add3A_302 = arith.constant 4 : i32
      %add3A_303 = arith.addi %add3A_264, %add3A_302 : i32
      %dma_start3A_304 = arith.constant 1 : i32
      %dma_start3A_305 = arith.constant 0 : i32
      %dma_start3A_306 = arith.constant 0 : i32
      %dma_start3A_307 = tpu.memref_slice %arg5[%dma_start3A_304, %dma_start3A_305, %dma_start3A_306] : memref<4x2x128xi32, #tpu.memory_space<vmem>> -> memref<1x2x128xi32, #tpu.memory_space<vmem>>
      %dma_start3A_308 = tpu.memref_squeeze %dma_start3A_307 : memref<1x2x128xi32, #tpu.memory_space<vmem>> -> memref<2x128xi32, #tpu.memory_space<vmem>>
      %dma_start3A_309 = arith.constant 0 : i32
      %dma_start3A_310 = arith.constant 0 : i32
      %dma_start3A_311 = tpu.memref_slice %arg3[%add3A, %add3A_303, %dma_start3A_309, %dma_start3A_310] : memref<32x84x2x128xi32, #tpu.memory_space<hbm>> -> memref<1x1x2x128xi32, #tpu.memory_space<hbm>>
      %dma_start3A_312 = tpu.memref_squeeze %dma_start3A_311 : memref<1x1x2x128xi32, #tpu.memory_space<hbm>> -> memref<2x128xi32, #tpu.memory_space<hbm>>
      %dma_start3A_313 = arith.constant 0 : i32
      %dma_start3A_314 = arith.constant 0 : i32
      %dma_start3A_315 = tpu.memref_slice %arg5[%dma_start3A_304, %dma_start3A_313, %dma_start3A_314] : memref<4x2x128xi32, #tpu.memory_space<vmem>> -> memref<1x2x128xi32, #tpu.memory_space<vmem>>
      %dma_start3A_316 = tpu.memref_squeeze %dma_start3A_315 : memref<1x2x128xi32, #tpu.memory_space<vmem>> -> memref<2x128xi32, #tpu.memory_space<vmem>>
      %dma_start3A_317 = arith.constant 0 : i32
      %dma_start3A_318 = arith.constant 0 : i32
      %dma_start3A_319 = tpu.memref_slice %arg3[%add3A, %add3A_303, %dma_start3A_317, %dma_start3A_318] : memref<32x84x2x128xi32, #tpu.memory_space<hbm>> -> memref<1x1x2x128xi32, #tpu.memory_space<hbm>>
      %dma_start3A_320 = tpu.memref_squeeze %dma_start3A_319 : memref<1x1x2x128xi32, #tpu.memory_space<hbm>> -> memref<2x128xi32, #tpu.memory_space<hbm>>
      tpu.enqueue_dma source(%dma_start3A_320 : memref<2x128xi32, #tpu.memory_space<hbm>>) target(%dma_start3A_316 : memref<2x128xi32, #tpu.memory_space<vmem>>) target_semaphore(%arg12 : memref<!tpu.dma_semaphore, #tpu.memory_space<semaphore_mem>>)
      %mul3A_321 = arith.constant 4 : i32
      %mul3A_322 = arith.muli %scan3A_201, %mul3A_321 : i32
      %add3A_323 = arith.constant 2 : i32
      %add3A_324 = arith.addi %mul3A_322, %add3A_323 : i32
      %add3A_325 = arith.constant 1 : i32
      %add3A_326 = arith.addi %add3A_324, %add3A_325 : i32
      %dma_wait3A_327 = arith.constant 3 : i32
      %dma_wait3A_328 = arith.constant 0 : i32
      %dma_wait3A_329 = arith.constant 0 : i32
      %dma_wait3A_330 = tpu.memref_slice %arg5[%dma_wait3A_327, %dma_wait3A_328, %dma_wait3A_329] : memref<4x2x128xi32, #tpu.memory_space<vmem>> -> memref<1x2x128xi32, #tpu.memory_space<vmem>>
      %dma_wait3A_331 = tpu.memref_squeeze %dma_wait3A_330 : memref<1x2x128xi32, #tpu.memory_space<vmem>> -> memref<2x128xi32, #tpu.memory_space<vmem>>
      %dma_wait3A_332 = arith.constant 0 : i32
      %dma_wait3A_333 = arith.constant 0 : i32
      %dma_wait3A_334 = tpu.memref_slice %arg3[%add3A, %add3A_326, %dma_wait3A_332, %dma_wait3A_333] : memref<32x84x2x128xi32, #tpu.memory_space<hbm>> -> memref<1x1x2x128xi32, #tpu.memory_space<hbm>>
      %dma_wait3A_335 = tpu.memref_squeeze %dma_wait3A_334 : memref<1x1x2x128xi32, #tpu.memory_space<hbm>> -> memref<2x128xi32, #tpu.memory_space<hbm>>
      %dma_wait3A_336 = arith.constant 0 : i32
      %dma_wait3A_337 = arith.constant 0 : i32
      %dma_wait3A_338 = tpu.memref_slice %arg5[%dma_wait3A_327, %dma_wait3A_336, %dma_wait3A_337] : memref<4x2x128xi32, #tpu.memory_space<vmem>> -> memref<1x2x128xi32, #tpu.memory_space<vmem>>
      %dma_wait3A_339 = tpu.memref_squeeze %dma_wait3A_338 : memref<1x2x128xi32, #tpu.memory_space<vmem>> -> memref<2x128xi32, #tpu.memory_space<vmem>>
      %dma_wait3A_340 = arith.constant 0 : i32
      %dma_wait3A_341 = arith.constant 0 : i32
      %dma_wait3A_342 = tpu.memref_slice %arg3[%add3A, %add3A_326, %dma_wait3A_340, %dma_wait3A_341] : memref<32x84x2x128xi32, #tpu.memory_space<hbm>> -> memref<1x1x2x128xi32, #tpu.memory_space<hbm>>
      %dma_wait3A_343 = tpu.memref_squeeze %dma_wait3A_342 : memref<1x1x2x128xi32, #tpu.memory_space<hbm>> -> memref<2x128xi32, #tpu.memory_space<hbm>>
      tpu.wait_dma2 semaphore(%arg14 : memref<!tpu.dma_semaphore, #tpu.memory_space<semaphore_mem>>) src(%dma_wait3A_343 : memref<2x128xi32, #tpu.memory_space<hbm>>) dst(%dma_wait3A_339 : memref<2x128xi32, #tpu.memory_space<vmem>>)
      %dma_start3A_344 = arith.constant 3 : i32
      %dma_start3A_345 = arith.constant 0 : i32
      %dma_start3A_346 = arith.constant 0 : i32
      %dma_start3A_347 = tpu.memref_slice %arg5[%dma_start3A_344, %dma_start3A_345, %dma_start3A_346] : memref<4x2x128xi32, #tpu.memory_space<vmem>> -> memref<1x1x128xi32, #tpu.memory_space<vmem>>
      %dma_start3A_348 = tpu.memref_squeeze %dma_start3A_347 : memref<1x1x128xi32, #tpu.memory_space<vmem>> -> memref<128xi32, #tpu.memory_space<vmem>>
      %dma_start3A_349 = arith.constant 0 : i32
      %dma_start3A_350 = arith.constant 0 : i32
      %dma_start3A_351 = tpu.memref_slice %arg2[%dma_start3A_349, %dma_start3A_350] : memref<10240x64xf32, #tpu.memory_space<hbm>> -> memref<10240x64xf32, #tpu.memory_space<hbm>>
      tpu.enqueue_indirect_dma source(%dma_start3A_351 : memref<10240x64xf32, #tpu.memory_space<hbm>>) target(%arg7 : memref<128x64xf32, #tpu.memory_space<vmem>>) offsets(%dma_start3A_348 : memref<128xi32, #tpu.memory_space<vmem>>) semaphore(%arg10 : memref<!tpu.dma_semaphore, #tpu.memory_space<semaphore_mem>>)
      %dma_wait3A_352 = arith.constant 2 : i32
      %dma_wait3A_353 = arith.constant 0 : i32
      %dma_wait3A_354 = arith.constant 0 : i32
      %dma_wait3A_355 = tpu.memref_slice %arg5[%dma_wait3A_352, %dma_wait3A_353, %dma_wait3A_354] : memref<4x2x128xi32, #tpu.memory_space<vmem>> -> memref<1x1x128xi32, #tpu.memory_space<vmem>>
      %dma_wait3A_356 = tpu.memref_squeeze %dma_wait3A_355 : memref<1x1x128xi32, #tpu.memory_space<vmem>> -> memref<128xi32, #tpu.memory_space<vmem>>
      %dma_wait3A_357 = arith.constant 0 : i32
      %dma_wait3A_358 = arith.constant 0 : i32
      %dma_wait3A_359 = tpu.memref_slice %arg2[%dma_wait3A_357, %dma_wait3A_358] : memref<10240x64xf32, #tpu.memory_space<hbm>> -> memref<10240x64xf32, #tpu.memory_space<hbm>>
      tpu.wait_indirect_dma semaphore(%arg9 : memref<!tpu.dma_semaphore, #tpu.memory_space<semaphore_mem>>) src(%dma_wait3A_359 : memref<10240x64xf32, #tpu.memory_space<hbm>>) dst(%arg6 : memref<128x64xf32, #tpu.memory_space<vmem>>)
      %run_scoped3A_360 = arith.constant 2 : i32
      %run_scoped3A_361 = arith.constant 1 : i32
      "tpu.region"() ({
        %run_scoped3A_441 = tpu.sem_alloc : memref<!tpu.dma_semaphore, #tpu.memory_space<semaphore_mem>>
        %dma_start3A_442 = arith.constant 0 : i32
        %dma_start3A_443 = tpu.memref_slice %arg5[%run_scoped3A_360, %run_scoped3A_361, %dma_start3A_442] : memref<4x2x128xi32, #tpu.memory_space<vmem>> -> memref<1x1x128xi32, #tpu.memory_space<vmem>>
        %dma_start3A_444 = tpu.memref_squeeze %dma_start3A_443 : memref<1x1x128xi32, #tpu.memory_space<vmem>> -> memref<128xi32, #tpu.memory_space<vmem>>
        %dma_start3A_445 = arith.constant 0 : i32
        %dma_start3A_446 = arith.constant 0 : i32
        %dma_start3A_447 = tpu.memref_slice %arg8[%dma_start3A_445, %dma_start3A_446] : memref<10240x64xf32, #tpu.memory_space<vmem_shared>> -> memref<10240x64xf32, #tpu.memory_space<vmem_shared>>
        tpu.enqueue_indirect_dma source(%arg6 : memref<128x64xf32, #tpu.memory_space<vmem>>) target(%dma_start3A_447 : memref<10240x64xf32, #tpu.memory_space<vmem_shared>>) offsets(%dma_start3A_444 : memref<128xi32, #tpu.memory_space<vmem>>) semaphore(%run_scoped3A_441 : memref<!tpu.dma_semaphore, #tpu.memory_space<semaphore_mem>>) {add = true}
        %dma_wait3A_448 = arith.constant 0 : i32
        %dma_wait3A_449 = tpu.memref_slice %arg5[%run_scoped3A_360, %run_scoped3A_361, %dma_wait3A_448] : memref<4x2x128xi32, #tpu.memory_space<vmem>> -> memref<1x1x128xi32, #tpu.memory_space<vmem>>
        %dma_wait3A_450 = tpu.memref_squeeze %dma_wait3A_449 : memref<1x1x128xi32, #tpu.memory_space<vmem>> -> memref<128xi32, #tpu.memory_space<vmem>>
        %dma_wait3A_451 = arith.constant 0 : i32
        %dma_wait3A_452 = arith.constant 0 : i32
        %dma_wait3A_453 = tpu.memref_slice %arg8[%dma_wait3A_451, %dma_wait3A_452] : memref<10240x64xf32, #tpu.memory_space<vmem_shared>> -> memref<10240x64xf32, #tpu.memory_space<vmem_shared>>
        tpu.wait_indirect_dma semaphore(%run_scoped3A_441 : memref<!tpu.dma_semaphore, #tpu.memory_space<semaphore_mem>>) src(%arg6 : memref<128x64xf32, #tpu.memory_space<vmem>>) dst(%dma_wait3A_453 : memref<10240x64xf32, #tpu.memory_space<vmem_shared>>)
        tpu.yield
      }) : () -> ()
      %add3A_362 = arith.constant 4 : i32
      %add3A_363 = arith.addi %add3A_324, %add3A_362 : i32
      %dma_start3A_364 = arith.constant 2 : i32
      %dma_start3A_365 = arith.constant 0 : i32
      %dma_start3A_366 = arith.constant 0 : i32
      %dma_start3A_367 = tpu.memref_slice %arg5[%dma_start3A_364, %dma_start3A_365, %dma_start3A_366] : memref<4x2x128xi32, #tpu.memory_space<vmem>> -> memref<1x2x128xi32, #tpu.memory_space<vmem>>
      %dma_start3A_368 = tpu.memref_squeeze %dma_start3A_367 : memref<1x2x128xi32, #tpu.memory_space<vmem>> -> memref<2x128xi32, #tpu.memory_space<vmem>>
      %dma_start3A_369 = arith.constant 0 : i32
      %dma_start3A_370 = arith.constant 0 : i32
      %dma_start3A_371 = tpu.memref_slice %arg3[%add3A, %add3A_363, %dma_start3A_369, %dma_start3A_370] : memref<32x84x2x128xi32, #tpu.memory_space<hbm>> -> memref<1x1x2x128xi32, #tpu.memory_space<hbm>>
      %dma_start3A_372 = tpu.memref_squeeze %dma_start3A_371 : memref<1x1x2x128xi32, #tpu.memory_space<hbm>> -> memref<2x128xi32, #tpu.memory_space<hbm>>
      %dma_start3A_373 = arith.constant 0 : i32
      %dma_start3A_374 = arith.constant 0 : i32
      %dma_start3A_375 = tpu.memref_slice %arg5[%dma_start3A_364, %dma_start3A_373, %dma_start3A_374] : memref<4x2x128xi32, #tpu.memory_space<vmem>> -> memref<1x2x128xi32, #tpu.memory_space<vmem>>
      %dma_start3A_376 = tpu.memref_squeeze %dma_start3A_375 : memref<1x2x128xi32, #tpu.memory_space<vmem>> -> memref<2x128xi32, #tpu.memory_space<vmem>>
      %dma_start3A_377 = arith.constant 0 : i32
      %dma_start3A_378 = arith.constant 0 : i32
      %dma_start3A_379 = tpu.memref_slice %arg3[%add3A, %add3A_363, %dma_start3A_377, %dma_start3A_378] : memref<32x84x2x128xi32, #tpu.memory_space<hbm>> -> memref<1x1x2x128xi32, #tpu.memory_space<hbm>>
      %dma_start3A_380 = tpu.memref_squeeze %dma_start3A_379 : memref<1x1x2x128xi32, #tpu.memory_space<hbm>> -> memref<2x128xi32, #tpu.memory_space<hbm>>
      tpu.enqueue_dma source(%dma_start3A_380 : memref<2x128xi32, #tpu.memory_space<hbm>>) target(%dma_start3A_376 : memref<2x128xi32, #tpu.memory_space<vmem>>) target_semaphore(%arg13 : memref<!tpu.dma_semaphore, #tpu.memory_space<semaphore_mem>>)
      %mul3A_381 = arith.constant 4 : i32
      %mul3A_382 = arith.muli %scan3A_201, %mul3A_381 : i32
      %add3A_383 = arith.constant 3 : i32
      %add3A_384 = arith.addi %mul3A_382, %add3A_383 : i32
      %add3A_385 = arith.constant 1 : i32
      %add3A_386 = arith.addi %add3A_384, %add3A_385 : i32
      %dma_wait3A_387 = arith.constant 0 : i32
      %dma_wait3A_388 = arith.constant 0 : i32
      %dma_wait3A_389 = arith.constant 0 : i32
      %dma_wait3A_390 = tpu.memref_slice %arg5[%dma_wait3A_387, %dma_wait3A_388, %dma_wait3A_389] : memref<4x2x128xi32, #tpu.memory_space<vmem>> -> memref<1x2x128xi32, #tpu.memory_space<vmem>>
      %dma_wait3A_391 = tpu.memref_squeeze %dma_wait3A_390 : memref<1x2x128xi32, #tpu.memory_space<vmem>> -> memref<2x128xi32, #tpu.memory_space<vmem>>
      %dma_wait3A_392 = arith.constant 0 : i32
      %dma_wait3A_393 = arith.constant 0 : i32
      %dma_wait3A_394 = tpu.memref_slice %arg3[%add3A, %add3A_386, %dma_wait3A_392, %dma_wait3A_393] : memref<32x84x2x128xi32, #tpu.memory_space<hbm>> -> memref<1x1x2x128xi32, #tpu.memory_space<hbm>>
      %dma_wait3A_395 = tpu.memref_squeeze %dma_wait3A_394 : memref<1x1x2x128xi32, #tpu.memory_space<hbm>> -> memref<2x128xi32, #tpu.memory_space<hbm>>
      %dma_wait3A_396 = arith.constant 0 : i32
      %dma_wait3A_397 = arith.constant 0 : i32
      %dma_wait3A_398 = tpu.memref_slice %arg5[%dma_wait3A_387, %dma_wait3A_396, %dma_wait3A_397] : memref<4x2x128xi32, #tpu.memory_space<vmem>> -> memref<1x2x128xi32, #tpu.memory_space<vmem>>
      %dma_wait3A_399 = tpu.memref_squeeze %dma_wait3A_398 : memref<1x2x128xi32, #tpu.memory_space<vmem>> -> memref<2x128xi32, #tpu.memory_space<vmem>>
      %dma_wait3A_400 = arith.constant 0 : i32
      %dma_wait3A_401 = arith.constant 0 : i32
      %dma_wait3A_402 = tpu.memref_slice %arg3[%add3A, %add3A_386, %dma_wait3A_400, %dma_wait3A_401] : memref<32x84x2x128xi32, #tpu.memory_space<hbm>> -> memref<1x1x2x128xi32, #tpu.memory_space<hbm>>
      %dma_wait3A_403 = tpu.memref_squeeze %dma_wait3A_402 : memref<1x1x2x128xi32, #tpu.memory_space<hbm>> -> memref<2x128xi32, #tpu.memory_space<hbm>>
      tpu.wait_dma2 semaphore(%arg11 : memref<!tpu.dma_semaphore, #tpu.memory_space<semaphore_mem>>) src(%dma_wait3A_403 : memref<2x128xi32, #tpu.memory_space<hbm>>) dst(%dma_wait3A_399 : memref<2x128xi32, #tpu.memory_space<vmem>>)
      %dma_start3A_404 = arith.constant 0 : i32
      %dma_start3A_405 = arith.constant 0 : i32
      %dma_start3A_406 = arith.constant 0 : i32
      %dma_start3A_407 = tpu.memref_slice %arg5[%dma_start3A_404, %dma_start3A_405, %dma_start3A_406] : memref<4x2x128xi32, #tpu.memory_space<vmem>> -> memref<1x1x128xi32, #tpu.memory_space<vmem>>
      %dma_start3A_408 = tpu.memref_squeeze %dma_start3A_407 : memref<1x1x128xi32, #tpu.memory_space<vmem>> -> memref<128xi32, #tpu.memory_space<vmem>>
      %dma_start3A_409 = arith.constant 0 : i32
      %dma_start3A_410 = arith.constant 0 : i32
      %dma_start3A_411 = tpu.memref_slice %arg2[%dma_start3A_409, %dma_start3A_410] : memref<10240x64xf32, #tpu.memory_space<hbm>> -> memref<10240x64xf32, #tpu.memory_space<hbm>>
      tpu.enqueue_indirect_dma source(%dma_start3A_411 : memref<10240x64xf32, #tpu.memory_space<hbm>>) target(%arg6 : memref<128x64xf32, #tpu.memory_space<vmem>>) offsets(%dma_start3A_408 : memref<128xi32, #tpu.memory_space<vmem>>) semaphore(%arg9 : memref<!tpu.dma_semaphore, #tpu.memory_space<semaphore_mem>>)
      %dma_wait3A_412 = arith.constant 3 : i32
      %dma_wait3A_413 = arith.constant 0 : i32
      %dma_wait3A_414 = arith.constant 0 : i32
      %dma_wait3A_415 = tpu.memref_slice %arg5[%dma_wait3A_412, %dma_wait3A_413, %dma_wait3A_414] : memref<4x2x128xi32, #tpu.memory_space<vmem>> -> memref<1x1x128xi32, #tpu.memory_space<vmem>>
      %dma_wait3A_416 = tpu.memref_squeeze %dma_wait3A_415 : memref<1x1x128xi32, #tpu.memory_space<vmem>> -> memref<128xi32, #tpu.memory_space<vmem>>
      %dma_wait3A_417 = arith.constant 0 : i32
      %dma_wait3A_418 = arith.constant 0 : i32
      %dma_wait3A_419 = tpu.memref_slice %arg2[%dma_wait3A_417, %dma_wait3A_418] : memref<10240x64xf32, #tpu.memory_space<hbm>> -> memref<10240x64xf32, #tpu.memory_space<hbm>>
      tpu.wait_indirect_dma semaphore(%arg10 : memref<!tpu.dma_semaphore, #tpu.memory_space<semaphore_mem>>) src(%dma_wait3A_419 : memref<10240x64xf32, #tpu.memory_space<hbm>>) dst(%arg7 : memref<128x64xf32, #tpu.memory_space<vmem>>)
      %run_scoped3A_420 = arith.constant 3 : i32
      %run_scoped3A_421 = arith.constant 1 : i32
      "tpu.region"() ({
        %run_scoped3A_441 = tpu.sem_alloc : memref<!tpu.dma_semaphore, #tpu.memory_space<semaphore_mem>>
        %dma_start3A_442 = arith.constant 0 : i32
        %dma_start3A_443 = tpu.memref_slice %arg5[%run_scoped3A_420, %run_scoped3A_421, %dma_start3A_442] : memref<4x2x128xi32, #tpu.memory_space<vmem>> -> memref<1x1x128xi32, #tpu.memory_space<vmem>>
        %dma_start3A_444 = tpu.memref_squeeze %dma_start3A_443 : memref<1x1x128xi32, #tpu.memory_space<vmem>> -> memref<128xi32, #tpu.memory_space<vmem>>
        %dma_start3A_445 = arith.constant 0 : i32
        %dma_start3A_446 = arith.constant 0 : i32
        %dma_start3A_447 = tpu.memref_slice %arg8[%dma_start3A_445, %dma_start3A_446] : memref<10240x64xf32, #tpu.memory_space<vmem_shared>> -> memref<10240x64xf32, #tpu.memory_space<vmem_shared>>
        tpu.enqueue_indirect_dma source(%arg7 : memref<128x64xf32, #tpu.memory_space<vmem>>) target(%dma_start3A_447 : memref<10240x64xf32, #tpu.memory_space<vmem_shared>>) offsets(%dma_start3A_444 : memref<128xi32, #tpu.memory_space<vmem>>) semaphore(%run_scoped3A_441 : memref<!tpu.dma_semaphore, #tpu.memory_space<semaphore_mem>>) {add = true}
        %dma_wait3A_448 = arith.constant 0 : i32
        %dma_wait3A_449 = tpu.memref_slice %arg5[%run_scoped3A_420, %run_scoped3A_421, %dma_wait3A_448] : memref<4x2x128xi32, #tpu.memory_space<vmem>> -> memref<1x1x128xi32, #tpu.memory_space<vmem>>
        %dma_wait3A_450 = tpu.memref_squeeze %dma_wait3A_449 : memref<1x1x128xi32, #tpu.memory_space<vmem>> -> memref<128xi32, #tpu.memory_space<vmem>>
        %dma_wait3A_451 = arith.constant 0 : i32
        %dma_wait3A_452 = arith.constant 0 : i32
        %dma_wait3A_453 = tpu.memref_slice %arg8[%dma_wait3A_451, %dma_wait3A_452] : memref<10240x64xf32, #tpu.memory_space<vmem_shared>> -> memref<10240x64xf32, #tpu.memory_space<vmem_shared>>
        tpu.wait_indirect_dma semaphore(%run_scoped3A_441 : memref<!tpu.dma_semaphore, #tpu.memory_space<semaphore_mem>>) src(%arg7 : memref<128x64xf32, #tpu.memory_space<vmem>>) dst(%dma_wait3A_453 : memref<10240x64xf32, #tpu.memory_space<vmem_shared>>)
        tpu.yield
      }) : () -> ()
      %add3A_422 = arith.constant 4 : i32
      %add3A_423 = arith.addi %add3A_384, %add3A_422 : i32
      %dma_start3A_424 = arith.constant 3 : i32
      %dma_start3A_425 = arith.constant 0 : i32
      %dma_start3A_426 = arith.constant 0 : i32
      %dma_start3A_427 = tpu.memref_slice %arg5[%dma_start3A_424, %dma_start3A_425, %dma_start3A_426] : memref<4x2x128xi32, #tpu.memory_space<vmem>> -> memref<1x2x128xi32, #tpu.memory_space<vmem>>
      %dma_start3A_428 = tpu.memref_squeeze %dma_start3A_427 : memref<1x2x128xi32, #tpu.memory_space<vmem>> -> memref<2x128xi32, #tpu.memory_space<vmem>>
      %dma_start3A_429 = arith.constant 0 : i32
      %dma_start3A_430 = arith.constant 0 : i32
      %dma_start3A_431 = tpu.memref_slice %arg3[%add3A, %add3A_423, %dma_start3A_429, %dma_start3A_430] : memref<32x84x2x128xi32, #tpu.memory_space<hbm>> -> memref<1x1x2x128xi32, #tpu.memory_space<hbm>>
      %dma_start3A_432 = tpu.memref_squeeze %dma_start3A_431 : memref<1x1x2x128xi32, #tpu.memory_space<hbm>> -> memref<2x128xi32, #tpu.memory_space<hbm>>
      %dma_start3A_433 = arith.constant 0 : i32
      %dma_start3A_434 = arith.constant 0 : i32
      %dma_start3A_435 = tpu.memref_slice %arg5[%dma_start3A_424, %dma_start3A_433, %dma_start3A_434] : memref<4x2x128xi32, #tpu.memory_space<vmem>> -> memref<1x2x128xi32, #tpu.memory_space<vmem>>
      %dma_start3A_436 = tpu.memref_squeeze %dma_start3A_435 : memref<1x2x128xi32, #tpu.memory_space<vmem>> -> memref<2x128xi32, #tpu.memory_space<vmem>>
      %dma_start3A_437 = arith.constant 0 : i32
      %dma_start3A_438 = arith.constant 0 : i32
      %dma_start3A_439 = tpu.memref_slice %arg3[%add3A, %add3A_423, %dma_start3A_437, %dma_start3A_438] : memref<32x84x2x128xi32, #tpu.memory_space<hbm>> -> memref<1x1x2x128xi32, #tpu.memory_space<hbm>>
      %dma_start3A_440 = tpu.memref_squeeze %dma_start3A_439 : memref<1x1x2x128xi32, #tpu.memory_space<hbm>> -> memref<2x128xi32, #tpu.memory_space<hbm>>
      tpu.enqueue_dma source(%dma_start3A_440 : memref<2x128xi32, #tpu.memory_space<hbm>>) target(%dma_start3A_436 : memref<2x128xi32, #tpu.memory_space<vmem>>) target_semaphore(%arg14 : memref<!tpu.dma_semaphore, #tpu.memory_space<semaphore_mem>>)
    }
    %scan3A_117 = arith.constant 20 : i32
    %dma_wait3A_118 = arith.constant 0 : i32
    %dma_wait3A_119 = arith.constant 0 : i32
    %dma_wait3A_120 = arith.constant 0 : i32
    %dma_wait3A_121 = tpu.memref_slice %arg5[%dma_wait3A_118, %dma_wait3A_119, %dma_wait3A_120] : memref<4x2x128xi32, #tpu.memory_space<vmem>> -> memref<1x1x128xi32, #tpu.memory_space<vmem>>
    %dma_wait3A_122 = tpu.memref_squeeze %dma_wait3A_121 : memref<1x1x128xi32, #tpu.memory_space<vmem>> -> memref<128xi32, #tpu.memory_space<vmem>>
    %dma_wait3A_123 = arith.constant 0 : i32
    %dma_wait3A_124 = arith.constant 0 : i32
    %dma_wait3A_125 = tpu.memref_slice %arg2[%dma_wait3A_123, %dma_wait3A_124] : memref<10240x64xf32, #tpu.memory_space<hbm>> -> memref<10240x64xf32, #tpu.memory_space<hbm>>
    tpu.wait_indirect_dma semaphore(%arg9 : memref<!tpu.dma_semaphore, #tpu.memory_space<semaphore_mem>>) src(%dma_wait3A_125 : memref<10240x64xf32, #tpu.memory_space<hbm>>) dst(%arg6 : memref<128x64xf32, #tpu.memory_space<vmem>>)
    %dma_wait3A_126 = arith.constant 81 : i32
    %dma_wait3A_127 = arith.constant 1 : i32
    %dma_wait3A_128 = arith.constant 0 : i32
    %dma_wait3A_129 = arith.constant 0 : i32
    %dma_wait3A_130 = tpu.memref_slice %arg5[%dma_wait3A_127, %dma_wait3A_128, %dma_wait3A_129] : memref<4x2x128xi32, #tpu.memory_space<vmem>> -> memref<1x2x128xi32, #tpu.memory_space<vmem>>
    %dma_wait3A_131 = tpu.memref_squeeze %dma_wait3A_130 : memref<1x2x128xi32, #tpu.memory_space<vmem>> -> memref<2x128xi32, #tpu.memory_space<vmem>>
    %dma_wait3A_132 = arith.constant 0 : i32
    %dma_wait3A_133 = arith.constant 0 : i32
    %dma_wait3A_134 = tpu.memref_slice %arg3[%add3A, %dma_wait3A_126, %dma_wait3A_132, %dma_wait3A_133] : memref<32x84x2x128xi32, #tpu.memory_space<hbm>> -> memref<1x1x2x128xi32, #tpu.memory_space<hbm>>
    %dma_wait3A_135 = tpu.memref_squeeze %dma_wait3A_134 : memref<1x1x2x128xi32, #tpu.memory_space<hbm>> -> memref<2x128xi32, #tpu.memory_space<hbm>>
    %dma_wait3A_136 = arith.constant 0 : i32
    %dma_wait3A_137 = arith.constant 0 : i32
    %dma_wait3A_138 = tpu.memref_slice %arg5[%dma_wait3A_127, %dma_wait3A_136, %dma_wait3A_137] : memref<4x2x128xi32, #tpu.memory_space<vmem>> -> memref<1x2x128xi32, #tpu.memory_space<vmem>>
    %dma_wait3A_139 = tpu.memref_squeeze %dma_wait3A_138 : memref<1x2x128xi32, #tpu.memory_space<vmem>> -> memref<2x128xi32, #tpu.memory_space<vmem>>
    %dma_wait3A_140 = arith.constant 0 : i32
    %dma_wait3A_141 = arith.constant 0 : i32
    %dma_wait3A_142 = tpu.memref_slice %arg3[%add3A, %dma_wait3A_126, %dma_wait3A_140, %dma_wait3A_141] : memref<32x84x2x128xi32, #tpu.memory_space<hbm>> -> memref<1x1x2x128xi32, #tpu.memory_space<hbm>>
    %dma_wait3A_143 = tpu.memref_squeeze %dma_wait3A_142 : memref<1x1x2x128xi32, #tpu.memory_space<hbm>> -> memref<2x128xi32, #tpu.memory_space<hbm>>
    tpu.wait_dma2 semaphore(%arg12 : memref<!tpu.dma_semaphore, #tpu.memory_space<semaphore_mem>>) src(%dma_wait3A_143 : memref<2x128xi32, #tpu.memory_space<hbm>>) dst(%dma_wait3A_139 : memref<2x128xi32, #tpu.memory_space<vmem>>)
    %dma_wait3A_144 = arith.constant 82 : i32
    %dma_wait3A_145 = arith.constant 2 : i32
    %dma_wait3A_146 = arith.constant 0 : i32
    %dma_wait3A_147 = arith.constant 0 : i32
    %dma_wait3A_148 = tpu.memref_slice %arg5[%dma_wait3A_145, %dma_wait3A_146, %dma_wait3A_147] : memref<4x2x128xi32, #tpu.memory_space<vmem>> -> memref<1x2x128xi32, #tpu.memory_space<vmem>>
    %dma_wait3A_149 = tpu.memref_squeeze %dma_wait3A_148 : memref<1x2x128xi32, #tpu.memory_space<vmem>> -> memref<2x128xi32, #tpu.memory_space<vmem>>
    %dma_wait3A_150 = arith.constant 0 : i32
    %dma_wait3A_151 = arith.constant 0 : i32
    %dma_wait3A_152 = tpu.memref_slice %arg3[%add3A, %dma_wait3A_144, %dma_wait3A_150, %dma_wait3A_151] : memref<32x84x2x128xi32, #tpu.memory_space<hbm>> -> memref<1x1x2x128xi32, #tpu.memory_space<hbm>>
    %dma_wait3A_153 = tpu.memref_squeeze %dma_wait3A_152 : memref<1x1x2x128xi32, #tpu.memory_space<hbm>> -> memref<2x128xi32, #tpu.memory_space<hbm>>
    %dma_wait3A_154 = arith.constant 0 : i32
    %dma_wait3A_155 = arith.constant 0 : i32
    %dma_wait3A_156 = tpu.memref_slice %arg5[%dma_wait3A_145, %dma_wait3A_154, %dma_wait3A_155] : memref<4x2x128xi32, #tpu.memory_space<vmem>> -> memref<1x2x128xi32, #tpu.memory_space<vmem>>
    %dma_wait3A_157 = tpu.memref_squeeze %dma_wait3A_156 : memref<1x2x128xi32, #tpu.memory_space<vmem>> -> memref<2x128xi32, #tpu.memory_space<vmem>>
    %dma_wait3A_158 = arith.constant 0 : i32
    %dma_wait3A_159 = arith.constant 0 : i32
    %dma_wait3A_160 = tpu.memref_slice %arg3[%add3A, %dma_wait3A_144, %dma_wait3A_158, %dma_wait3A_159] : memref<32x84x2x128xi32, #tpu.memory_space<hbm>> -> memref<1x1x2x128xi32, #tpu.memory_space<hbm>>
    %dma_wait3A_161 = tpu.memref_squeeze %dma_wait3A_160 : memref<1x1x2x128xi32, #tpu.memory_space<hbm>> -> memref<2x128xi32, #tpu.memory_space<hbm>>
    tpu.wait_dma2 semaphore(%arg13 : memref<!tpu.dma_semaphore, #tpu.memory_space<semaphore_mem>>) src(%dma_wait3A_161 : memref<2x128xi32, #tpu.memory_space<hbm>>) dst(%dma_wait3A_157 : memref<2x128xi32, #tpu.memory_space<vmem>>)
    %dma_wait3A_162 = arith.constant 83 : i32
    %dma_wait3A_163 = arith.constant 3 : i32
    %dma_wait3A_164 = arith.constant 0 : i32
    %dma_wait3A_165 = arith.constant 0 : i32
    %dma_wait3A_166 = tpu.memref_slice %arg5[%dma_wait3A_163, %dma_wait3A_164, %dma_wait3A_165] : memref<4x2x128xi32, #tpu.memory_space<vmem>> -> memref<1x2x128xi32, #tpu.memory_space<vmem>>
    %dma_wait3A_167 = tpu.memref_squeeze %dma_wait3A_166 : memref<1x2x128xi32, #tpu.memory_space<vmem>> -> memref<2x128xi32, #tpu.memory_space<vmem>>
    %dma_wait3A_168 = arith.constant 0 : i32
    %dma_wait3A_169 = arith.constant 0 : i32
    %dma_wait3A_170 = tpu.memref_slice %arg3[%add3A, %dma_wait3A_162, %dma_wait3A_168, %dma_wait3A_169] : memref<32x84x2x128xi32, #tpu.memory_space<hbm>> -> memref<1x1x2x128xi32, #tpu.memory_space<hbm>>
    %dma_wait3A_171 = tpu.memref_squeeze %dma_wait3A_170 : memref<1x1x2x128xi32, #tpu.memory_space<hbm>> -> memref<2x128xi32, #tpu.memory_space<hbm>>
    %dma_wait3A_172 = arith.constant 0 : i32
    %dma_wait3A_173 = arith.constant 0 : i32
    %dma_wait3A_174 = tpu.memref_slice %arg5[%dma_wait3A_163, %dma_wait3A_172, %dma_wait3A_173] : memref<4x2x128xi32, #tpu.memory_space<vmem>> -> memref<1x2x128xi32, #tpu.memory_space<vmem>>
    %dma_wait3A_175 = tpu.memref_squeeze %dma_wait3A_174 : memref<1x2x128xi32, #tpu.memory_space<vmem>> -> memref<2x128xi32, #tpu.memory_space<vmem>>
    %dma_wait3A_176 = arith.constant 0 : i32
    %dma_wait3A_177 = arith.constant 0 : i32
    %dma_wait3A_178 = tpu.memref_slice %arg3[%add3A, %dma_wait3A_162, %dma_wait3A_176, %dma_wait3A_177] : memref<32x84x2x128xi32, #tpu.memory_space<hbm>> -> memref<1x1x2x128xi32, #tpu.memory_space<hbm>>
    %dma_wait3A_179 = tpu.memref_squeeze %dma_wait3A_178 : memref<1x1x2x128xi32, #tpu.memory_space<hbm>> -> memref<2x128xi32, #tpu.memory_space<hbm>>
    tpu.wait_dma2 semaphore(%arg14 : memref<!tpu.dma_semaphore, #tpu.memory_space<semaphore_mem>>) src(%dma_wait3A_179 : memref<2x128xi32, #tpu.memory_space<hbm>>) dst(%dma_wait3A_175 : memref<2x128xi32, #tpu.memory_space<vmem>>)
    %barrier3A_180 = arith.constant 0 : index
    tpu.barrier barrier_id(%barrier3A_180)
    %add3A_181 = arith.constant 0 : i32
    %add3A_182 = arith.addi %mul3A_6, %add3A_181 : i32
    %add3A_183 = arith.constant 0 : i32
    %add3A_184 = arith.addi %mul3A_6, %add3A_183 : i32
    "tpu.region"() ({
      %run_scoped3A = tpu.sem_alloc : memref<!tpu.dma_semaphore, #tpu.memory_space<semaphore_mem>>
      %dma_start3A_201 = arith.constant 0 : i32
      %dma_start3A_202 = tpu.memref_slice %arg4[%arg0, %add3A_184, %dma_start3A_201] : memref<2x10240x64xf32, #tpu.memory_space<hbm>> -> memref<1x128x64xf32, #tpu.memory_space<hbm>>
      %dma_start3A_203 = tpu.memref_squeeze %dma_start3A_202 : memref<1x128x64xf32, #tpu.memory_space<hbm>> -> memref<128x64xf32, #tpu.memory_space<hbm>>
      %dma_start3A_204 = arith.constant 0 : i32
      %dma_start3A_205 = tpu.memref_slice %arg8[%add3A_182, %dma_start3A_204] : memref<10240x64xf32, #tpu.memory_space<vmem_shared>> -> memref<128x64xf32, #tpu.memory_space<vmem_shared>>
      tpu.enqueue_dma source(%dma_start3A_205 : memref<128x64xf32, #tpu.memory_space<vmem_shared>>) target(%dma_start3A_203 : memref<128x64xf32, #tpu.memory_space<hbm>>) target_semaphore(%run_scoped3A : memref<!tpu.dma_semaphore, #tpu.memory_space<semaphore_mem>>)
      %dma_wait3A_206 = arith.constant 0 : i32
      %dma_wait3A_207 = tpu.memref_slice %arg4[%arg0, %add3A_184, %dma_wait3A_206] : memref<2x10240x64xf32, #tpu.memory_space<hbm>> -> memref<1x128x64xf32, #tpu.memory_space<hbm>>
      %dma_wait3A_208 = tpu.memref_squeeze %dma_wait3A_207 : memref<1x128x64xf32, #tpu.memory_space<hbm>> -> memref<128x64xf32, #tpu.memory_space<hbm>>
      %dma_wait3A_209 = arith.constant 0 : i32
      %dma_wait3A_210 = tpu.memref_slice %arg8[%add3A_182, %dma_wait3A_209] : memref<10240x64xf32, #tpu.memory_space<vmem_shared>> -> memref<128x64xf32, #tpu.memory_space<vmem_shared>>
      tpu.wait_dma2 semaphore(%run_scoped3A : memref<!tpu.dma_semaphore, #tpu.memory_space<semaphore_mem>>) src(%dma_wait3A_210 : memref<128x64xf32, #tpu.memory_space<vmem_shared>>) dst(%dma_wait3A_208 : memref<128x64xf32, #tpu.memory_space<hbm>>)
      tpu.yield
    }) : () -> ()
    %add3A_185 = arith.constant 128 : i32
    %add3A_186 = arith.addi %mul3A_6, %add3A_185 : i32
    %add3A_187 = arith.constant 128 : i32
    %add3A_188 = arith.addi %mul3A_6, %add3A_187 : i32
    "tpu.region"() ({
      %run_scoped3A = tpu.sem_alloc : memref<!tpu.dma_semaphore, #tpu.memory_space<semaphore_mem>>
      %dma_start3A_201 = arith.constant 0 : i32
      %dma_start3A_202 = tpu.memref_slice %arg4[%arg0, %add3A_188, %dma_start3A_201] : memref<2x10240x64xf32, #tpu.memory_space<hbm>> -> memref<1x128x64xf32, #tpu.memory_space<hbm>>
      %dma_start3A_203 = tpu.memref_squeeze %dma_start3A_202 : memref<1x128x64xf32, #tpu.memory_space<hbm>> -> memref<128x64xf32, #tpu.memory_space<hbm>>
      %dma_start3A_204 = arith.constant 0 : i32
      %dma_start3A_205 = tpu.memref_slice %arg8[%add3A_186, %dma_start3A_204] : memref<10240x64xf32, #tpu.memory_space<vmem_shared>> -> memref<128x64xf32, #tpu.memory_space<vmem_shared>>
      tpu.enqueue_dma source(%dma_start3A_205 : memref<128x64xf32, #tpu.memory_space<vmem_shared>>) target(%dma_start3A_203 : memref<128x64xf32, #tpu.memory_space<hbm>>) target_semaphore(%run_scoped3A : memref<!tpu.dma_semaphore, #tpu.memory_space<semaphore_mem>>)
      %dma_wait3A_206 = arith.constant 0 : i32
      %dma_wait3A_207 = tpu.memref_slice %arg4[%arg0, %add3A_188, %dma_wait3A_206] : memref<2x10240x64xf32, #tpu.memory_space<hbm>> -> memref<1x128x64xf32, #tpu.memory_space<hbm>>
      %dma_wait3A_208 = tpu.memref_squeeze %dma_wait3A_207 : memref<1x128x64xf32, #tpu.memory_space<hbm>> -> memref<128x64xf32, #tpu.memory_space<hbm>>
      %dma_wait3A_209 = arith.constant 0 : i32
      %dma_wait3A_210 = tpu.memref_slice %arg8[%add3A_186, %dma_wait3A_209] : memref<10240x64xf32, #tpu.memory_space<vmem_shared>> -> memref<128x64xf32, #tpu.memory_space<vmem_shared>>
      tpu.wait_dma2 semaphore(%run_scoped3A : memref<!tpu.dma_semaphore, #tpu.memory_space<semaphore_mem>>) src(%dma_wait3A_210 : memref<128x64xf32, #tpu.memory_space<vmem_shared>>) dst(%dma_wait3A_208 : memref<128x64xf32, #tpu.memory_space<hbm>>)
      tpu.yield
    }) : () -> ()
    %add3A_189 = arith.constant 256 : i32
    %add3A_190 = arith.addi %mul3A_6, %add3A_189 : i32
    %add3A_191 = arith.constant 256 : i32
    %add3A_192 = arith.addi %mul3A_6, %add3A_191 : i32
    "tpu.region"() ({
      %run_scoped3A = tpu.sem_alloc : memref<!tpu.dma_semaphore, #tpu.memory_space<semaphore_mem>>
      %dma_start3A_201 = arith.constant 0 : i32
      %dma_start3A_202 = tpu.memref_slice %arg4[%arg0, %add3A_192, %dma_start3A_201] : memref<2x10240x64xf32, #tpu.memory_space<hbm>> -> memref<1x128x64xf32, #tpu.memory_space<hbm>>
      %dma_start3A_203 = tpu.memref_squeeze %dma_start3A_202 : memref<1x128x64xf32, #tpu.memory_space<hbm>> -> memref<128x64xf32, #tpu.memory_space<hbm>>
      %dma_start3A_204 = arith.constant 0 : i32
      %dma_start3A_205 = tpu.memref_slice %arg8[%add3A_190, %dma_start3A_204] : memref<10240x64xf32, #tpu.memory_space<vmem_shared>> -> memref<128x64xf32, #tpu.memory_space<vmem_shared>>
      tpu.enqueue_dma source(%dma_start3A_205 : memref<128x64xf32, #tpu.memory_space<vmem_shared>>) target(%dma_start3A_203 : memref<128x64xf32, #tpu.memory_space<hbm>>) target_semaphore(%run_scoped3A : memref<!tpu.dma_semaphore, #tpu.memory_space<semaphore_mem>>)
      %dma_wait3A_206 = arith.constant 0 : i32
      %dma_wait3A_207 = tpu.memref_slice %arg4[%arg0, %add3A_192, %dma_wait3A_206] : memref<2x10240x64xf32, #tpu.memory_space<hbm>> -> memref<1x128x64xf32, #tpu.memory_space<hbm>>
      %dma_wait3A_208 = tpu.memref_squeeze %dma_wait3A_207 : memref<1x128x64xf32, #tpu.memory_space<hbm>> -> memref<128x64xf32, #tpu.memory_space<hbm>>
      %dma_wait3A_209 = arith.constant 0 : i32
      %dma_wait3A_210 = tpu.memref_slice %arg8[%add3A_190, %dma_wait3A_209] : memref<10240x64xf32, #tpu.memory_space<vmem_shared>> -> memref<128x64xf32, #tpu.memory_space<vmem_shared>>
      tpu.wait_dma2 semaphore(%run_scoped3A : memref<!tpu.dma_semaphore, #tpu.memory_space<semaphore_mem>>) src(%dma_wait3A_210 : memref<128x64xf32, #tpu.memory_space<vmem_shared>>) dst(%dma_wait3A_208 : memref<128x64xf32, #tpu.memory_space<hbm>>)
      tpu.yield
    }) : () -> ()
    %add3A_193 = arith.constant 384 : i32
    %add3A_194 = arith.addi %mul3A_6, %add3A_193 : i32
    %add3A_195 = arith.constant 384 : i32
    %add3A_196 = arith.addi %mul3A_6, %add3A_195 : i32
    "tpu.region"() ({
      %run_scoped3A = tpu.sem_alloc : memref<!tpu.dma_semaphore, #tpu.memory_space<semaphore_mem>>
      %dma_start3A_201 = arith.constant 0 : i32
      %dma_start3A_202 = tpu.memref_slice %arg4[%arg0, %add3A_196, %dma_start3A_201] : memref<2x10240x64xf32, #tpu.memory_space<hbm>> -> memref<1x128x64xf32, #tpu.memory_space<hbm>>
      %dma_start3A_203 = tpu.memref_squeeze %dma_start3A_202 : memref<1x128x64xf32, #tpu.memory_space<hbm>> -> memref<128x64xf32, #tpu.memory_space<hbm>>
      %dma_start3A_204 = arith.constant 0 : i32
      %dma_start3A_205 = tpu.memref_slice %arg8[%add3A_194, %dma_start3A_204] : memref<10240x64xf32, #tpu.memory_space<vmem_shared>> -> memref<128x64xf32, #tpu.memory_space<vmem_shared>>
      tpu.enqueue_dma source(%dma_start3A_205 : memref<128x64xf32, #tpu.memory_space<vmem_shared>>) target(%dma_start3A_203 : memref<128x64xf32, #tpu.memory_space<hbm>>) target_semaphore(%run_scoped3A : memref<!tpu.dma_semaphore, #tpu.memory_space<semaphore_mem>>)
      %dma_wait3A_206 = arith.constant 0 : i32
      %dma_wait3A_207 = tpu.memref_slice %arg4[%arg0, %add3A_196, %dma_wait3A_206] : memref<2x10240x64xf32, #tpu.memory_space<hbm>> -> memref<1x128x64xf32, #tpu.memory_space<hbm>>
      %dma_wait3A_208 = tpu.memref_squeeze %dma_wait3A_207 : memref<1x128x64xf32, #tpu.memory_space<hbm>> -> memref<128x64xf32, #tpu.memory_space<hbm>>
      %dma_wait3A_209 = arith.constant 0 : i32
      %dma_wait3A_210 = tpu.memref_slice %arg8[%add3A_194, %dma_wait3A_209] : memref<10240x64xf32, #tpu.memory_space<vmem_shared>> -> memref<128x64xf32, #tpu.memory_space<vmem_shared>>
      tpu.wait_dma2 semaphore(%run_scoped3A : memref<!tpu.dma_semaphore, #tpu.memory_space<semaphore_mem>>) src(%dma_wait3A_210 : memref<128x64xf32, #tpu.memory_space<vmem_shared>>) dst(%dma_wait3A_208 : memref<128x64xf32, #tpu.memory_space<hbm>>)
      tpu.yield
    }) : () -> ()
    %add3A_197 = arith.constant 512 : i32
    %add3A_198 = arith.addi %mul3A_6, %add3A_197 : i32
    %add3A_199 = arith.constant 512 : i32
    %add3A_200 = arith.addi %mul3A_6, %add3A_199 : i32
    "tpu.region"() ({
      %run_scoped3A = tpu.sem_alloc : memref<!tpu.dma_semaphore, #tpu.memory_space<semaphore_mem>>
      %dma_start3A_201 = arith.constant 0 : i32
      %dma_start3A_202 = tpu.memref_slice %arg4[%arg0, %add3A_200, %dma_start3A_201] : memref<2x10240x64xf32, #tpu.memory_space<hbm>> -> memref<1x128x64xf32, #tpu.memory_space<hbm>>
      %dma_start3A_203 = tpu.memref_squeeze %dma_start3A_202 : memref<1x128x64xf32, #tpu.memory_space<hbm>> -> memref<128x64xf32, #tpu.memory_space<hbm>>
      %dma_start3A_204 = arith.constant 0 : i32
      %dma_start3A_205 = tpu.memref_slice %arg8[%add3A_198, %dma_start3A_204] : memref<10240x64xf32, #tpu.memory_space<vmem_shared>> -> memref<128x64xf32, #tpu.memory_space<vmem_shared>>
      tpu.enqueue_dma source(%dma_start3A_205 : memref<128x64xf32, #tpu.memory_space<vmem_shared>>) target(%dma_start3A_203 : memref<128x64xf32, #tpu.memory_space<hbm>>) target_semaphore(%run_scoped3A : memref<!tpu.dma_semaphore, #tpu.memory_space<semaphore_mem>>)
      %dma_wait3A_206 = arith.constant 0 : i32
      %dma_wait3A_207 = tpu.memref_slice %arg4[%arg0, %add3A_200, %dma_wait3A_206] : memref<2x10240x64xf32, #tpu.memory_space<hbm>> -> memref<1x128x64xf32, #tpu.memory_space<hbm>>
      %dma_wait3A_208 = tpu.memref_squeeze %dma_wait3A_207 : memref<1x128x64xf32, #tpu.memory_space<hbm>> -> memref<128x64xf32, #tpu.memory_space<hbm>>
      %dma_wait3A_209 = arith.constant 0 : i32
      %dma_wait3A_210 = tpu.memref_slice %arg8[%add3A_198, %dma_wait3A_209] : memref<10240x64xf32, #tpu.memory_space<vmem_shared>> -> memref<128x64xf32, #tpu.memory_space<vmem_shared>>
      tpu.wait_dma2 semaphore(%run_scoped3A : memref<!tpu.dma_semaphore, #tpu.memory_space<semaphore_mem>>) src(%dma_wait3A_210 : memref<128x64xf32, #tpu.memory_space<vmem_shared>>) dst(%dma_wait3A_208 : memref<128x64xf32, #tpu.memory_space<hbm>>)
      tpu.yield
    }) : () -> ()
    return
  }
}

#map = affine_map<(d0, d1) -> (0, 0, 0)>
#map1 = affine_map<(d0, d1) -> (0, 0)>
module attributes {stable_mosaic.version = 14 : i64} {
  func.func @deg_kernel(%arg0: i32, %arg1: i32, %arg2: memref<32x80x128xi32, #tpu.memory_space<hbm>>, %arg3: memref<2x10240xf32, #tpu.memory_space<hbm>>, %arg4: memref<80x128xi32, #tpu.memory_space<vmem>>, %arg5: memref<128xf32, #tpu.memory_space<vmem>>, %arg6: memref<128xf32, #tpu.memory_space<vmem>>, %arg7: memref<10240xf32, #tpu.memory_space<vmem_shared>>) attributes {dimension_semantics = [#tpu.dimension_semantics<core_parallel>, #tpu.dimension_semantics<subcore_parallel>], iteration_bounds = array<i64: 2, 16>, scalar_prefetch = 0 : i64, scratch_operands = 4 : i64, tpu.core_type = #tpu.core_type<sc_vector_subcore>, window_params = [{transform_indices = #map}, {transform_indices = #map1}]} {
    %mul3A = arith.constant 2 : i32
    %mul3A_0 = arith.muli %arg1, %mul3A : i32
    %add3A = arith.addi %mul3A_0, %arg0 : i32
    "tpu.region"() ({
      %run_scoped3A = tpu.sem_alloc : memref<!tpu.dma_semaphore, #tpu.memory_space<semaphore_mem>>
      %dma_start3A = arith.constant 0 : i32
      %dma_start3A_132 = arith.constant 0 : i32
      %dma_start3A_133 = tpu.memref_slice %arg2[%add3A, %dma_start3A, %dma_start3A_132] : memref<32x80x128xi32, #tpu.memory_space<hbm>> -> memref<1x80x128xi32, #tpu.memory_space<hbm>>
      %dma_start3A_134 = tpu.memref_squeeze %dma_start3A_133 : memref<1x80x128xi32, #tpu.memory_space<hbm>> -> memref<80x128xi32, #tpu.memory_space<hbm>>
      %dma_start3A_135 = arith.constant 0 : i32
      %dma_start3A_136 = arith.constant 0 : i32
      %dma_start3A_137 = tpu.memref_slice %arg2[%add3A, %dma_start3A_135, %dma_start3A_136] : memref<32x80x128xi32, #tpu.memory_space<hbm>> -> memref<1x80x128xi32, #tpu.memory_space<hbm>>
      %dma_start3A_138 = tpu.memref_squeeze %dma_start3A_137 : memref<1x80x128xi32, #tpu.memory_space<hbm>> -> memref<80x128xi32, #tpu.memory_space<hbm>>
      tpu.enqueue_dma source(%dma_start3A_138 : memref<80x128xi32, #tpu.memory_space<hbm>>) target(%arg4 : memref<80x128xi32, #tpu.memory_space<vmem>>) target_semaphore(%run_scoped3A : memref<!tpu.dma_semaphore, #tpu.memory_space<semaphore_mem>>)
      %dma_wait3A = arith.constant 0 : i32
      %dma_wait3A_139 = arith.constant 0 : i32
      %dma_wait3A_140 = tpu.memref_slice %arg2[%add3A, %dma_wait3A, %dma_wait3A_139] : memref<32x80x128xi32, #tpu.memory_space<hbm>> -> memref<1x80x128xi32, #tpu.memory_space<hbm>>
      %dma_wait3A_141 = tpu.memref_squeeze %dma_wait3A_140 : memref<1x80x128xi32, #tpu.memory_space<hbm>> -> memref<80x128xi32, #tpu.memory_space<hbm>>
      %dma_wait3A_142 = arith.constant 0 : i32
      %dma_wait3A_143 = arith.constant 0 : i32
      %dma_wait3A_144 = tpu.memref_slice %arg2[%add3A, %dma_wait3A_142, %dma_wait3A_143] : memref<32x80x128xi32, #tpu.memory_space<hbm>> -> memref<1x80x128xi32, #tpu.memory_space<hbm>>
      %dma_wait3A_145 = tpu.memref_squeeze %dma_wait3A_144 : memref<1x80x128xi32, #tpu.memory_space<hbm>> -> memref<80x128xi32, #tpu.memory_space<hbm>>
      tpu.wait_dma2 semaphore(%run_scoped3A : memref<!tpu.dma_semaphore, #tpu.memory_space<semaphore_mem>>) src(%dma_wait3A_145 : memref<80x128xi32, #tpu.memory_space<hbm>>) dst(%arg4 : memref<80x128xi32, #tpu.memory_space<vmem>>)
      tpu.yield
    }) : () -> ()
    %broadcast_in_dim3A = arith.constant 0.000000e+00 : f32
    %broadcast_in_dim3A_1 = vector.broadcast %broadcast_in_dim3A : f32 to vector<16xf32>
    %swap3A = arith.constant 0 : index
    %swap3A_2 = tpu.vector_load %arg5[%swap3A] {strides = array<i32>} : memref<128xf32, #tpu.memory_space<vmem>>, vector<16xf32>,
    %swap3A_3 = vector.shape_cast %swap3A_2 : vector<16xf32> to vector<16xf32>
    %swap3A_4 = vector.shape_cast %broadcast_in_dim3A_1 : vector<16xf32> to vector<16xf32>
    tpu.vector_store %arg5[%swap3A], %swap3A_4 {strides = array<i32>} : memref<128xf32, #tpu.memory_space<vmem>>, vector<16xf32>,
    %broadcast_in_dim3A_5 = arith.constant 0.000000e+00 : f32
    %broadcast_in_dim3A_6 = vector.broadcast %broadcast_in_dim3A_5 : f32 to vector<16xf32>
    %swap3A_7 = arith.constant 16 : index
    %swap3A_8 = tpu.vector_load %arg5[%swap3A_7] {strides = array<i32>} : memref<128xf32, #tpu.memory_space<vmem>>, vector<16xf32>,
    %swap3A_9 = vector.shape_cast %swap3A_8 : vector<16xf32> to vector<16xf32>
    %swap3A_10 = vector.shape_cast %broadcast_in_dim3A_6 : vector<16xf32> to vector<16xf32>
    tpu.vector_store %arg5[%swap3A_7], %swap3A_10 {strides = array<i32>} : memref<128xf32, #tpu.memory_space<vmem>>, vector<16xf32>,
    %broadcast_in_dim3A_11 = arith.constant 0.000000e+00 : f32
    %broadcast_in_dim3A_12 = vector.broadcast %broadcast_in_dim3A_11 : f32 to vector<16xf32>
    %swap3A_13 = arith.constant 32 : index
    %swap3A_14 = tpu.vector_load %arg5[%swap3A_13] {strides = array<i32>} : memref<128xf32, #tpu.memory_space<vmem>>, vector<16xf32>,
    %swap3A_15 = vector.shape_cast %swap3A_14 : vector<16xf32> to vector<16xf32>
    %swap3A_16 = vector.shape_cast %broadcast_in_dim3A_12 : vector<16xf32> to vector<16xf32>
    tpu.vector_store %arg5[%swap3A_13], %swap3A_16 {strides = array<i32>} : memref<128xf32, #tpu.memory_space<vmem>>, vector<16xf32>,
    %broadcast_in_dim3A_17 = arith.constant 0.000000e+00 : f32
    %broadcast_in_dim3A_18 = vector.broadcast %broadcast_in_dim3A_17 : f32 to vector<16xf32>
    %swap3A_19 = arith.constant 48 : index
    %swap3A_20 = tpu.vector_load %arg5[%swap3A_19] {strides = array<i32>} : memref<128xf32, #tpu.memory_space<vmem>>, vector<16xf32>,
    %swap3A_21 = vector.shape_cast %swap3A_20 : vector<16xf32> to vector<16xf32>
    %swap3A_22 = vector.shape_cast %broadcast_in_dim3A_18 : vector<16xf32> to vector<16xf32>
    tpu.vector_store %arg5[%swap3A_19], %swap3A_22 {strides = array<i32>} : memref<128xf32, #tpu.memory_space<vmem>>, vector<16xf32>,
    %broadcast_in_dim3A_23 = arith.constant 0.000000e+00 : f32
    %broadcast_in_dim3A_24 = vector.broadcast %broadcast_in_dim3A_23 : f32 to vector<16xf32>
    %swap3A_25 = arith.constant 64 : index
    %swap3A_26 = tpu.vector_load %arg5[%swap3A_25] {strides = array<i32>} : memref<128xf32, #tpu.memory_space<vmem>>, vector<16xf32>,
    %swap3A_27 = vector.shape_cast %swap3A_26 : vector<16xf32> to vector<16xf32>
    %swap3A_28 = vector.shape_cast %broadcast_in_dim3A_24 : vector<16xf32> to vector<16xf32>
    tpu.vector_store %arg5[%swap3A_25], %swap3A_28 {strides = array<i32>} : memref<128xf32, #tpu.memory_space<vmem>>, vector<16xf32>,
    %broadcast_in_dim3A_29 = arith.constant 0.000000e+00 : f32
    %broadcast_in_dim3A_30 = vector.broadcast %broadcast_in_dim3A_29 : f32 to vector<16xf32>
    %swap3A_31 = arith.constant 80 : index
    %swap3A_32 = tpu.vector_load %arg5[%swap3A_31] {strides = array<i32>} : memref<128xf32, #tpu.memory_space<vmem>>, vector<16xf32>,
    %swap3A_33 = vector.shape_cast %swap3A_32 : vector<16xf32> to vector<16xf32>
    %swap3A_34 = vector.shape_cast %broadcast_in_dim3A_30 : vector<16xf32> to vector<16xf32>
    tpu.vector_store %arg5[%swap3A_31], %swap3A_34 {strides = array<i32>} : memref<128xf32, #tpu.memory_space<vmem>>, vector<16xf32>,
    %broadcast_in_dim3A_35 = arith.constant 0.000000e+00 : f32
    %broadcast_in_dim3A_36 = vector.broadcast %broadcast_in_dim3A_35 : f32 to vector<16xf32>
    %swap3A_37 = arith.constant 96 : index
    %swap3A_38 = tpu.vector_load %arg5[%swap3A_37] {strides = array<i32>} : memref<128xf32, #tpu.memory_space<vmem>>, vector<16xf32>,
    %swap3A_39 = vector.shape_cast %swap3A_38 : vector<16xf32> to vector<16xf32>
    %swap3A_40 = vector.shape_cast %broadcast_in_dim3A_36 : vector<16xf32> to vector<16xf32>
    tpu.vector_store %arg5[%swap3A_37], %swap3A_40 {strides = array<i32>} : memref<128xf32, #tpu.memory_space<vmem>>, vector<16xf32>,
    %broadcast_in_dim3A_41 = arith.constant 0.000000e+00 : f32
    %broadcast_in_dim3A_42 = vector.broadcast %broadcast_in_dim3A_41 : f32 to vector<16xf32>
    %swap3A_43 = arith.constant 112 : index
    %swap3A_44 = tpu.vector_load %arg5[%swap3A_43] {strides = array<i32>} : memref<128xf32, #tpu.memory_space<vmem>>, vector<16xf32>,
    %swap3A_45 = vector.shape_cast %swap3A_44 : vector<16xf32> to vector<16xf32>
    %swap3A_46 = vector.shape_cast %broadcast_in_dim3A_42 : vector<16xf32> to vector<16xf32>
    tpu.vector_store %arg5[%swap3A_43], %swap3A_46 {strides = array<i32>} : memref<128xf32, #tpu.memory_space<vmem>>, vector<16xf32>,
    %broadcast_in_dim3A_47 = arith.constant 1.000000e+00 : f32
    %broadcast_in_dim3A_48 = vector.broadcast %broadcast_in_dim3A_47 : f32 to vector<16xf32>
    %swap3A_49 = arith.constant 0 : index
    %swap3A_50 = tpu.vector_load %arg6[%swap3A_49] {strides = array<i32>} : memref<128xf32, #tpu.memory_space<vmem>>, vector<16xf32>,
    %swap3A_51 = vector.shape_cast %swap3A_50 : vector<16xf32> to vector<16xf32>
    %swap3A_52 = vector.shape_cast %broadcast_in_dim3A_48 : vector<16xf32> to vector<16xf32>
    tpu.vector_store %arg6[%swap3A_49], %swap3A_52 {strides = array<i32>} : memref<128xf32, #tpu.memory_space<vmem>>, vector<16xf32>,
    %broadcast_in_dim3A_53 = arith.constant 1.000000e+00 : f32
    %broadcast_in_dim3A_54 = vector.broadcast %broadcast_in_dim3A_53 : f32 to vector<16xf32>
    %swap3A_55 = arith.constant 16 : index
    %swap3A_56 = tpu.vector_load %arg6[%swap3A_55] {strides = array<i32>} : memref<128xf32, #tpu.memory_space<vmem>>, vector<16xf32>,
    %swap3A_57 = vector.shape_cast %swap3A_56 : vector<16xf32> to vector<16xf32>
    %swap3A_58 = vector.shape_cast %broadcast_in_dim3A_54 : vector<16xf32> to vector<16xf32>
    tpu.vector_store %arg6[%swap3A_55], %swap3A_58 {strides = array<i32>} : memref<128xf32, #tpu.memory_space<vmem>>, vector<16xf32>,
    %broadcast_in_dim3A_59 = arith.constant 1.000000e+00 : f32
    %broadcast_in_dim3A_60 = vector.broadcast %broadcast_in_dim3A_59 : f32 to vector<16xf32>
    %swap3A_61 = arith.constant 32 : index
    %swap3A_62 = tpu.vector_load %arg6[%swap3A_61] {strides = array<i32>} : memref<128xf32, #tpu.memory_space<vmem>>, vector<16xf32>,
    %swap3A_63 = vector.shape_cast %swap3A_62 : vector<16xf32> to vector<16xf32>
    %swap3A_64 = vector.shape_cast %broadcast_in_dim3A_60 : vector<16xf32> to vector<16xf32>
    tpu.vector_store %arg6[%swap3A_61], %swap3A_64 {strides = array<i32>} : memref<128xf32, #tpu.memory_space<vmem>>, vector<16xf32>,
    %broadcast_in_dim3A_65 = arith.constant 1.000000e+00 : f32
    %broadcast_in_dim3A_66 = vector.broadcast %broadcast_in_dim3A_65 : f32 to vector<16xf32>
    %swap3A_67 = arith.constant 48 : index
    %swap3A_68 = tpu.vector_load %arg6[%swap3A_67] {strides = array<i32>} : memref<128xf32, #tpu.memory_space<vmem>>, vector<16xf32>,
    %swap3A_69 = vector.shape_cast %swap3A_68 : vector<16xf32> to vector<16xf32>
    %swap3A_70 = vector.shape_cast %broadcast_in_dim3A_66 : vector<16xf32> to vector<16xf32>
    tpu.vector_store %arg6[%swap3A_67], %swap3A_70 {strides = array<i32>} : memref<128xf32, #tpu.memory_space<vmem>>, vector<16xf32>,
    %broadcast_in_dim3A_71 = arith.constant 1.000000e+00 : f32
    %broadcast_in_dim3A_72 = vector.broadcast %broadcast_in_dim3A_71 : f32 to vector<16xf32>
    %swap3A_73 = arith.constant 64 : index
    %swap3A_74 = tpu.vector_load %arg6[%swap3A_73] {strides = array<i32>} : memref<128xf32, #tpu.memory_space<vmem>>, vector<16xf32>,
    %swap3A_75 = vector.shape_cast %swap3A_74 : vector<16xf32> to vector<16xf32>
    %swap3A_76 = vector.shape_cast %broadcast_in_dim3A_72 : vector<16xf32> to vector<16xf32>
    tpu.vector_store %arg6[%swap3A_73], %swap3A_76 {strides = array<i32>} : memref<128xf32, #tpu.memory_space<vmem>>, vector<16xf32>,
    %broadcast_in_dim3A_77 = arith.constant 1.000000e+00 : f32
    %broadcast_in_dim3A_78 = vector.broadcast %broadcast_in_dim3A_77 : f32 to vector<16xf32>
    %swap3A_79 = arith.constant 80 : index
    %swap3A_80 = tpu.vector_load %arg6[%swap3A_79] {strides = array<i32>} : memref<128xf32, #tpu.memory_space<vmem>>, vector<16xf32>,
    %swap3A_81 = vector.shape_cast %swap3A_80 : vector<16xf32> to vector<16xf32>
    %swap3A_82 = vector.shape_cast %broadcast_in_dim3A_78 : vector<16xf32> to vector<16xf32>
    tpu.vector_store %arg6[%swap3A_79], %swap3A_82 {strides = array<i32>} : memref<128xf32, #tpu.memory_space<vmem>>, vector<16xf32>,
    %broadcast_in_dim3A_83 = arith.constant 1.000000e+00 : f32
    %broadcast_in_dim3A_84 = vector.broadcast %broadcast_in_dim3A_83 : f32 to vector<16xf32>
    %swap3A_85 = arith.constant 96 : index
    %swap3A_86 = tpu.vector_load %arg6[%swap3A_85] {strides = array<i32>} : memref<128xf32, #tpu.memory_space<vmem>>, vector<16xf32>,
    %swap3A_87 = vector.shape_cast %swap3A_86 : vector<16xf32> to vector<16xf32>
    %swap3A_88 = vector.shape_cast %broadcast_in_dim3A_84 : vector<16xf32> to vector<16xf32>
    tpu.vector_store %arg6[%swap3A_85], %swap3A_88 {strides = array<i32>} : memref<128xf32, #tpu.memory_space<vmem>>, vector<16xf32>,
    %broadcast_in_dim3A_89 = arith.constant 1.000000e+00 : f32
    %broadcast_in_dim3A_90 = vector.broadcast %broadcast_in_dim3A_89 : f32 to vector<16xf32>
    %swap3A_91 = arith.constant 112 : index
    %swap3A_92 = tpu.vector_load %arg6[%swap3A_91] {strides = array<i32>} : memref<128xf32, #tpu.memory_space<vmem>>, vector<16xf32>,
    %swap3A_93 = vector.shape_cast %swap3A_92 : vector<16xf32> to vector<16xf32>
    %swap3A_94 = vector.shape_cast %broadcast_in_dim3A_90 : vector<16xf32> to vector<16xf32>
    tpu.vector_store %arg6[%swap3A_91], %swap3A_94 {strides = array<i32>} : memref<128xf32, #tpu.memory_space<vmem>>, vector<16xf32>,
    %mul3A_95 = arith.constant 640 : i32
    %mul3A_96 = arith.muli %arg1, %mul3A_95 : i32
    %add3A_97 = arith.constant 0 : i32
    %add3A_98 = arith.addi %mul3A_96, %add3A_97 : i32
    "tpu.region"() ({
      %run_scoped3A = tpu.sem_alloc : memref<!tpu.dma_semaphore, #tpu.memory_space<semaphore_mem>>
      %dma_start3A = tpu.memref_slice %arg7[%add3A_98] : memref<10240xf32, #tpu.memory_space<vmem_shared>> -> memref<128xf32, #tpu.memory_space<vmem_shared>>
      %dma_start3A_132 = tpu.memref_slice %arg7[%add3A_98] : memref<10240xf32, #tpu.memory_space<vmem_shared>> -> memref<128xf32, #tpu.memory_space<vmem_shared>>
      tpu.enqueue_dma source(%arg5 : memref<128xf32, #tpu.memory_space<vmem>>) target(%dma_start3A_132 : memref<128xf32, #tpu.memory_space<vmem_shared>>) target_semaphore(%run_scoped3A : memref<!tpu.dma_semaphore, #tpu.memory_space<semaphore_mem>>)
      %dma_wait3A = tpu.memref_slice %arg7[%add3A_98] : memref<10240xf32, #tpu.memory_space<vmem_shared>> -> memref<128xf32, #tpu.memory_space<vmem_shared>>
      %dma_wait3A_133 = tpu.memref_slice %arg7[%add3A_98] : memref<10240xf32, #tpu.memory_space<vmem_shared>> -> memref<128xf32, #tpu.memory_space<vmem_shared>>
      tpu.wait_dma2 semaphore(%run_scoped3A : memref<!tpu.dma_semaphore, #tpu.memory_space<semaphore_mem>>) src(%arg5 : memref<128xf32, #tpu.memory_space<vmem>>) dst(%dma_wait3A_133 : memref<128xf32, #tpu.memory_space<vmem_shared>>)
      tpu.yield
    }) : () -> ()
    %add3A_99 = arith.constant 128 : i32
    %add3A_100 = arith.addi %mul3A_96, %add3A_99 : i32
    "tpu.region"() ({
      %run_scoped3A = tpu.sem_alloc : memref<!tpu.dma_semaphore, #tpu.memory_space<semaphore_mem>>
      %dma_start3A = tpu.memref_slice %arg7[%add3A_100] : memref<10240xf32, #tpu.memory_space<vmem_shared>> -> memref<128xf32, #tpu.memory_space<vmem_shared>>
      %dma_start3A_132 = tpu.memref_slice %arg7[%add3A_100] : memref<10240xf32, #tpu.memory_space<vmem_shared>> -> memref<128xf32, #tpu.memory_space<vmem_shared>>
      tpu.enqueue_dma source(%arg5 : memref<128xf32, #tpu.memory_space<vmem>>) target(%dma_start3A_132 : memref<128xf32, #tpu.memory_space<vmem_shared>>) target_semaphore(%run_scoped3A : memref<!tpu.dma_semaphore, #tpu.memory_space<semaphore_mem>>)
      %dma_wait3A = tpu.memref_slice %arg7[%add3A_100] : memref<10240xf32, #tpu.memory_space<vmem_shared>> -> memref<128xf32, #tpu.memory_space<vmem_shared>>
      %dma_wait3A_133 = tpu.memref_slice %arg7[%add3A_100] : memref<10240xf32, #tpu.memory_space<vmem_shared>> -> memref<128xf32, #tpu.memory_space<vmem_shared>>
      tpu.wait_dma2 semaphore(%run_scoped3A : memref<!tpu.dma_semaphore, #tpu.memory_space<semaphore_mem>>) src(%arg5 : memref<128xf32, #tpu.memory_space<vmem>>) dst(%dma_wait3A_133 : memref<128xf32, #tpu.memory_space<vmem_shared>>)
      tpu.yield
    }) : () -> ()
    %add3A_101 = arith.constant 256 : i32
    %add3A_102 = arith.addi %mul3A_96, %add3A_101 : i32
    "tpu.region"() ({
      %run_scoped3A = tpu.sem_alloc : memref<!tpu.dma_semaphore, #tpu.memory_space<semaphore_mem>>
      %dma_start3A = tpu.memref_slice %arg7[%add3A_102] : memref<10240xf32, #tpu.memory_space<vmem_shared>> -> memref<128xf32, #tpu.memory_space<vmem_shared>>
      %dma_start3A_132 = tpu.memref_slice %arg7[%add3A_102] : memref<10240xf32, #tpu.memory_space<vmem_shared>> -> memref<128xf32, #tpu.memory_space<vmem_shared>>
      tpu.enqueue_dma source(%arg5 : memref<128xf32, #tpu.memory_space<vmem>>) target(%dma_start3A_132 : memref<128xf32, #tpu.memory_space<vmem_shared>>) target_semaphore(%run_scoped3A : memref<!tpu.dma_semaphore, #tpu.memory_space<semaphore_mem>>)
      %dma_wait3A = tpu.memref_slice %arg7[%add3A_102] : memref<10240xf32, #tpu.memory_space<vmem_shared>> -> memref<128xf32, #tpu.memory_space<vmem_shared>>
      %dma_wait3A_133 = tpu.memref_slice %arg7[%add3A_102] : memref<10240xf32, #tpu.memory_space<vmem_shared>> -> memref<128xf32, #tpu.memory_space<vmem_shared>>
      tpu.wait_dma2 semaphore(%run_scoped3A : memref<!tpu.dma_semaphore, #tpu.memory_space<semaphore_mem>>) src(%arg5 : memref<128xf32, #tpu.memory_space<vmem>>) dst(%dma_wait3A_133 : memref<128xf32, #tpu.memory_space<vmem_shared>>)
      tpu.yield
    }) : () -> ()
    %add3A_103 = arith.constant 384 : i32
    %add3A_104 = arith.addi %mul3A_96, %add3A_103 : i32
    "tpu.region"() ({
      %run_scoped3A = tpu.sem_alloc : memref<!tpu.dma_semaphore, #tpu.memory_space<semaphore_mem>>
      %dma_start3A = tpu.memref_slice %arg7[%add3A_104] : memref<10240xf32, #tpu.memory_space<vmem_shared>> -> memref<128xf32, #tpu.memory_space<vmem_shared>>
      %dma_start3A_132 = tpu.memref_slice %arg7[%add3A_104] : memref<10240xf32, #tpu.memory_space<vmem_shared>> -> memref<128xf32, #tpu.memory_space<vmem_shared>>
      tpu.enqueue_dma source(%arg5 : memref<128xf32, #tpu.memory_space<vmem>>) target(%dma_start3A_132 : memref<128xf32, #tpu.memory_space<vmem_shared>>) target_semaphore(%run_scoped3A : memref<!tpu.dma_semaphore, #tpu.memory_space<semaphore_mem>>)
      %dma_wait3A = tpu.memref_slice %arg7[%add3A_104] : memref<10240xf32, #tpu.memory_space<vmem_shared>> -> memref<128xf32, #tpu.memory_space<vmem_shared>>
      %dma_wait3A_133 = tpu.memref_slice %arg7[%add3A_104] : memref<10240xf32, #tpu.memory_space<vmem_shared>> -> memref<128xf32, #tpu.memory_space<vmem_shared>>
      tpu.wait_dma2 semaphore(%run_scoped3A : memref<!tpu.dma_semaphore, #tpu.memory_space<semaphore_mem>>) src(%arg5 : memref<128xf32, #tpu.memory_space<vmem>>) dst(%dma_wait3A_133 : memref<128xf32, #tpu.memory_space<vmem_shared>>)
      tpu.yield
    }) : () -> ()
    %add3A_105 = arith.constant 512 : i32
    %add3A_106 = arith.addi %mul3A_96, %add3A_105 : i32
    "tpu.region"() ({
      %run_scoped3A = tpu.sem_alloc : memref<!tpu.dma_semaphore, #tpu.memory_space<semaphore_mem>>
      %dma_start3A = tpu.memref_slice %arg7[%add3A_106] : memref<10240xf32, #tpu.memory_space<vmem_shared>> -> memref<128xf32, #tpu.memory_space<vmem_shared>>
      %dma_start3A_132 = tpu.memref_slice %arg7[%add3A_106] : memref<10240xf32, #tpu.memory_space<vmem_shared>> -> memref<128xf32, #tpu.memory_space<vmem_shared>>
      tpu.enqueue_dma source(%arg5 : memref<128xf32, #tpu.memory_space<vmem>>) target(%dma_start3A_132 : memref<128xf32, #tpu.memory_space<vmem_shared>>) target_semaphore(%run_scoped3A : memref<!tpu.dma_semaphore, #tpu.memory_space<semaphore_mem>>)
      %dma_wait3A = tpu.memref_slice %arg7[%add3A_106] : memref<10240xf32, #tpu.memory_space<vmem_shared>> -> memref<128xf32, #tpu.memory_space<vmem_shared>>
      %dma_wait3A_133 = tpu.memref_slice %arg7[%add3A_106] : memref<10240xf32, #tpu.memory_space<vmem_shared>> -> memref<128xf32, #tpu.memory_space<vmem_shared>>
      tpu.wait_dma2 semaphore(%run_scoped3A : memref<!tpu.dma_semaphore, #tpu.memory_space<semaphore_mem>>) src(%arg5 : memref<128xf32, #tpu.memory_space<vmem>>) dst(%dma_wait3A_133 : memref<128xf32, #tpu.memory_space<vmem_shared>>)
      tpu.yield
    }) : () -> ()
    %barrier3A = arith.constant 0 : index
    tpu.barrier barrier_id(%barrier3A)
    %scan3A = arith.constant 0 : i32
    %scan3A_107 = arith.constant 80 : i32
    %scan3A_108 = arith.addi %scan3A, %scan3A_107 : i32
    %scan3A_109 = arith.constant 1 : i32
    scf.for %scan3A_132 = %scan3A to %scan3A_108 step %scan3A_109  : i32 {
      "tpu.region"() ({
        %run_scoped3A = tpu.sem_alloc : memref<!tpu.dma_semaphore, #tpu.memory_space<semaphore_mem>>
        %dma_start3A = arith.constant 0 : i32
        %dma_start3A_133 = tpu.memref_slice %arg4[%scan3A_132, %dma_start3A] : memref<80x128xi32, #tpu.memory_space<vmem>> -> memref<1x128xi32, #tpu.memory_space<vmem>>
        %dma_start3A_134 = tpu.memref_squeeze %dma_start3A_133 : memref<1x128xi32, #tpu.memory_space<vmem>> -> memref<128xi32, #tpu.memory_space<vmem>>
        %dma_start3A_135 = arith.constant 0 : i32
        %dma_start3A_136 = tpu.memref_slice %arg7[%dma_start3A_135] : memref<10240xf32, #tpu.memory_space<vmem_shared>> -> memref<10240xf32, #tpu.memory_space<vmem_shared>>
        tpu.enqueue_indirect_dma source(%arg6 : memref<128xf32, #tpu.memory_space<vmem>>) target(%dma_start3A_136 : memref<10240xf32, #tpu.memory_space<vmem_shared>>) offsets(%dma_start3A_134 : memref<128xi32, #tpu.memory_space<vmem>>) semaphore(%run_scoped3A : memref<!tpu.dma_semaphore, #tpu.memory_space<semaphore_mem>>) {add = true}
        %dma_wait3A = arith.constant 0 : i32
        %dma_wait3A_137 = tpu.memref_slice %arg4[%scan3A_132, %dma_wait3A] : memref<80x128xi32, #tpu.memory_space<vmem>> -> memref<1x128xi32, #tpu.memory_space<vmem>>
        %dma_wait3A_138 = tpu.memref_squeeze %dma_wait3A_137 : memref<1x128xi32, #tpu.memory_space<vmem>> -> memref<128xi32, #tpu.memory_space<vmem>>
        %dma_wait3A_139 = arith.constant 0 : i32
        %dma_wait3A_140 = tpu.memref_slice %arg7[%dma_wait3A_139] : memref<10240xf32, #tpu.memory_space<vmem_shared>> -> memref<10240xf32, #tpu.memory_space<vmem_shared>>
        tpu.wait_indirect_dma semaphore(%run_scoped3A : memref<!tpu.dma_semaphore, #tpu.memory_space<semaphore_mem>>) src(%arg6 : memref<128xf32, #tpu.memory_space<vmem>>) dst(%dma_wait3A_140 : memref<10240xf32, #tpu.memory_space<vmem_shared>>)
        tpu.yield
      }) : () -> ()
    }
    %scan3A_110 = arith.constant 80 : i32
    %barrier3A_111 = arith.constant 0 : index
    tpu.barrier barrier_id(%barrier3A_111)
    %add3A_112 = arith.constant 0 : i32
    %add3A_113 = arith.addi %mul3A_96, %add3A_112 : i32
    %add3A_114 = arith.constant 0 : i32
    %add3A_115 = arith.addi %mul3A_96, %add3A_114 : i32
    "tpu.region"() ({
      %run_scoped3A = tpu.sem_alloc : memref<!tpu.dma_semaphore, #tpu.memory_space<semaphore_mem>>
      %dma_start3A = tpu.memref_slice %arg3[%arg0, %add3A_115] : memref<2x10240xf32, #tpu.memory_space<hbm>> -> memref<1x128xf32, #tpu.memory_space<hbm>>
      %dma_start3A_132 = tpu.memref_squeeze %dma_start3A : memref<1x128xf32, #tpu.memory_space<hbm>> -> memref<128xf32, #tpu.memory_space<hbm>>
      %dma_start3A_133 = tpu.memref_slice %arg7[%add3A_113] : memref<10240xf32, #tpu.memory_space<vmem_shared>> -> memref<128xf32, #tpu.memory_space<vmem_shared>>
      tpu.enqueue_dma source(%dma_start3A_133 : memref<128xf32, #tpu.memory_space<vmem_shared>>) target(%dma_start3A_132 : memref<128xf32, #tpu.memory_space<hbm>>) target_semaphore(%run_scoped3A : memref<!tpu.dma_semaphore, #tpu.memory_space<semaphore_mem>>)
      %dma_wait3A = tpu.memref_slice %arg3[%arg0, %add3A_115] : memref<2x10240xf32, #tpu.memory_space<hbm>> -> memref<1x128xf32, #tpu.memory_space<hbm>>
      %dma_wait3A_134 = tpu.memref_squeeze %dma_wait3A : memref<1x128xf32, #tpu.memory_space<hbm>> -> memref<128xf32, #tpu.memory_space<hbm>>
      %dma_wait3A_135 = tpu.memref_slice %arg7[%add3A_113] : memref<10240xf32, #tpu.memory_space<vmem_shared>> -> memref<128xf32, #tpu.memory_space<vmem_shared>>
      tpu.wait_dma2 semaphore(%run_scoped3A : memref<!tpu.dma_semaphore, #tpu.memory_space<semaphore_mem>>) src(%dma_wait3A_135 : memref<128xf32, #tpu.memory_space<vmem_shared>>) dst(%dma_wait3A_134 : memref<128xf32, #tpu.memory_space<hbm>>)
      tpu.yield
    }) : () -> ()
    %add3A_116 = arith.constant 128 : i32
    %add3A_117 = arith.addi %mul3A_96, %add3A_116 : i32
    %add3A_118 = arith.constant 128 : i32
    %add3A_119 = arith.addi %mul3A_96, %add3A_118 : i32
    "tpu.region"() ({
      %run_scoped3A = tpu.sem_alloc : memref<!tpu.dma_semaphore, #tpu.memory_space<semaphore_mem>>
      %dma_start3A = tpu.memref_slice %arg3[%arg0, %add3A_119] : memref<2x10240xf32, #tpu.memory_space<hbm>> -> memref<1x128xf32, #tpu.memory_space<hbm>>
      %dma_start3A_132 = tpu.memref_squeeze %dma_start3A : memref<1x128xf32, #tpu.memory_space<hbm>> -> memref<128xf32, #tpu.memory_space<hbm>>
      %dma_start3A_133 = tpu.memref_slice %arg7[%add3A_117] : memref<10240xf32, #tpu.memory_space<vmem_shared>> -> memref<128xf32, #tpu.memory_space<vmem_shared>>
      tpu.enqueue_dma source(%dma_start3A_133 : memref<128xf32, #tpu.memory_space<vmem_shared>>) target(%dma_start3A_132 : memref<128xf32, #tpu.memory_space<hbm>>) target_semaphore(%run_scoped3A : memref<!tpu.dma_semaphore, #tpu.memory_space<semaphore_mem>>)
      %dma_wait3A = tpu.memref_slice %arg3[%arg0, %add3A_119] : memref<2x10240xf32, #tpu.memory_space<hbm>> -> memref<1x128xf32, #tpu.memory_space<hbm>>
      %dma_wait3A_134 = tpu.memref_squeeze %dma_wait3A : memref<1x128xf32, #tpu.memory_space<hbm>> -> memref<128xf32, #tpu.memory_space<hbm>>
      %dma_wait3A_135 = tpu.memref_slice %arg7[%add3A_117] : memref<10240xf32, #tpu.memory_space<vmem_shared>> -> memref<128xf32, #tpu.memory_space<vmem_shared>>
      tpu.wait_dma2 semaphore(%run_scoped3A : memref<!tpu.dma_semaphore, #tpu.memory_space<semaphore_mem>>) src(%dma_wait3A_135 : memref<128xf32, #tpu.memory_space<vmem_shared>>) dst(%dma_wait3A_134 : memref<128xf32, #tpu.memory_space<hbm>>)
      tpu.yield
    }) : () -> ()
    %add3A_120 = arith.constant 256 : i32
    %add3A_121 = arith.addi %mul3A_96, %add3A_120 : i32
    %add3A_122 = arith.constant 256 : i32
    %add3A_123 = arith.addi %mul3A_96, %add3A_122 : i32
    "tpu.region"() ({
      %run_scoped3A = tpu.sem_alloc : memref<!tpu.dma_semaphore, #tpu.memory_space<semaphore_mem>>
      %dma_start3A = tpu.memref_slice %arg3[%arg0, %add3A_123] : memref<2x10240xf32, #tpu.memory_space<hbm>> -> memref<1x128xf32, #tpu.memory_space<hbm>>
      %dma_start3A_132 = tpu.memref_squeeze %dma_start3A : memref<1x128xf32, #tpu.memory_space<hbm>> -> memref<128xf32, #tpu.memory_space<hbm>>
      %dma_start3A_133 = tpu.memref_slice %arg7[%add3A_121] : memref<10240xf32, #tpu.memory_space<vmem_shared>> -> memref<128xf32, #tpu.memory_space<vmem_shared>>
      tpu.enqueue_dma source(%dma_start3A_133 : memref<128xf32, #tpu.memory_space<vmem_shared>>) target(%dma_start3A_132 : memref<128xf32, #tpu.memory_space<hbm>>) target_semaphore(%run_scoped3A : memref<!tpu.dma_semaphore, #tpu.memory_space<semaphore_mem>>)
      %dma_wait3A = tpu.memref_slice %arg3[%arg0, %add3A_123] : memref<2x10240xf32, #tpu.memory_space<hbm>> -> memref<1x128xf32, #tpu.memory_space<hbm>>
      %dma_wait3A_134 = tpu.memref_squeeze %dma_wait3A : memref<1x128xf32, #tpu.memory_space<hbm>> -> memref<128xf32, #tpu.memory_space<hbm>>
      %dma_wait3A_135 = tpu.memref_slice %arg7[%add3A_121] : memref<10240xf32, #tpu.memory_space<vmem_shared>> -> memref<128xf32, #tpu.memory_space<vmem_shared>>
      tpu.wait_dma2 semaphore(%run_scoped3A : memref<!tpu.dma_semaphore, #tpu.memory_space<semaphore_mem>>) src(%dma_wait3A_135 : memref<128xf32, #tpu.memory_space<vmem_shared>>) dst(%dma_wait3A_134 : memref<128xf32, #tpu.memory_space<hbm>>)
      tpu.yield
    }) : () -> ()
    %add3A_124 = arith.constant 384 : i32
    %add3A_125 = arith.addi %mul3A_96, %add3A_124 : i32
    %add3A_126 = arith.constant 384 : i32
    %add3A_127 = arith.addi %mul3A_96, %add3A_126 : i32
    "tpu.region"() ({
      %run_scoped3A = tpu.sem_alloc : memref<!tpu.dma_semaphore, #tpu.memory_space<semaphore_mem>>
      %dma_start3A = tpu.memref_slice %arg3[%arg0, %add3A_127] : memref<2x10240xf32, #tpu.memory_space<hbm>> -> memref<1x128xf32, #tpu.memory_space<hbm>>
      %dma_start3A_132 = tpu.memref_squeeze %dma_start3A : memref<1x128xf32, #tpu.memory_space<hbm>> -> memref<128xf32, #tpu.memory_space<hbm>>
      %dma_start3A_133 = tpu.memref_slice %arg7[%add3A_125] : memref<10240xf32, #tpu.memory_space<vmem_shared>> -> memref<128xf32, #tpu.memory_space<vmem_shared>>
      tpu.enqueue_dma source(%dma_start3A_133 : memref<128xf32, #tpu.memory_space<vmem_shared>>) target(%dma_start3A_132 : memref<128xf32, #tpu.memory_space<hbm>>) target_semaphore(%run_scoped3A : memref<!tpu.dma_semaphore, #tpu.memory_space<semaphore_mem>>)
      %dma_wait3A = tpu.memref_slice %arg3[%arg0, %add3A_127] : memref<2x10240xf32, #tpu.memory_space<hbm>> -> memref<1x128xf32, #tpu.memory_space<hbm>>
      %dma_wait3A_134 = tpu.memref_squeeze %dma_wait3A : memref<1x128xf32, #tpu.memory_space<hbm>> -> memref<128xf32, #tpu.memory_space<hbm>>
      %dma_wait3A_135 = tpu.memref_slice %arg7[%add3A_125] : memref<10240xf32, #tpu.memory_space<vmem_shared>> -> memref<128xf32, #tpu.memory_space<vmem_shared>>
      tpu.wait_dma2 semaphore(%run_scoped3A : memref<!tpu.dma_semaphore, #tpu.memory_space<semaphore_mem>>) src(%dma_wait3A_135 : memref<128xf32, #tpu.memory_space<vmem_shared>>) dst(%dma_wait3A_134 : memref<128xf32, #tpu.memory_space<hbm>>)
      tpu.yield
    }) : () -> ()
    %add3A_128 = arith.constant 512 : i32
    %add3A_129 = arith.addi %mul3A_96, %add3A_128 : i32
    %add3A_130 = arith.constant 512 : i32
    %add3A_131 = arith.addi %mul3A_96, %add3A_130 : i32
    "tpu.region"() ({
      %run_scoped3A = tpu.sem_alloc : memref<!tpu.dma_semaphore, #tpu.memory_space<semaphore_mem>>
      %dma_start3A = tpu.memref_slice %arg3[%arg0, %add3A_131] : memref<2x10240xf32, #tpu.memory_space<hbm>> -> memref<1x128xf32, #tpu.memory_space<hbm>>
      %dma_start3A_132 = tpu.memref_squeeze %dma_start3A : memref<1x128xf32, #tpu.memory_space<hbm>> -> memref<128xf32, #tpu.memory_space<hbm>>
      %dma_start3A_133 = tpu.memref_slice %arg7[%add3A_129] : memref<10240xf32, #tpu.memory_space<vmem_shared>> -> memref<128xf32, #tpu.memory_space<vmem_shared>>
      tpu.enqueue_dma source(%dma_start3A_133 : memref<128xf32, #tpu.memory_space<vmem_shared>>) target(%dma_start3A_132 : memref<128xf32, #tpu.memory_space<hbm>>) target_semaphore(%run_scoped3A : memref<!tpu.dma_semaphore, #tpu.memory_space<semaphore_mem>>)
      %dma_wait3A = tpu.memref_slice %arg3[%arg0, %add3A_131] : memref<2x10240xf32, #tpu.memory_space<hbm>> -> memref<1x128xf32, #tpu.memory_space<hbm>>
      %dma_wait3A_134 = tpu.memref_squeeze %dma_wait3A : memref<1x128xf32, #tpu.memory_space<hbm>> -> memref<128xf32, #tpu.memory_space<hbm>>
      %dma_wait3A_135 = tpu.memref_slice %arg7[%add3A_129] : memref<10240xf32, #tpu.memory_space<vmem_shared>> -> memref<128xf32, #tpu.memory_space<vmem_shared>>
      tpu.wait_dma2 semaphore(%run_scoped3A : memref<!tpu.dma_semaphore, #tpu.memory_space<semaphore_mem>>) src(%dma_wait3A_135 : memref<128xf32, #tpu.memory_space<vmem_shared>>) dst(%dma_wait3A_134 : memref<128xf32, #tpu.memory_space<hbm>>)
      tpu.yield
    }) : () -> ()
    return
  }
}

#map = affine_map<(d0, d1) -> (0, 0)>
#map1 = affine_map<(d0, d1) -> (0, 0, 0, 0)>
#map2 = affine_map<(d0, d1) -> (0, 0, 0)>
module attributes {stable_mosaic.version = 14 : i64} {
  func.func @scatter_kernel(%arg0: i32, %arg1: i32, %arg2: memref<10240x128xf32, #tpu.memory_space<hbm>>, %arg3: memref<32x84x2x128xi32, #tpu.memory_space<hbm>>, %arg4: memref<2x10240x128xf32, #tpu.memory_space<hbm>>, %arg5: memref<4x2x128xi32, #tpu.memory_space<vmem>>, %arg6: memref<128x128xf32, #tpu.memory_space<vmem>>, %arg7: memref<128x128xf32, #tpu.memory_space<vmem>>, %arg8: memref<10240x128xf32, #tpu.memory_space<vmem_shared>>, %arg9: memref<!tpu.dma_semaphore, #tpu.memory_space<semaphore_mem>>, %arg10: memref<!tpu.dma_semaphore, #tpu.memory_space<semaphore_mem>>, %arg11: memref<!tpu.dma_semaphore, #tpu.memory_space<semaphore_mem>>, %arg12: memref<!tpu.dma_semaphore, #tpu.memory_space<semaphore_mem>>, %arg13: memref<!tpu.dma_semaphore, #tpu.memory_space<semaphore_mem>>, %arg14: memref<!tpu.dma_semaphore, #tpu.memory_space<semaphore_mem>>) attributes {dimension_semantics = [#tpu.dimension_semantics<core_parallel>, #tpu.dimension_semantics<subcore_parallel>], iteration_bounds = array<i64: 2, 16>, scalar_prefetch = 0 : i64, scratch_operands = 10 : i64, tpu.core_type = #tpu.core_type<sc_vector_subcore>, window_params = [{transform_indices = #map}, {transform_indices = #map1}, {transform_indices = #map2}]} {
    %mul3A = arith.constant 2 : i32
    %mul3A_0 = arith.muli %arg1, %mul3A : i32
    %add3A = arith.addi %mul3A_0, %arg0 : i32
    %scan3A = arith.constant 0 : i32
    %scan3A_1 = arith.constant 128 : i32
    %scan3A_2 = arith.addi %scan3A, %scan3A_1 : i32
    %scan3A_3 = arith.constant 1 : i32
    scf.for %scan3A_201 = %scan3A to %scan3A_2 step %scan3A_3  : i32 {
      %broadcast_in_dim3A = arith.constant 0.000000e+00 : f32
      %broadcast_in_dim3A_202 = vector.broadcast %broadcast_in_dim3A : f32 to vector<16xf32>
      %swap3A = arith.index_cast %scan3A_201 : i32 to index
      %swap3A_203 = arith.constant 0 : index
      %swap3A_204 = tpu.vector_load %arg6[%swap3A, %swap3A_203] {strides = array<i32>} : memref<128x128xf32, #tpu.memory_space<vmem>>, vector<1x16xf32>,
      %swap3A_205 = vector.shape_cast %swap3A_204 : vector<1x16xf32> to vector<16xf32>
      %swap3A_206 = vector.shape_cast %broadcast_in_dim3A_202 : vector<16xf32> to vector<1x16xf32>
      tpu.vector_store %arg6[%swap3A, %swap3A_203], %swap3A_206 {strides = array<i32>} : memref<128x128xf32, #tpu.memory_space<vmem>>, vector<1x16xf32>,
      %broadcast_in_dim3A_207 = arith.constant 0.000000e+00 : f32
      %broadcast_in_dim3A_208 = vector.broadcast %broadcast_in_dim3A_207 : f32 to vector<16xf32>
      %swap3A_209 = arith.index_cast %scan3A_201 : i32 to index
      %swap3A_210 = arith.constant 16 : index
      %swap3A_211 = tpu.vector_load %arg6[%swap3A_209, %swap3A_210] {strides = array<i32>} : memref<128x128xf32, #tpu.memory_space<vmem>>, vector<1x16xf32>,
      %swap3A_212 = vector.shape_cast %swap3A_211 : vector<1x16xf32> to vector<16xf32>
      %swap3A_213 = vector.shape_cast %broadcast_in_dim3A_208 : vector<16xf32> to vector<1x16xf32>
      tpu.vector_store %arg6[%swap3A_209, %swap3A_210], %swap3A_213 {strides = array<i32>} : memref<128x128xf32, #tpu.memory_space<vmem>>, vector<1x16xf32>,
      %broadcast_in_dim3A_214 = arith.constant 0.000000e+00 : f32
      %broadcast_in_dim3A_215 = vector.broadcast %broadcast_in_dim3A_214 : f32 to vector<16xf32>
      %swap3A_216 = arith.index_cast %scan3A_201 : i32 to index
      %swap3A_217 = arith.constant 32 : index
      %swap3A_218 = tpu.vector_load %arg6[%swap3A_216, %swap3A_217] {strides = array<i32>} : memref<128x128xf32, #tpu.memory_space<vmem>>, vector<1x16xf32>,
      %swap3A_219 = vector.shape_cast %swap3A_218 : vector<1x16xf32> to vector<16xf32>
      %swap3A_220 = vector.shape_cast %broadcast_in_dim3A_215 : vector<16xf32> to vector<1x16xf32>
      tpu.vector_store %arg6[%swap3A_216, %swap3A_217], %swap3A_220 {strides = array<i32>} : memref<128x128xf32, #tpu.memory_space<vmem>>, vector<1x16xf32>,
      %broadcast_in_dim3A_221 = arith.constant 0.000000e+00 : f32
      %broadcast_in_dim3A_222 = vector.broadcast %broadcast_in_dim3A_221 : f32 to vector<16xf32>
      %swap3A_223 = arith.index_cast %scan3A_201 : i32 to index
      %swap3A_224 = arith.constant 48 : index
      %swap3A_225 = tpu.vector_load %arg6[%swap3A_223, %swap3A_224] {strides = array<i32>} : memref<128x128xf32, #tpu.memory_space<vmem>>, vector<1x16xf32>,
      %swap3A_226 = vector.shape_cast %swap3A_225 : vector<1x16xf32> to vector<16xf32>
      %swap3A_227 = vector.shape_cast %broadcast_in_dim3A_222 : vector<16xf32> to vector<1x16xf32>
      tpu.vector_store %arg6[%swap3A_223, %swap3A_224], %swap3A_227 {strides = array<i32>} : memref<128x128xf32, #tpu.memory_space<vmem>>, vector<1x16xf32>,
      %broadcast_in_dim3A_228 = arith.constant 0.000000e+00 : f32
      %broadcast_in_dim3A_229 = vector.broadcast %broadcast_in_dim3A_228 : f32 to vector<16xf32>
      %swap3A_230 = arith.index_cast %scan3A_201 : i32 to index
      %swap3A_231 = arith.constant 64 : index
      %swap3A_232 = tpu.vector_load %arg6[%swap3A_230, %swap3A_231] {strides = array<i32>} : memref<128x128xf32, #tpu.memory_space<vmem>>, vector<1x16xf32>,
      %swap3A_233 = vector.shape_cast %swap3A_232 : vector<1x16xf32> to vector<16xf32>
      %swap3A_234 = vector.shape_cast %broadcast_in_dim3A_229 : vector<16xf32> to vector<1x16xf32>
      tpu.vector_store %arg6[%swap3A_230, %swap3A_231], %swap3A_234 {strides = array<i32>} : memref<128x128xf32, #tpu.memory_space<vmem>>, vector<1x16xf32>,
      %broadcast_in_dim3A_235 = arith.constant 0.000000e+00 : f32
      %broadcast_in_dim3A_236 = vector.broadcast %broadcast_in_dim3A_235 : f32 to vector<16xf32>
      %swap3A_237 = arith.index_cast %scan3A_201 : i32 to index
      %swap3A_238 = arith.constant 80 : index
      %swap3A_239 = tpu.vector_load %arg6[%swap3A_237, %swap3A_238] {strides = array<i32>} : memref<128x128xf32, #tpu.memory_space<vmem>>, vector<1x16xf32>,
      %swap3A_240 = vector.shape_cast %swap3A_239 : vector<1x16xf32> to vector<16xf32>
      %swap3A_241 = vector.shape_cast %broadcast_in_dim3A_236 : vector<16xf32> to vector<1x16xf32>
      tpu.vector_store %arg6[%swap3A_237, %swap3A_238], %swap3A_241 {strides = array<i32>} : memref<128x128xf32, #tpu.memory_space<vmem>>, vector<1x16xf32>,
      %broadcast_in_dim3A_242 = arith.constant 0.000000e+00 : f32
      %broadcast_in_dim3A_243 = vector.broadcast %broadcast_in_dim3A_242 : f32 to vector<16xf32>
      %swap3A_244 = arith.index_cast %scan3A_201 : i32 to index
      %swap3A_245 = arith.constant 96 : index
      %swap3A_246 = tpu.vector_load %arg6[%swap3A_244, %swap3A_245] {strides = array<i32>} : memref<128x128xf32, #tpu.memory_space<vmem>>, vector<1x16xf32>,
      %swap3A_247 = vector.shape_cast %swap3A_246 : vector<1x16xf32> to vector<16xf32>
      %swap3A_248 = vector.shape_cast %broadcast_in_dim3A_243 : vector<16xf32> to vector<1x16xf32>
      tpu.vector_store %arg6[%swap3A_244, %swap3A_245], %swap3A_248 {strides = array<i32>} : memref<128x128xf32, #tpu.memory_space<vmem>>, vector<1x16xf32>,
      %broadcast_in_dim3A_249 = arith.constant 0.000000e+00 : f32
      %broadcast_in_dim3A_250 = vector.broadcast %broadcast_in_dim3A_249 : f32 to vector<16xf32>
      %swap3A_251 = arith.index_cast %scan3A_201 : i32 to index
      %swap3A_252 = arith.constant 112 : index
      %swap3A_253 = tpu.vector_load %arg6[%swap3A_251, %swap3A_252] {strides = array<i32>} : memref<128x128xf32, #tpu.memory_space<vmem>>, vector<1x16xf32>,
      %swap3A_254 = vector.shape_cast %swap3A_253 : vector<1x16xf32> to vector<16xf32>
      %swap3A_255 = vector.shape_cast %broadcast_in_dim3A_250 : vector<16xf32> to vector<1x16xf32>
      tpu.vector_store %arg6[%swap3A_251, %swap3A_252], %swap3A_255 {strides = array<i32>} : memref<128x128xf32, #tpu.memory_space<vmem>>, vector<1x16xf32>,
    }
    %scan3A_4 = arith.constant 128 : i32
    %mul3A_5 = arith.constant 640 : i32
    %mul3A_6 = arith.muli %arg1, %mul3A_5 : i32
    %add3A_7 = arith.constant 0 : i32
    %add3A_8 = arith.addi %mul3A_6, %add3A_7 : i32
    "tpu.region"() ({
      %run_scoped3A = tpu.sem_alloc : memref<!tpu.dma_semaphore, #tpu.memory_space<semaphore_mem>>
      %dma_start3A_201 = arith.constant 0 : i32
      %dma_start3A_202 = tpu.memref_slice %arg8[%add3A_8, %dma_start3A_201] : memref<10240x128xf32, #tpu.memory_space<vmem_shared>> -> memref<128x128xf32, #tpu.memory_space<vmem_shared>>
      %dma_start3A_203 = arith.constant 0 : i32
      %dma_start3A_204 = tpu.memref_slice %arg8[%add3A_8, %dma_start3A_203] : memref<10240x128xf32, #tpu.memory_space<vmem_shared>> -> memref<128x128xf32, #tpu.memory_space<vmem_shared>>
      tpu.enqueue_dma source(%arg6 : memref<128x128xf32, #tpu.memory_space<vmem>>) target(%dma_start3A_204 : memref<128x128xf32, #tpu.memory_space<vmem_shared>>) target_semaphore(%run_scoped3A : memref<!tpu.dma_semaphore, #tpu.memory_space<semaphore_mem>>)
      %dma_wait3A_205 = arith.constant 0 : i32
      %dma_wait3A_206 = tpu.memref_slice %arg8[%add3A_8, %dma_wait3A_205] : memref<10240x128xf32, #tpu.memory_space<vmem_shared>> -> memref<128x128xf32, #tpu.memory_space<vmem_shared>>
      %dma_wait3A_207 = arith.constant 0 : i32
      %dma_wait3A_208 = tpu.memref_slice %arg8[%add3A_8, %dma_wait3A_207] : memref<10240x128xf32, #tpu.memory_space<vmem_shared>> -> memref<128x128xf32, #tpu.memory_space<vmem_shared>>
      tpu.wait_dma2 semaphore(%run_scoped3A : memref<!tpu.dma_semaphore, #tpu.memory_space<semaphore_mem>>) src(%arg6 : memref<128x128xf32, #tpu.memory_space<vmem>>) dst(%dma_wait3A_208 : memref<128x128xf32, #tpu.memory_space<vmem_shared>>)
      tpu.yield
    }) : () -> ()
    %add3A_9 = arith.constant 128 : i32
    %add3A_10 = arith.addi %mul3A_6, %add3A_9 : i32
    "tpu.region"() ({
      %run_scoped3A = tpu.sem_alloc : memref<!tpu.dma_semaphore, #tpu.memory_space<semaphore_mem>>
      %dma_start3A_201 = arith.constant 0 : i32
      %dma_start3A_202 = tpu.memref_slice %arg8[%add3A_10, %dma_start3A_201] : memref<10240x128xf32, #tpu.memory_space<vmem_shared>> -> memref<128x128xf32, #tpu.memory_space<vmem_shared>>
      %dma_start3A_203 = arith.constant 0 : i32
      %dma_start3A_204 = tpu.memref_slice %arg8[%add3A_10, %dma_start3A_203] : memref<10240x128xf32, #tpu.memory_space<vmem_shared>> -> memref<128x128xf32, #tpu.memory_space<vmem_shared>>
      tpu.enqueue_dma source(%arg6 : memref<128x128xf32, #tpu.memory_space<vmem>>) target(%dma_start3A_204 : memref<128x128xf32, #tpu.memory_space<vmem_shared>>) target_semaphore(%run_scoped3A : memref<!tpu.dma_semaphore, #tpu.memory_space<semaphore_mem>>)
      %dma_wait3A_205 = arith.constant 0 : i32
      %dma_wait3A_206 = tpu.memref_slice %arg8[%add3A_10, %dma_wait3A_205] : memref<10240x128xf32, #tpu.memory_space<vmem_shared>> -> memref<128x128xf32, #tpu.memory_space<vmem_shared>>
      %dma_wait3A_207 = arith.constant 0 : i32
      %dma_wait3A_208 = tpu.memref_slice %arg8[%add3A_10, %dma_wait3A_207] : memref<10240x128xf32, #tpu.memory_space<vmem_shared>> -> memref<128x128xf32, #tpu.memory_space<vmem_shared>>
      tpu.wait_dma2 semaphore(%run_scoped3A : memref<!tpu.dma_semaphore, #tpu.memory_space<semaphore_mem>>) src(%arg6 : memref<128x128xf32, #tpu.memory_space<vmem>>) dst(%dma_wait3A_208 : memref<128x128xf32, #tpu.memory_space<vmem_shared>>)
      tpu.yield
    }) : () -> ()
    %add3A_11 = arith.constant 256 : i32
    %add3A_12 = arith.addi %mul3A_6, %add3A_11 : i32
    "tpu.region"() ({
      %run_scoped3A = tpu.sem_alloc : memref<!tpu.dma_semaphore, #tpu.memory_space<semaphore_mem>>
      %dma_start3A_201 = arith.constant 0 : i32
      %dma_start3A_202 = tpu.memref_slice %arg8[%add3A_12, %dma_start3A_201] : memref<10240x128xf32, #tpu.memory_space<vmem_shared>> -> memref<128x128xf32, #tpu.memory_space<vmem_shared>>
      %dma_start3A_203 = arith.constant 0 : i32
      %dma_start3A_204 = tpu.memref_slice %arg8[%add3A_12, %dma_start3A_203] : memref<10240x128xf32, #tpu.memory_space<vmem_shared>> -> memref<128x128xf32, #tpu.memory_space<vmem_shared>>
      tpu.enqueue_dma source(%arg6 : memref<128x128xf32, #tpu.memory_space<vmem>>) target(%dma_start3A_204 : memref<128x128xf32, #tpu.memory_space<vmem_shared>>) target_semaphore(%run_scoped3A : memref<!tpu.dma_semaphore, #tpu.memory_space<semaphore_mem>>)
      %dma_wait3A_205 = arith.constant 0 : i32
      %dma_wait3A_206 = tpu.memref_slice %arg8[%add3A_12, %dma_wait3A_205] : memref<10240x128xf32, #tpu.memory_space<vmem_shared>> -> memref<128x128xf32, #tpu.memory_space<vmem_shared>>
      %dma_wait3A_207 = arith.constant 0 : i32
      %dma_wait3A_208 = tpu.memref_slice %arg8[%add3A_12, %dma_wait3A_207] : memref<10240x128xf32, #tpu.memory_space<vmem_shared>> -> memref<128x128xf32, #tpu.memory_space<vmem_shared>>
      tpu.wait_dma2 semaphore(%run_scoped3A : memref<!tpu.dma_semaphore, #tpu.memory_space<semaphore_mem>>) src(%arg6 : memref<128x128xf32, #tpu.memory_space<vmem>>) dst(%dma_wait3A_208 : memref<128x128xf32, #tpu.memory_space<vmem_shared>>)
      tpu.yield
    }) : () -> ()
    %add3A_13 = arith.constant 384 : i32
    %add3A_14 = arith.addi %mul3A_6, %add3A_13 : i32
    "tpu.region"() ({
      %run_scoped3A = tpu.sem_alloc : memref<!tpu.dma_semaphore, #tpu.memory_space<semaphore_mem>>
      %dma_start3A_201 = arith.constant 0 : i32
      %dma_start3A_202 = tpu.memref_slice %arg8[%add3A_14, %dma_start3A_201] : memref<10240x128xf32, #tpu.memory_space<vmem_shared>> -> memref<128x128xf32, #tpu.memory_space<vmem_shared>>
      %dma_start3A_203 = arith.constant 0 : i32
      %dma_start3A_204 = tpu.memref_slice %arg8[%add3A_14, %dma_start3A_203] : memref<10240x128xf32, #tpu.memory_space<vmem_shared>> -> memref<128x128xf32, #tpu.memory_space<vmem_shared>>
      tpu.enqueue_dma source(%arg6 : memref<128x128xf32, #tpu.memory_space<vmem>>) target(%dma_start3A_204 : memref<128x128xf32, #tpu.memory_space<vmem_shared>>) target_semaphore(%run_scoped3A : memref<!tpu.dma_semaphore, #tpu.memory_space<semaphore_mem>>)
      %dma_wait3A_205 = arith.constant 0 : i32
      %dma_wait3A_206 = tpu.memref_slice %arg8[%add3A_14, %dma_wait3A_205] : memref<10240x128xf32, #tpu.memory_space<vmem_shared>> -> memref<128x128xf32, #tpu.memory_space<vmem_shared>>
      %dma_wait3A_207 = arith.constant 0 : i32
      %dma_wait3A_208 = tpu.memref_slice %arg8[%add3A_14, %dma_wait3A_207] : memref<10240x128xf32, #tpu.memory_space<vmem_shared>> -> memref<128x128xf32, #tpu.memory_space<vmem_shared>>
      tpu.wait_dma2 semaphore(%run_scoped3A : memref<!tpu.dma_semaphore, #tpu.memory_space<semaphore_mem>>) src(%arg6 : memref<128x128xf32, #tpu.memory_space<vmem>>) dst(%dma_wait3A_208 : memref<128x128xf32, #tpu.memory_space<vmem_shared>>)
      tpu.yield
    }) : () -> ()
    %add3A_15 = arith.constant 512 : i32
    %add3A_16 = arith.addi %mul3A_6, %add3A_15 : i32
    "tpu.region"() ({
      %run_scoped3A = tpu.sem_alloc : memref<!tpu.dma_semaphore, #tpu.memory_space<semaphore_mem>>
      %dma_start3A_201 = arith.constant 0 : i32
      %dma_start3A_202 = tpu.memref_slice %arg8[%add3A_16, %dma_start3A_201] : memref<10240x128xf32, #tpu.memory_space<vmem_shared>> -> memref<128x128xf32, #tpu.memory_space<vmem_shared>>
      %dma_start3A_203 = arith.constant 0 : i32
      %dma_start3A_204 = tpu.memref_slice %arg8[%add3A_16, %dma_start3A_203] : memref<10240x128xf32, #tpu.memory_space<vmem_shared>> -> memref<128x128xf32, #tpu.memory_space<vmem_shared>>
      tpu.enqueue_dma source(%arg6 : memref<128x128xf32, #tpu.memory_space<vmem>>) target(%dma_start3A_204 : memref<128x128xf32, #tpu.memory_space<vmem_shared>>) target_semaphore(%run_scoped3A : memref<!tpu.dma_semaphore, #tpu.memory_space<semaphore_mem>>)
      %dma_wait3A_205 = arith.constant 0 : i32
      %dma_wait3A_206 = tpu.memref_slice %arg8[%add3A_16, %dma_wait3A_205] : memref<10240x128xf32, #tpu.memory_space<vmem_shared>> -> memref<128x128xf32, #tpu.memory_space<vmem_shared>>
      %dma_wait3A_207 = arith.constant 0 : i32
      %dma_wait3A_208 = tpu.memref_slice %arg8[%add3A_16, %dma_wait3A_207] : memref<10240x128xf32, #tpu.memory_space<vmem_shared>> -> memref<128x128xf32, #tpu.memory_space<vmem_shared>>
      tpu.wait_dma2 semaphore(%run_scoped3A : memref<!tpu.dma_semaphore, #tpu.memory_space<semaphore_mem>>) src(%arg6 : memref<128x128xf32, #tpu.memory_space<vmem>>) dst(%dma_wait3A_208 : memref<128x128xf32, #tpu.memory_space<vmem_shared>>)
      tpu.yield
    }) : () -> ()
    %barrier3A = arith.constant 0 : index
    tpu.barrier barrier_id(%barrier3A)
    %dma_start3A = arith.constant 0 : i32
    %dma_start3A_17 = arith.constant 0 : i32
    %dma_start3A_18 = arith.constant 0 : i32
    %dma_start3A_19 = arith.constant 0 : i32
    %dma_start3A_20 = tpu.memref_slice %arg5[%dma_start3A_17, %dma_start3A_18, %dma_start3A_19] : memref<4x2x128xi32, #tpu.memory_space<vmem>> -> memref<1x2x128xi32, #tpu.memory_space<vmem>>
    %dma_start3A_21 = tpu.memref_squeeze %dma_start3A_20 : memref<1x2x128xi32, #tpu.memory_space<vmem>> -> memref<2x128xi32, #tpu.memory_space<vmem>>
    %dma_start3A_22 = arith.constant 0 : i32
    %dma_start3A_23 = arith.constant 0 : i32
    %dma_start3A_24 = tpu.memref_slice %arg3[%add3A, %dma_start3A, %dma_start3A_22, %dma_start3A_23] : memref<32x84x2x128xi32, #tpu.memory_space<hbm>> -> memref<1x1x2x128xi32, #tpu.memory_space<hbm>>
    %dma_start3A_25 = tpu.memref_squeeze %dma_start3A_24 : memref<1x1x2x128xi32, #tpu.memory_space<hbm>> -> memref<2x128xi32, #tpu.memory_space<hbm>>
    %dma_start3A_26 = arith.constant 0 : i32
    %dma_start3A_27 = arith.constant 0 : i32
    %dma_start3A_28 = tpu.memref_slice %arg5[%dma_start3A_17, %dma_start3A_26, %dma_start3A_27] : memref<4x2x128xi32, #tpu.memory_space<vmem>> -> memref<1x2x128xi32, #tpu.memory_space<vmem>>
    %dma_start3A_29 = tpu.memref_squeeze %dma_start3A_28 : memref<1x2x128xi32, #tpu.memory_space<vmem>> -> memref<2x128xi32, #tpu.memory_space<vmem>>
    %dma_start3A_30 = arith.constant 0 : i32
    %dma_start3A_31 = arith.constant 0 : i32
    %dma_start3A_32 = tpu.memref_slice %arg3[%add3A, %dma_start3A, %dma_start3A_30, %dma_start3A_31] : memref<32x84x2x128xi32, #tpu.memory_space<hbm>> -> memref<1x1x2x128xi32, #tpu.memory_space<hbm>>
    %dma_start3A_33 = tpu.memref_squeeze %dma_start3A_32 : memref<1x1x2x128xi32, #tpu.memory_space<hbm>> -> memref<2x128xi32, #tpu.memory_space<hbm>>
    tpu.enqueue_dma source(%dma_start3A_33 : memref<2x128xi32, #tpu.memory_space<hbm>>) target(%dma_start3A_29 : memref<2x128xi32, #tpu.memory_space<vmem>>) target_semaphore(%arg11 : memref<!tpu.dma_semaphore, #tpu.memory_space<semaphore_mem>>)
    %dma_start3A_34 = arith.constant 1 : i32
    %dma_start3A_35 = arith.constant 1 : i32
    %dma_start3A_36 = arith.constant 0 : i32
    %dma_start3A_37 = arith.constant 0 : i32
    %dma_start3A_38 = tpu.memref_slice %arg5[%dma_start3A_35, %dma_start3A_36, %dma_start3A_37] : memref<4x2x128xi32, #tpu.memory_space<vmem>> -> memref<1x2x128xi32, #tpu.memory_space<vmem>>
    %dma_start3A_39 = tpu.memref_squeeze %dma_start3A_38 : memref<1x2x128xi32, #tpu.memory_space<vmem>> -> memref<2x128xi32, #tpu.memory_space<vmem>>
    %dma_start3A_40 = arith.constant 0 : i32
    %dma_start3A_41 = arith.constant 0 : i32
    %dma_start3A_42 = tpu.memref_slice %arg3[%add3A, %dma_start3A_34, %dma_start3A_40, %dma_start3A_41] : memref<32x84x2x128xi32, #tpu.memory_space<hbm>> -> memref<1x1x2x128xi32, #tpu.memory_space<hbm>>
    %dma_start3A_43 = tpu.memref_squeeze %dma_start3A_42 : memref<1x1x2x128xi32, #tpu.memory_space<hbm>> -> memref<2x128xi32, #tpu.memory_space<hbm>>
    %dma_start3A_44 = arith.constant 0 : i32
    %dma_start3A_45 = arith.constant 0 : i32
    %dma_start3A_46 = tpu.memref_slice %arg5[%dma_start3A_35, %dma_start3A_44, %dma_start3A_45] : memref<4x2x128xi32, #tpu.memory_space<vmem>> -> memref<1x2x128xi32, #tpu.memory_space<vmem>>
    %dma_start3A_47 = tpu.memref_squeeze %dma_start3A_46 : memref<1x2x128xi32, #tpu.memory_space<vmem>> -> memref<2x128xi32, #tpu.memory_space<vmem>>
    %dma_start3A_48 = arith.constant 0 : i32
    %dma_start3A_49 = arith.constant 0 : i32
    %dma_start3A_50 = tpu.memref_slice %arg3[%add3A, %dma_start3A_34, %dma_start3A_48, %dma_start3A_49] : memref<32x84x2x128xi32, #tpu.memory_space<hbm>> -> memref<1x1x2x128xi32, #tpu.memory_space<hbm>>
    %dma_start3A_51 = tpu.memref_squeeze %dma_start3A_50 : memref<1x1x2x128xi32, #tpu.memory_space<hbm>> -> memref<2x128xi32, #tpu.memory_space<hbm>>
    tpu.enqueue_dma source(%dma_start3A_51 : memref<2x128xi32, #tpu.memory_space<hbm>>) target(%dma_start3A_47 : memref<2x128xi32, #tpu.memory_space<vmem>>) target_semaphore(%arg12 : memref<!tpu.dma_semaphore, #tpu.memory_space<semaphore_mem>>)
    %dma_start3A_52 = arith.constant 2 : i32
    %dma_start3A_53 = arith.constant 2 : i32
    %dma_start3A_54 = arith.constant 0 : i32
    %dma_start3A_55 = arith.constant 0 : i32
    %dma_start3A_56 = tpu.memref_slice %arg5[%dma_start3A_53, %dma_start3A_54, %dma_start3A_55] : memref<4x2x128xi32, #tpu.memory_space<vmem>> -> memref<1x2x128xi32, #tpu.memory_space<vmem>>
    %dma_start3A_57 = tpu.memref_squeeze %dma_start3A_56 : memref<1x2x128xi32, #tpu.memory_space<vmem>> -> memref<2x128xi32, #tpu.memory_space<vmem>>
    %dma_start3A_58 = arith.constant 0 : i32
    %dma_start3A_59 = arith.constant 0 : i32
    %dma_start3A_60 = tpu.memref_slice %arg3[%add3A, %dma_start3A_52, %dma_start3A_58, %dma_start3A_59] : memref<32x84x2x128xi32, #tpu.memory_space<hbm>> -> memref<1x1x2x128xi32, #tpu.memory_space<hbm>>
    %dma_start3A_61 = tpu.memref_squeeze %dma_start3A_60 : memref<1x1x2x128xi32, #tpu.memory_space<hbm>> -> memref<2x128xi32, #tpu.memory_space<hbm>>
    %dma_start3A_62 = arith.constant 0 : i32
    %dma_start3A_63 = arith.constant 0 : i32
    %dma_start3A_64 = tpu.memref_slice %arg5[%dma_start3A_53, %dma_start3A_62, %dma_start3A_63] : memref<4x2x128xi32, #tpu.memory_space<vmem>> -> memref<1x2x128xi32, #tpu.memory_space<vmem>>
    %dma_start3A_65 = tpu.memref_squeeze %dma_start3A_64 : memref<1x2x128xi32, #tpu.memory_space<vmem>> -> memref<2x128xi32, #tpu.memory_space<vmem>>
    %dma_start3A_66 = arith.constant 0 : i32
    %dma_start3A_67 = arith.constant 0 : i32
    %dma_start3A_68 = tpu.memref_slice %arg3[%add3A, %dma_start3A_52, %dma_start3A_66, %dma_start3A_67] : memref<32x84x2x128xi32, #tpu.memory_space<hbm>> -> memref<1x1x2x128xi32, #tpu.memory_space<hbm>>
    %dma_start3A_69 = tpu.memref_squeeze %dma_start3A_68 : memref<1x1x2x128xi32, #tpu.memory_space<hbm>> -> memref<2x128xi32, #tpu.memory_space<hbm>>
    tpu.enqueue_dma source(%dma_start3A_69 : memref<2x128xi32, #tpu.memory_space<hbm>>) target(%dma_start3A_65 : memref<2x128xi32, #tpu.memory_space<vmem>>) target_semaphore(%arg13 : memref<!tpu.dma_semaphore, #tpu.memory_space<semaphore_mem>>)
    %dma_start3A_70 = arith.constant 3 : i32
    %dma_start3A_71 = arith.constant 3 : i32
    %dma_start3A_72 = arith.constant 0 : i32
    %dma_start3A_73 = arith.constant 0 : i32
    %dma_start3A_74 = tpu.memref_slice %arg5[%dma_start3A_71, %dma_start3A_72, %dma_start3A_73] : memref<4x2x128xi32, #tpu.memory_space<vmem>> -> memref<1x2x128xi32, #tpu.memory_space<vmem>>
    %dma_start3A_75 = tpu.memref_squeeze %dma_start3A_74 : memref<1x2x128xi32, #tpu.memory_space<vmem>> -> memref<2x128xi32, #tpu.memory_space<vmem>>
    %dma_start3A_76 = arith.constant 0 : i32
    %dma_start3A_77 = arith.constant 0 : i32
    %dma_start3A_78 = tpu.memref_slice %arg3[%add3A, %dma_start3A_70, %dma_start3A_76, %dma_start3A_77] : memref<32x84x2x128xi32, #tpu.memory_space<hbm>> -> memref<1x1x2x128xi32, #tpu.memory_space<hbm>>
    %dma_start3A_79 = tpu.memref_squeeze %dma_start3A_78 : memref<1x1x2x128xi32, #tpu.memory_space<hbm>> -> memref<2x128xi32, #tpu.memory_space<hbm>>
    %dma_start3A_80 = arith.constant 0 : i32
    %dma_start3A_81 = arith.constant 0 : i32
    %dma_start3A_82 = tpu.memref_slice %arg5[%dma_start3A_71, %dma_start3A_80, %dma_start3A_81] : memref<4x2x128xi32, #tpu.memory_space<vmem>> -> memref<1x2x128xi32, #tpu.memory_space<vmem>>
    %dma_start3A_83 = tpu.memref_squeeze %dma_start3A_82 : memref<1x2x128xi32, #tpu.memory_space<vmem>> -> memref<2x128xi32, #tpu.memory_space<vmem>>
    %dma_start3A_84 = arith.constant 0 : i32
    %dma_start3A_85 = arith.constant 0 : i32
    %dma_start3A_86 = tpu.memref_slice %arg3[%add3A, %dma_start3A_70, %dma_start3A_84, %dma_start3A_85] : memref<32x84x2x128xi32, #tpu.memory_space<hbm>> -> memref<1x1x2x128xi32, #tpu.memory_space<hbm>>
    %dma_start3A_87 = tpu.memref_squeeze %dma_start3A_86 : memref<1x1x2x128xi32, #tpu.memory_space<hbm>> -> memref<2x128xi32, #tpu.memory_space<hbm>>
    tpu.enqueue_dma source(%dma_start3A_87 : memref<2x128xi32, #tpu.memory_space<hbm>>) target(%dma_start3A_83 : memref<2x128xi32, #tpu.memory_space<vmem>>) target_semaphore(%arg14 : memref<!tpu.dma_semaphore, #tpu.memory_space<semaphore_mem>>)
    %dma_wait3A = arith.constant 0 : i32
    %dma_wait3A_88 = arith.constant 0 : i32
    %dma_wait3A_89 = arith.constant 0 : i32
    %dma_wait3A_90 = arith.constant 0 : i32
    %dma_wait3A_91 = tpu.memref_slice %arg5[%dma_wait3A_88, %dma_wait3A_89, %dma_wait3A_90] : memref<4x2x128xi32, #tpu.memory_space<vmem>> -> memref<1x2x128xi32, #tpu.memory_space<vmem>>
    %dma_wait3A_92 = tpu.memref_squeeze %dma_wait3A_91 : memref<1x2x128xi32, #tpu.memory_space<vmem>> -> memref<2x128xi32, #tpu.memory_space<vmem>>
    %dma_wait3A_93 = arith.constant 0 : i32
    %dma_wait3A_94 = arith.constant 0 : i32
    %dma_wait3A_95 = tpu.memref_slice %arg3[%add3A, %dma_wait3A, %dma_wait3A_93, %dma_wait3A_94] : memref<32x84x2x128xi32, #tpu.memory_space<hbm>> -> memref<1x1x2x128xi32, #tpu.memory_space<hbm>>
    %dma_wait3A_96 = tpu.memref_squeeze %dma_wait3A_95 : memref<1x1x2x128xi32, #tpu.memory_space<hbm>> -> memref<2x128xi32, #tpu.memory_space<hbm>>
    %dma_wait3A_97 = arith.constant 0 : i32
    %dma_wait3A_98 = arith.constant 0 : i32
    %dma_wait3A_99 = tpu.memref_slice %arg5[%dma_wait3A_88, %dma_wait3A_97, %dma_wait3A_98] : memref<4x2x128xi32, #tpu.memory_space<vmem>> -> memref<1x2x128xi32, #tpu.memory_space<vmem>>
    %dma_wait3A_100 = tpu.memref_squeeze %dma_wait3A_99 : memref<1x2x128xi32, #tpu.memory_space<vmem>> -> memref<2x128xi32, #tpu.memory_space<vmem>>
    %dma_wait3A_101 = arith.constant 0 : i32
    %dma_wait3A_102 = arith.constant 0 : i32
    %dma_wait3A_103 = tpu.memref_slice %arg3[%add3A, %dma_wait3A, %dma_wait3A_101, %dma_wait3A_102] : memref<32x84x2x128xi32, #tpu.memory_space<hbm>> -> memref<1x1x2x128xi32, #tpu.memory_space<hbm>>
    %dma_wait3A_104 = tpu.memref_squeeze %dma_wait3A_103 : memref<1x1x2x128xi32, #tpu.memory_space<hbm>> -> memref<2x128xi32, #tpu.memory_space<hbm>>
    tpu.wait_dma2 semaphore(%arg11 : memref<!tpu.dma_semaphore, #tpu.memory_space<semaphore_mem>>) src(%dma_wait3A_104 : memref<2x128xi32, #tpu.memory_space<hbm>>) dst(%dma_wait3A_100 : memref<2x128xi32, #tpu.memory_space<vmem>>)
    %dma_start3A_105 = arith.constant 0 : i32
    %dma_start3A_106 = arith.constant 0 : i32
    %dma_start3A_107 = arith.constant 0 : i32
    %dma_start3A_108 = tpu.memref_slice %arg5[%dma_start3A_105, %dma_start3A_106, %dma_start3A_107] : memref<4x2x128xi32, #tpu.memory_space<vmem>> -> memref<1x1x128xi32, #tpu.memory_space<vmem>>
    %dma_start3A_109 = tpu.memref_squeeze %dma_start3A_108 : memref<1x1x128xi32, #tpu.memory_space<vmem>> -> memref<128xi32, #tpu.memory_space<vmem>>
    %dma_start3A_110 = arith.constant 0 : i32
    %dma_start3A_111 = arith.constant 0 : i32
    %dma_start3A_112 = tpu.memref_slice %arg2[%dma_start3A_110, %dma_start3A_111] : memref<10240x128xf32, #tpu.memory_space<hbm>> -> memref<10240x128xf32, #tpu.memory_space<hbm>>
    tpu.enqueue_indirect_dma source(%dma_start3A_112 : memref<10240x128xf32, #tpu.memory_space<hbm>>) target(%arg6 : memref<128x128xf32, #tpu.memory_space<vmem>>) offsets(%dma_start3A_109 : memref<128xi32, #tpu.memory_space<vmem>>) semaphore(%arg9 : memref<!tpu.dma_semaphore, #tpu.memory_space<semaphore_mem>>)
    %scan3A_113 = arith.constant 0 : i32
    %scan3A_114 = arith.constant 20 : i32
    %scan3A_115 = arith.addi %scan3A_113, %scan3A_114 : i32
    %scan3A_116 = arith.constant 1 : i32
    scf.for %scan3A_201 = %scan3A_113 to %scan3A_115 step %scan3A_116  : i32 {
      %mul3A_202 = arith.constant 4 : i32
      %mul3A_203 = arith.muli %scan3A_201, %mul3A_202 : i32
      %add3A_204 = arith.constant 0 : i32
      %add3A_205 = arith.addi %mul3A_203, %add3A_204 : i32
      %add3A_206 = arith.constant 1 : i32
      %add3A_207 = arith.addi %add3A_205, %add3A_206 : i32
      %dma_wait3A_208 = arith.constant 1 : i32
      %dma_wait3A_209 = arith.constant 0 : i32
      %dma_wait3A_210 = arith.constant 0 : i32
      %dma_wait3A_211 = tpu.memref_slice %arg5[%dma_wait3A_208, %dma_wait3A_209, %dma_wait3A_210] : memref<4x2x128xi32, #tpu.memory_space<vmem>> -> memref<1x2x128xi32, #tpu.memory_space<vmem>>
      %dma_wait3A_212 = tpu.memref_squeeze %dma_wait3A_211 : memref<1x2x128xi32, #tpu.memory_space<vmem>> -> memref<2x128xi32, #tpu.memory_space<vmem>>
      %dma_wait3A_213 = arith.constant 0 : i32
      %dma_wait3A_214 = arith.constant 0 : i32
      %dma_wait3A_215 = tpu.memref_slice %arg3[%add3A, %add3A_207, %dma_wait3A_213, %dma_wait3A_214] : memref<32x84x2x128xi32, #tpu.memory_space<hbm>> -> memref<1x1x2x128xi32, #tpu.memory_space<hbm>>
      %dma_wait3A_216 = tpu.memref_squeeze %dma_wait3A_215 : memref<1x1x2x128xi32, #tpu.memory_space<hbm>> -> memref<2x128xi32, #tpu.memory_space<hbm>>
      %dma_wait3A_217 = arith.constant 0 : i32
      %dma_wait3A_218 = arith.constant 0 : i32
      %dma_wait3A_219 = tpu.memref_slice %arg5[%dma_wait3A_208, %dma_wait3A_217, %dma_wait3A_218] : memref<4x2x128xi32, #tpu.memory_space<vmem>> -> memref<1x2x128xi32, #tpu.memory_space<vmem>>
      %dma_wait3A_220 = tpu.memref_squeeze %dma_wait3A_219 : memref<1x2x128xi32, #tpu.memory_space<vmem>> -> memref<2x128xi32, #tpu.memory_space<vmem>>
      %dma_wait3A_221 = arith.constant 0 : i32
      %dma_wait3A_222 = arith.constant 0 : i32
      %dma_wait3A_223 = tpu.memref_slice %arg3[%add3A, %add3A_207, %dma_wait3A_221, %dma_wait3A_222] : memref<32x84x2x128xi32, #tpu.memory_space<hbm>> -> memref<1x1x2x128xi32, #tpu.memory_space<hbm>>
      %dma_wait3A_224 = tpu.memref_squeeze %dma_wait3A_223 : memref<1x1x2x128xi32, #tpu.memory_space<hbm>> -> memref<2x128xi32, #tpu.memory_space<hbm>>
      tpu.wait_dma2 semaphore(%arg12 : memref<!tpu.dma_semaphore, #tpu.memory_space<semaphore_mem>>) src(%dma_wait3A_224 : memref<2x128xi32, #tpu.memory_space<hbm>>) dst(%dma_wait3A_220 : memref<2x128xi32, #tpu.memory_space<vmem>>)
      %dma_start3A_225 = arith.constant 1 : i32
      %dma_start3A_226 = arith.constant 0 : i32
      %dma_start3A_227 = arith.constant 0 : i32
      %dma_start3A_228 = tpu.memref_slice %arg5[%dma_start3A_225, %dma_start3A_226, %dma_start3A_227] : memref<4x2x128xi32, #tpu.memory_space<vmem>> -> memref<1x1x128xi32, #tpu.memory_space<vmem>>
      %dma_start3A_229 = tpu.memref_squeeze %dma_start3A_228 : memref<1x1x128xi32, #tpu.memory_space<vmem>> -> memref<128xi32, #tpu.memory_space<vmem>>
      %dma_start3A_230 = arith.constant 0 : i32
      %dma_start3A_231 = arith.constant 0 : i32
      %dma_start3A_232 = tpu.memref_slice %arg2[%dma_start3A_230, %dma_start3A_231] : memref<10240x128xf32, #tpu.memory_space<hbm>> -> memref<10240x128xf32, #tpu.memory_space<hbm>>
      tpu.enqueue_indirect_dma source(%dma_start3A_232 : memref<10240x128xf32, #tpu.memory_space<hbm>>) target(%arg7 : memref<128x128xf32, #tpu.memory_space<vmem>>) offsets(%dma_start3A_229 : memref<128xi32, #tpu.memory_space<vmem>>) semaphore(%arg10 : memref<!tpu.dma_semaphore, #tpu.memory_space<semaphore_mem>>)
      %dma_wait3A_233 = arith.constant 0 : i32
      %dma_wait3A_234 = arith.constant 0 : i32
      %dma_wait3A_235 = arith.constant 0 : i32
      %dma_wait3A_236 = tpu.memref_slice %arg5[%dma_wait3A_233, %dma_wait3A_234, %dma_wait3A_235] : memref<4x2x128xi32, #tpu.memory_space<vmem>> -> memref<1x1x128xi32, #tpu.memory_space<vmem>>
      %dma_wait3A_237 = tpu.memref_squeeze %dma_wait3A_236 : memref<1x1x128xi32, #tpu.memory_space<vmem>> -> memref<128xi32, #tpu.memory_space<vmem>>
      %dma_wait3A_238 = arith.constant 0 : i32
      %dma_wait3A_239 = arith.constant 0 : i32
      %dma_wait3A_240 = tpu.memref_slice %arg2[%dma_wait3A_238, %dma_wait3A_239] : memref<10240x128xf32, #tpu.memory_space<hbm>> -> memref<10240x128xf32, #tpu.memory_space<hbm>>
      tpu.wait_indirect_dma semaphore(%arg9 : memref<!tpu.dma_semaphore, #tpu.memory_space<semaphore_mem>>) src(%dma_wait3A_240 : memref<10240x128xf32, #tpu.memory_space<hbm>>) dst(%arg6 : memref<128x128xf32, #tpu.memory_space<vmem>>)
      %run_scoped3A = arith.constant 0 : i32
      %run_scoped3A_241 = arith.constant 1 : i32
      "tpu.region"() ({
        %run_scoped3A_441 = tpu.sem_alloc : memref<!tpu.dma_semaphore, #tpu.memory_space<semaphore_mem>>
        %dma_start3A_442 = arith.constant 0 : i32
        %dma_start3A_443 = tpu.memref_slice %arg5[%run_scoped3A, %run_scoped3A_241, %dma_start3A_442] : memref<4x2x128xi32, #tpu.memory_space<vmem>> -> memref<1x1x128xi32, #tpu.memory_space<vmem>>
        %dma_start3A_444 = tpu.memref_squeeze %dma_start3A_443 : memref<1x1x128xi32, #tpu.memory_space<vmem>> -> memref<128xi32, #tpu.memory_space<vmem>>
        %dma_start3A_445 = arith.constant 0 : i32
        %dma_start3A_446 = arith.constant 0 : i32
        %dma_start3A_447 = tpu.memref_slice %arg8[%dma_start3A_445, %dma_start3A_446] : memref<10240x128xf32, #tpu.memory_space<vmem_shared>> -> memref<10240x128xf32, #tpu.memory_space<vmem_shared>>
        tpu.enqueue_indirect_dma source(%arg6 : memref<128x128xf32, #tpu.memory_space<vmem>>) target(%dma_start3A_447 : memref<10240x128xf32, #tpu.memory_space<vmem_shared>>) offsets(%dma_start3A_444 : memref<128xi32, #tpu.memory_space<vmem>>) semaphore(%run_scoped3A_441 : memref<!tpu.dma_semaphore, #tpu.memory_space<semaphore_mem>>) {add = true}
        %dma_wait3A_448 = arith.constant 0 : i32
        %dma_wait3A_449 = tpu.memref_slice %arg5[%run_scoped3A, %run_scoped3A_241, %dma_wait3A_448] : memref<4x2x128xi32, #tpu.memory_space<vmem>> -> memref<1x1x128xi32, #tpu.memory_space<vmem>>
        %dma_wait3A_450 = tpu.memref_squeeze %dma_wait3A_449 : memref<1x1x128xi32, #tpu.memory_space<vmem>> -> memref<128xi32, #tpu.memory_space<vmem>>
        %dma_wait3A_451 = arith.constant 0 : i32
        %dma_wait3A_452 = arith.constant 0 : i32
        %dma_wait3A_453 = tpu.memref_slice %arg8[%dma_wait3A_451, %dma_wait3A_452] : memref<10240x128xf32, #tpu.memory_space<vmem_shared>> -> memref<10240x128xf32, #tpu.memory_space<vmem_shared>>
        tpu.wait_indirect_dma semaphore(%run_scoped3A_441 : memref<!tpu.dma_semaphore, #tpu.memory_space<semaphore_mem>>) src(%arg6 : memref<128x128xf32, #tpu.memory_space<vmem>>) dst(%dma_wait3A_453 : memref<10240x128xf32, #tpu.memory_space<vmem_shared>>)
        tpu.yield
      }) : () -> ()
      %add3A_242 = arith.constant 4 : i32
      %add3A_243 = arith.addi %add3A_205, %add3A_242 : i32
      %dma_start3A_244 = arith.constant 0 : i32
      %dma_start3A_245 = arith.constant 0 : i32
      %dma_start3A_246 = arith.constant 0 : i32
      %dma_start3A_247 = tpu.memref_slice %arg5[%dma_start3A_244, %dma_start3A_245, %dma_start3A_246] : memref<4x2x128xi32, #tpu.memory_space<vmem>> -> memref<1x2x128xi32, #tpu.memory_space<vmem>>
      %dma_start3A_248 = tpu.memref_squeeze %dma_start3A_247 : memref<1x2x128xi32, #tpu.memory_space<vmem>> -> memref<2x128xi32, #tpu.memory_space<vmem>>
      %dma_start3A_249 = arith.constant 0 : i32
      %dma_start3A_250 = arith.constant 0 : i32
      %dma_start3A_251 = tpu.memref_slice %arg3[%add3A, %add3A_243, %dma_start3A_249, %dma_start3A_250] : memref<32x84x2x128xi32, #tpu.memory_space<hbm>> -> memref<1x1x2x128xi32, #tpu.memory_space<hbm>>
      %dma_start3A_252 = tpu.memref_squeeze %dma_start3A_251 : memref<1x1x2x128xi32, #tpu.memory_space<hbm>> -> memref<2x128xi32, #tpu.memory_space<hbm>>
      %dma_start3A_253 = arith.constant 0 : i32
      %dma_start3A_254 = arith.constant 0 : i32
      %dma_start3A_255 = tpu.memref_slice %arg5[%dma_start3A_244, %dma_start3A_253, %dma_start3A_254] : memref<4x2x128xi32, #tpu.memory_space<vmem>> -> memref<1x2x128xi32, #tpu.memory_space<vmem>>
      %dma_start3A_256 = tpu.memref_squeeze %dma_start3A_255 : memref<1x2x128xi32, #tpu.memory_space<vmem>> -> memref<2x128xi32, #tpu.memory_space<vmem>>
      %dma_start3A_257 = arith.constant 0 : i32
      %dma_start3A_258 = arith.constant 0 : i32
      %dma_start3A_259 = tpu.memref_slice %arg3[%add3A, %add3A_243, %dma_start3A_257, %dma_start3A_258] : memref<32x84x2x128xi32, #tpu.memory_space<hbm>> -> memref<1x1x2x128xi32, #tpu.memory_space<hbm>>
      %dma_start3A_260 = tpu.memref_squeeze %dma_start3A_259 : memref<1x1x2x128xi32, #tpu.memory_space<hbm>> -> memref<2x128xi32, #tpu.memory_space<hbm>>
      tpu.enqueue_dma source(%dma_start3A_260 : memref<2x128xi32, #tpu.memory_space<hbm>>) target(%dma_start3A_256 : memref<2x128xi32, #tpu.memory_space<vmem>>) target_semaphore(%arg11 : memref<!tpu.dma_semaphore, #tpu.memory_space<semaphore_mem>>)
      %mul3A_261 = arith.constant 4 : i32
      %mul3A_262 = arith.muli %scan3A_201, %mul3A_261 : i32
      %add3A_263 = arith.constant 1 : i32
      %add3A_264 = arith.addi %mul3A_262, %add3A_263 : i32
      %add3A_265 = arith.constant 1 : i32
      %add3A_266 = arith.addi %add3A_264, %add3A_265 : i32
      %dma_wait3A_267 = arith.constant 2 : i32
      %dma_wait3A_268 = arith.constant 0 : i32
      %dma_wait3A_269 = arith.constant 0 : i32
      %dma_wait3A_270 = tpu.memref_slice %arg5[%dma_wait3A_267, %dma_wait3A_268, %dma_wait3A_269] : memref<4x2x128xi32, #tpu.memory_space<vmem>> -> memref<1x2x128xi32, #tpu.memory_space<vmem>>
      %dma_wait3A_271 = tpu.memref_squeeze %dma_wait3A_270 : memref<1x2x128xi32, #tpu.memory_space<vmem>> -> memref<2x128xi32, #tpu.memory_space<vmem>>
      %dma_wait3A_272 = arith.constant 0 : i32
      %dma_wait3A_273 = arith.constant 0 : i32
      %dma_wait3A_274 = tpu.memref_slice %arg3[%add3A, %add3A_266, %dma_wait3A_272, %dma_wait3A_273] : memref<32x84x2x128xi32, #tpu.memory_space<hbm>> -> memref<1x1x2x128xi32, #tpu.memory_space<hbm>>
      %dma_wait3A_275 = tpu.memref_squeeze %dma_wait3A_274 : memref<1x1x2x128xi32, #tpu.memory_space<hbm>> -> memref<2x128xi32, #tpu.memory_space<hbm>>
      %dma_wait3A_276 = arith.constant 0 : i32
      %dma_wait3A_277 = arith.constant 0 : i32
      %dma_wait3A_278 = tpu.memref_slice %arg5[%dma_wait3A_267, %dma_wait3A_276, %dma_wait3A_277] : memref<4x2x128xi32, #tpu.memory_space<vmem>> -> memref<1x2x128xi32, #tpu.memory_space<vmem>>
      %dma_wait3A_279 = tpu.memref_squeeze %dma_wait3A_278 : memref<1x2x128xi32, #tpu.memory_space<vmem>> -> memref<2x128xi32, #tpu.memory_space<vmem>>
      %dma_wait3A_280 = arith.constant 0 : i32
      %dma_wait3A_281 = arith.constant 0 : i32
      %dma_wait3A_282 = tpu.memref_slice %arg3[%add3A, %add3A_266, %dma_wait3A_280, %dma_wait3A_281] : memref<32x84x2x128xi32, #tpu.memory_space<hbm>> -> memref<1x1x2x128xi32, #tpu.memory_space<hbm>>
      %dma_wait3A_283 = tpu.memref_squeeze %dma_wait3A_282 : memref<1x1x2x128xi32, #tpu.memory_space<hbm>> -> memref<2x128xi32, #tpu.memory_space<hbm>>
      tpu.wait_dma2 semaphore(%arg13 : memref<!tpu.dma_semaphore, #tpu.memory_space<semaphore_mem>>) src(%dma_wait3A_283 : memref<2x128xi32, #tpu.memory_space<hbm>>) dst(%dma_wait3A_279 : memref<2x128xi32, #tpu.memory_space<vmem>>)
      %dma_start3A_284 = arith.constant 2 : i32
      %dma_start3A_285 = arith.constant 0 : i32
      %dma_start3A_286 = arith.constant 0 : i32
      %dma_start3A_287 = tpu.memref_slice %arg5[%dma_start3A_284, %dma_start3A_285, %dma_start3A_286] : memref<4x2x128xi32, #tpu.memory_space<vmem>> -> memref<1x1x128xi32, #tpu.memory_space<vmem>>
      %dma_start3A_288 = tpu.memref_squeeze %dma_start3A_287 : memref<1x1x128xi32, #tpu.memory_space<vmem>> -> memref<128xi32, #tpu.memory_space<vmem>>
      %dma_start3A_289 = arith.constant 0 : i32
      %dma_start3A_290 = arith.constant 0 : i32
      %dma_start3A_291 = tpu.memref_slice %arg2[%dma_start3A_289, %dma_start3A_290] : memref<10240x128xf32, #tpu.memory_space<hbm>> -> memref<10240x128xf32, #tpu.memory_space<hbm>>
      tpu.enqueue_indirect_dma source(%dma_start3A_291 : memref<10240x128xf32, #tpu.memory_space<hbm>>) target(%arg6 : memref<128x128xf32, #tpu.memory_space<vmem>>) offsets(%dma_start3A_288 : memref<128xi32, #tpu.memory_space<vmem>>) semaphore(%arg9 : memref<!tpu.dma_semaphore, #tpu.memory_space<semaphore_mem>>)
      %dma_wait3A_292 = arith.constant 1 : i32
      %dma_wait3A_293 = arith.constant 0 : i32
      %dma_wait3A_294 = arith.constant 0 : i32
      %dma_wait3A_295 = tpu.memref_slice %arg5[%dma_wait3A_292, %dma_wait3A_293, %dma_wait3A_294] : memref<4x2x128xi32, #tpu.memory_space<vmem>> -> memref<1x1x128xi32, #tpu.memory_space<vmem>>
      %dma_wait3A_296 = tpu.memref_squeeze %dma_wait3A_295 : memref<1x1x128xi32, #tpu.memory_space<vmem>> -> memref<128xi32, #tpu.memory_space<vmem>>
      %dma_wait3A_297 = arith.constant 0 : i32
      %dma_wait3A_298 = arith.constant 0 : i32
      %dma_wait3A_299 = tpu.memref_slice %arg2[%dma_wait3A_297, %dma_wait3A_298] : memref<10240x128xf32, #tpu.memory_space<hbm>> -> memref<10240x128xf32, #tpu.memory_space<hbm>>
      tpu.wait_indirect_dma semaphore(%arg10 : memref<!tpu.dma_semaphore, #tpu.memory_space<semaphore_mem>>) src(%dma_wait3A_299 : memref<10240x128xf32, #tpu.memory_space<hbm>>) dst(%arg7 : memref<128x128xf32, #tpu.memory_space<vmem>>)
      %run_scoped3A_300 = arith.constant 1 : i32
      %run_scoped3A_301 = arith.constant 1 : i32
      "tpu.region"() ({
        %run_scoped3A_441 = tpu.sem_alloc : memref<!tpu.dma_semaphore, #tpu.memory_space<semaphore_mem>>
        %dma_start3A_442 = arith.constant 0 : i32
        %dma_start3A_443 = tpu.memref_slice %arg5[%run_scoped3A_300, %run_scoped3A_301, %dma_start3A_442] : memref<4x2x128xi32, #tpu.memory_space<vmem>> -> memref<1x1x128xi32, #tpu.memory_space<vmem>>
        %dma_start3A_444 = tpu.memref_squeeze %dma_start3A_443 : memref<1x1x128xi32, #tpu.memory_space<vmem>> -> memref<128xi32, #tpu.memory_space<vmem>>
        %dma_start3A_445 = arith.constant 0 : i32
        %dma_start3A_446 = arith.constant 0 : i32
        %dma_start3A_447 = tpu.memref_slice %arg8[%dma_start3A_445, %dma_start3A_446] : memref<10240x128xf32, #tpu.memory_space<vmem_shared>> -> memref<10240x128xf32, #tpu.memory_space<vmem_shared>>
        tpu.enqueue_indirect_dma source(%arg7 : memref<128x128xf32, #tpu.memory_space<vmem>>) target(%dma_start3A_447 : memref<10240x128xf32, #tpu.memory_space<vmem_shared>>) offsets(%dma_start3A_444 : memref<128xi32, #tpu.memory_space<vmem>>) semaphore(%run_scoped3A_441 : memref<!tpu.dma_semaphore, #tpu.memory_space<semaphore_mem>>) {add = true}
        %dma_wait3A_448 = arith.constant 0 : i32
        %dma_wait3A_449 = tpu.memref_slice %arg5[%run_scoped3A_300, %run_scoped3A_301, %dma_wait3A_448] : memref<4x2x128xi32, #tpu.memory_space<vmem>> -> memref<1x1x128xi32, #tpu.memory_space<vmem>>
        %dma_wait3A_450 = tpu.memref_squeeze %dma_wait3A_449 : memref<1x1x128xi32, #tpu.memory_space<vmem>> -> memref<128xi32, #tpu.memory_space<vmem>>
        %dma_wait3A_451 = arith.constant 0 : i32
        %dma_wait3A_452 = arith.constant 0 : i32
        %dma_wait3A_453 = tpu.memref_slice %arg8[%dma_wait3A_451, %dma_wait3A_452] : memref<10240x128xf32, #tpu.memory_space<vmem_shared>> -> memref<10240x128xf32, #tpu.memory_space<vmem_shared>>
        tpu.wait_indirect_dma semaphore(%run_scoped3A_441 : memref<!tpu.dma_semaphore, #tpu.memory_space<semaphore_mem>>) src(%arg7 : memref<128x128xf32, #tpu.memory_space<vmem>>) dst(%dma_wait3A_453 : memref<10240x128xf32, #tpu.memory_space<vmem_shared>>)
        tpu.yield
      }) : () -> ()
      %add3A_302 = arith.constant 4 : i32
      %add3A_303 = arith.addi %add3A_264, %add3A_302 : i32
      %dma_start3A_304 = arith.constant 1 : i32
      %dma_start3A_305 = arith.constant 0 : i32
      %dma_start3A_306 = arith.constant 0 : i32
      %dma_start3A_307 = tpu.memref_slice %arg5[%dma_start3A_304, %dma_start3A_305, %dma_start3A_306] : memref<4x2x128xi32, #tpu.memory_space<vmem>> -> memref<1x2x128xi32, #tpu.memory_space<vmem>>
      %dma_start3A_308 = tpu.memref_squeeze %dma_start3A_307 : memref<1x2x128xi32, #tpu.memory_space<vmem>> -> memref<2x128xi32, #tpu.memory_space<vmem>>
      %dma_start3A_309 = arith.constant 0 : i32
      %dma_start3A_310 = arith.constant 0 : i32
      %dma_start3A_311 = tpu.memref_slice %arg3[%add3A, %add3A_303, %dma_start3A_309, %dma_start3A_310] : memref<32x84x2x128xi32, #tpu.memory_space<hbm>> -> memref<1x1x2x128xi32, #tpu.memory_space<hbm>>
      %dma_start3A_312 = tpu.memref_squeeze %dma_start3A_311 : memref<1x1x2x128xi32, #tpu.memory_space<hbm>> -> memref<2x128xi32, #tpu.memory_space<hbm>>
      %dma_start3A_313 = arith.constant 0 : i32
      %dma_start3A_314 = arith.constant 0 : i32
      %dma_start3A_315 = tpu.memref_slice %arg5[%dma_start3A_304, %dma_start3A_313, %dma_start3A_314] : memref<4x2x128xi32, #tpu.memory_space<vmem>> -> memref<1x2x128xi32, #tpu.memory_space<vmem>>
      %dma_start3A_316 = tpu.memref_squeeze %dma_start3A_315 : memref<1x2x128xi32, #tpu.memory_space<vmem>> -> memref<2x128xi32, #tpu.memory_space<vmem>>
      %dma_start3A_317 = arith.constant 0 : i32
      %dma_start3A_318 = arith.constant 0 : i32
      %dma_start3A_319 = tpu.memref_slice %arg3[%add3A, %add3A_303, %dma_start3A_317, %dma_start3A_318] : memref<32x84x2x128xi32, #tpu.memory_space<hbm>> -> memref<1x1x2x128xi32, #tpu.memory_space<hbm>>
      %dma_start3A_320 = tpu.memref_squeeze %dma_start3A_319 : memref<1x1x2x128xi32, #tpu.memory_space<hbm>> -> memref<2x128xi32, #tpu.memory_space<hbm>>
      tpu.enqueue_dma source(%dma_start3A_320 : memref<2x128xi32, #tpu.memory_space<hbm>>) target(%dma_start3A_316 : memref<2x128xi32, #tpu.memory_space<vmem>>) target_semaphore(%arg12 : memref<!tpu.dma_semaphore, #tpu.memory_space<semaphore_mem>>)
      %mul3A_321 = arith.constant 4 : i32
      %mul3A_322 = arith.muli %scan3A_201, %mul3A_321 : i32
      %add3A_323 = arith.constant 2 : i32
      %add3A_324 = arith.addi %mul3A_322, %add3A_323 : i32
      %add3A_325 = arith.constant 1 : i32
      %add3A_326 = arith.addi %add3A_324, %add3A_325 : i32
      %dma_wait3A_327 = arith.constant 3 : i32
      %dma_wait3A_328 = arith.constant 0 : i32
      %dma_wait3A_329 = arith.constant 0 : i32
      %dma_wait3A_330 = tpu.memref_slice %arg5[%dma_wait3A_327, %dma_wait3A_328, %dma_wait3A_329] : memref<4x2x128xi32, #tpu.memory_space<vmem>> -> memref<1x2x128xi32, #tpu.memory_space<vmem>>
      %dma_wait3A_331 = tpu.memref_squeeze %dma_wait3A_330 : memref<1x2x128xi32, #tpu.memory_space<vmem>> -> memref<2x128xi32, #tpu.memory_space<vmem>>
      %dma_wait3A_332 = arith.constant 0 : i32
      %dma_wait3A_333 = arith.constant 0 : i32
      %dma_wait3A_334 = tpu.memref_slice %arg3[%add3A, %add3A_326, %dma_wait3A_332, %dma_wait3A_333] : memref<32x84x2x128xi32, #tpu.memory_space<hbm>> -> memref<1x1x2x128xi32, #tpu.memory_space<hbm>>
      %dma_wait3A_335 = tpu.memref_squeeze %dma_wait3A_334 : memref<1x1x2x128xi32, #tpu.memory_space<hbm>> -> memref<2x128xi32, #tpu.memory_space<hbm>>
      %dma_wait3A_336 = arith.constant 0 : i32
      %dma_wait3A_337 = arith.constant 0 : i32
      %dma_wait3A_338 = tpu.memref_slice %arg5[%dma_wait3A_327, %dma_wait3A_336, %dma_wait3A_337] : memref<4x2x128xi32, #tpu.memory_space<vmem>> -> memref<1x2x128xi32, #tpu.memory_space<vmem>>
      %dma_wait3A_339 = tpu.memref_squeeze %dma_wait3A_338 : memref<1x2x128xi32, #tpu.memory_space<vmem>> -> memref<2x128xi32, #tpu.memory_space<vmem>>
      %dma_wait3A_340 = arith.constant 0 : i32
      %dma_wait3A_341 = arith.constant 0 : i32
      %dma_wait3A_342 = tpu.memref_slice %arg3[%add3A, %add3A_326, %dma_wait3A_340, %dma_wait3A_341] : memref<32x84x2x128xi32, #tpu.memory_space<hbm>> -> memref<1x1x2x128xi32, #tpu.memory_space<hbm>>
      %dma_wait3A_343 = tpu.memref_squeeze %dma_wait3A_342 : memref<1x1x2x128xi32, #tpu.memory_space<hbm>> -> memref<2x128xi32, #tpu.memory_space<hbm>>
      tpu.wait_dma2 semaphore(%arg14 : memref<!tpu.dma_semaphore, #tpu.memory_space<semaphore_mem>>) src(%dma_wait3A_343 : memref<2x128xi32, #tpu.memory_space<hbm>>) dst(%dma_wait3A_339 : memref<2x128xi32, #tpu.memory_space<vmem>>)
      %dma_start3A_344 = arith.constant 3 : i32
      %dma_start3A_345 = arith.constant 0 : i32
      %dma_start3A_346 = arith.constant 0 : i32
      %dma_start3A_347 = tpu.memref_slice %arg5[%dma_start3A_344, %dma_start3A_345, %dma_start3A_346] : memref<4x2x128xi32, #tpu.memory_space<vmem>> -> memref<1x1x128xi32, #tpu.memory_space<vmem>>
      %dma_start3A_348 = tpu.memref_squeeze %dma_start3A_347 : memref<1x1x128xi32, #tpu.memory_space<vmem>> -> memref<128xi32, #tpu.memory_space<vmem>>
      %dma_start3A_349 = arith.constant 0 : i32
      %dma_start3A_350 = arith.constant 0 : i32
      %dma_start3A_351 = tpu.memref_slice %arg2[%dma_start3A_349, %dma_start3A_350] : memref<10240x128xf32, #tpu.memory_space<hbm>> -> memref<10240x128xf32, #tpu.memory_space<hbm>>
      tpu.enqueue_indirect_dma source(%dma_start3A_351 : memref<10240x128xf32, #tpu.memory_space<hbm>>) target(%arg7 : memref<128x128xf32, #tpu.memory_space<vmem>>) offsets(%dma_start3A_348 : memref<128xi32, #tpu.memory_space<vmem>>) semaphore(%arg10 : memref<!tpu.dma_semaphore, #tpu.memory_space<semaphore_mem>>)
      %dma_wait3A_352 = arith.constant 2 : i32
      %dma_wait3A_353 = arith.constant 0 : i32
      %dma_wait3A_354 = arith.constant 0 : i32
      %dma_wait3A_355 = tpu.memref_slice %arg5[%dma_wait3A_352, %dma_wait3A_353, %dma_wait3A_354] : memref<4x2x128xi32, #tpu.memory_space<vmem>> -> memref<1x1x128xi32, #tpu.memory_space<vmem>>
      %dma_wait3A_356 = tpu.memref_squeeze %dma_wait3A_355 : memref<1x1x128xi32, #tpu.memory_space<vmem>> -> memref<128xi32, #tpu.memory_space<vmem>>
      %dma_wait3A_357 = arith.constant 0 : i32
      %dma_wait3A_358 = arith.constant 0 : i32
      %dma_wait3A_359 = tpu.memref_slice %arg2[%dma_wait3A_357, %dma_wait3A_358] : memref<10240x128xf32, #tpu.memory_space<hbm>> -> memref<10240x128xf32, #tpu.memory_space<hbm>>
      tpu.wait_indirect_dma semaphore(%arg9 : memref<!tpu.dma_semaphore, #tpu.memory_space<semaphore_mem>>) src(%dma_wait3A_359 : memref<10240x128xf32, #tpu.memory_space<hbm>>) dst(%arg6 : memref<128x128xf32, #tpu.memory_space<vmem>>)
      %run_scoped3A_360 = arith.constant 2 : i32
      %run_scoped3A_361 = arith.constant 1 : i32
      "tpu.region"() ({
        %run_scoped3A_441 = tpu.sem_alloc : memref<!tpu.dma_semaphore, #tpu.memory_space<semaphore_mem>>
        %dma_start3A_442 = arith.constant 0 : i32
        %dma_start3A_443 = tpu.memref_slice %arg5[%run_scoped3A_360, %run_scoped3A_361, %dma_start3A_442] : memref<4x2x128xi32, #tpu.memory_space<vmem>> -> memref<1x1x128xi32, #tpu.memory_space<vmem>>
        %dma_start3A_444 = tpu.memref_squeeze %dma_start3A_443 : memref<1x1x128xi32, #tpu.memory_space<vmem>> -> memref<128xi32, #tpu.memory_space<vmem>>
        %dma_start3A_445 = arith.constant 0 : i32
        %dma_start3A_446 = arith.constant 0 : i32
        %dma_start3A_447 = tpu.memref_slice %arg8[%dma_start3A_445, %dma_start3A_446] : memref<10240x128xf32, #tpu.memory_space<vmem_shared>> -> memref<10240x128xf32, #tpu.memory_space<vmem_shared>>
        tpu.enqueue_indirect_dma source(%arg6 : memref<128x128xf32, #tpu.memory_space<vmem>>) target(%dma_start3A_447 : memref<10240x128xf32, #tpu.memory_space<vmem_shared>>) offsets(%dma_start3A_444 : memref<128xi32, #tpu.memory_space<vmem>>) semaphore(%run_scoped3A_441 : memref<!tpu.dma_semaphore, #tpu.memory_space<semaphore_mem>>) {add = true}
        %dma_wait3A_448 = arith.constant 0 : i32
        %dma_wait3A_449 = tpu.memref_slice %arg5[%run_scoped3A_360, %run_scoped3A_361, %dma_wait3A_448] : memref<4x2x128xi32, #tpu.memory_space<vmem>> -> memref<1x1x128xi32, #tpu.memory_space<vmem>>
        %dma_wait3A_450 = tpu.memref_squeeze %dma_wait3A_449 : memref<1x1x128xi32, #tpu.memory_space<vmem>> -> memref<128xi32, #tpu.memory_space<vmem>>
        %dma_wait3A_451 = arith.constant 0 : i32
        %dma_wait3A_452 = arith.constant 0 : i32
        %dma_wait3A_453 = tpu.memref_slice %arg8[%dma_wait3A_451, %dma_wait3A_452] : memref<10240x128xf32, #tpu.memory_space<vmem_shared>> -> memref<10240x128xf32, #tpu.memory_space<vmem_shared>>
        tpu.wait_indirect_dma semaphore(%run_scoped3A_441 : memref<!tpu.dma_semaphore, #tpu.memory_space<semaphore_mem>>) src(%arg6 : memref<128x128xf32, #tpu.memory_space<vmem>>) dst(%dma_wait3A_453 : memref<10240x128xf32, #tpu.memory_space<vmem_shared>>)
        tpu.yield
      }) : () -> ()
      %add3A_362 = arith.constant 4 : i32
      %add3A_363 = arith.addi %add3A_324, %add3A_362 : i32
      %dma_start3A_364 = arith.constant 2 : i32
      %dma_start3A_365 = arith.constant 0 : i32
      %dma_start3A_366 = arith.constant 0 : i32
      %dma_start3A_367 = tpu.memref_slice %arg5[%dma_start3A_364, %dma_start3A_365, %dma_start3A_366] : memref<4x2x128xi32, #tpu.memory_space<vmem>> -> memref<1x2x128xi32, #tpu.memory_space<vmem>>
      %dma_start3A_368 = tpu.memref_squeeze %dma_start3A_367 : memref<1x2x128xi32, #tpu.memory_space<vmem>> -> memref<2x128xi32, #tpu.memory_space<vmem>>
      %dma_start3A_369 = arith.constant 0 : i32
      %dma_start3A_370 = arith.constant 0 : i32
      %dma_start3A_371 = tpu.memref_slice %arg3[%add3A, %add3A_363, %dma_start3A_369, %dma_start3A_370] : memref<32x84x2x128xi32, #tpu.memory_space<hbm>> -> memref<1x1x2x128xi32, #tpu.memory_space<hbm>>
      %dma_start3A_372 = tpu.memref_squeeze %dma_start3A_371 : memref<1x1x2x128xi32, #tpu.memory_space<hbm>> -> memref<2x128xi32, #tpu.memory_space<hbm>>
      %dma_start3A_373 = arith.constant 0 : i32
      %dma_start3A_374 = arith.constant 0 : i32
      %dma_start3A_375 = tpu.memref_slice %arg5[%dma_start3A_364, %dma_start3A_373, %dma_start3A_374] : memref<4x2x128xi32, #tpu.memory_space<vmem>> -> memref<1x2x128xi32, #tpu.memory_space<vmem>>
      %dma_start3A_376 = tpu.memref_squeeze %dma_start3A_375 : memref<1x2x128xi32, #tpu.memory_space<vmem>> -> memref<2x128xi32, #tpu.memory_space<vmem>>
      %dma_start3A_377 = arith.constant 0 : i32
      %dma_start3A_378 = arith.constant 0 : i32
      %dma_start3A_379 = tpu.memref_slice %arg3[%add3A, %add3A_363, %dma_start3A_377, %dma_start3A_378] : memref<32x84x2x128xi32, #tpu.memory_space<hbm>> -> memref<1x1x2x128xi32, #tpu.memory_space<hbm>>
      %dma_start3A_380 = tpu.memref_squeeze %dma_start3A_379 : memref<1x1x2x128xi32, #tpu.memory_space<hbm>> -> memref<2x128xi32, #tpu.memory_space<hbm>>
      tpu.enqueue_dma source(%dma_start3A_380 : memref<2x128xi32, #tpu.memory_space<hbm>>) target(%dma_start3A_376 : memref<2x128xi32, #tpu.memory_space<vmem>>) target_semaphore(%arg13 : memref<!tpu.dma_semaphore, #tpu.memory_space<semaphore_mem>>)
      %mul3A_381 = arith.constant 4 : i32
      %mul3A_382 = arith.muli %scan3A_201, %mul3A_381 : i32
      %add3A_383 = arith.constant 3 : i32
      %add3A_384 = arith.addi %mul3A_382, %add3A_383 : i32
      %add3A_385 = arith.constant 1 : i32
      %add3A_386 = arith.addi %add3A_384, %add3A_385 : i32
      %dma_wait3A_387 = arith.constant 0 : i32
      %dma_wait3A_388 = arith.constant 0 : i32
      %dma_wait3A_389 = arith.constant 0 : i32
      %dma_wait3A_390 = tpu.memref_slice %arg5[%dma_wait3A_387, %dma_wait3A_388, %dma_wait3A_389] : memref<4x2x128xi32, #tpu.memory_space<vmem>> -> memref<1x2x128xi32, #tpu.memory_space<vmem>>
      %dma_wait3A_391 = tpu.memref_squeeze %dma_wait3A_390 : memref<1x2x128xi32, #tpu.memory_space<vmem>> -> memref<2x128xi32, #tpu.memory_space<vmem>>
      %dma_wait3A_392 = arith.constant 0 : i32
      %dma_wait3A_393 = arith.constant 0 : i32
      %dma_wait3A_394 = tpu.memref_slice %arg3[%add3A, %add3A_386, %dma_wait3A_392, %dma_wait3A_393] : memref<32x84x2x128xi32, #tpu.memory_space<hbm>> -> memref<1x1x2x128xi32, #tpu.memory_space<hbm>>
      %dma_wait3A_395 = tpu.memref_squeeze %dma_wait3A_394 : memref<1x1x2x128xi32, #tpu.memory_space<hbm>> -> memref<2x128xi32, #tpu.memory_space<hbm>>
      %dma_wait3A_396 = arith.constant 0 : i32
      %dma_wait3A_397 = arith.constant 0 : i32
      %dma_wait3A_398 = tpu.memref_slice %arg5[%dma_wait3A_387, %dma_wait3A_396, %dma_wait3A_397] : memref<4x2x128xi32, #tpu.memory_space<vmem>> -> memref<1x2x128xi32, #tpu.memory_space<vmem>>
      %dma_wait3A_399 = tpu.memref_squeeze %dma_wait3A_398 : memref<1x2x128xi32, #tpu.memory_space<vmem>> -> memref<2x128xi32, #tpu.memory_space<vmem>>
      %dma_wait3A_400 = arith.constant 0 : i32
      %dma_wait3A_401 = arith.constant 0 : i32
      %dma_wait3A_402 = tpu.memref_slice %arg3[%add3A, %add3A_386, %dma_wait3A_400, %dma_wait3A_401] : memref<32x84x2x128xi32, #tpu.memory_space<hbm>> -> memref<1x1x2x128xi32, #tpu.memory_space<hbm>>
      %dma_wait3A_403 = tpu.memref_squeeze %dma_wait3A_402 : memref<1x1x2x128xi32, #tpu.memory_space<hbm>> -> memref<2x128xi32, #tpu.memory_space<hbm>>
      tpu.wait_dma2 semaphore(%arg11 : memref<!tpu.dma_semaphore, #tpu.memory_space<semaphore_mem>>) src(%dma_wait3A_403 : memref<2x128xi32, #tpu.memory_space<hbm>>) dst(%dma_wait3A_399 : memref<2x128xi32, #tpu.memory_space<vmem>>)
      %dma_start3A_404 = arith.constant 0 : i32
      %dma_start3A_405 = arith.constant 0 : i32
      %dma_start3A_406 = arith.constant 0 : i32
      %dma_start3A_407 = tpu.memref_slice %arg5[%dma_start3A_404, %dma_start3A_405, %dma_start3A_406] : memref<4x2x128xi32, #tpu.memory_space<vmem>> -> memref<1x1x128xi32, #tpu.memory_space<vmem>>
      %dma_start3A_408 = tpu.memref_squeeze %dma_start3A_407 : memref<1x1x128xi32, #tpu.memory_space<vmem>> -> memref<128xi32, #tpu.memory_space<vmem>>
      %dma_start3A_409 = arith.constant 0 : i32
      %dma_start3A_410 = arith.constant 0 : i32
      %dma_start3A_411 = tpu.memref_slice %arg2[%dma_start3A_409, %dma_start3A_410] : memref<10240x128xf32, #tpu.memory_space<hbm>> -> memref<10240x128xf32, #tpu.memory_space<hbm>>
      tpu.enqueue_indirect_dma source(%dma_start3A_411 : memref<10240x128xf32, #tpu.memory_space<hbm>>) target(%arg6 : memref<128x128xf32, #tpu.memory_space<vmem>>) offsets(%dma_start3A_408 : memref<128xi32, #tpu.memory_space<vmem>>) semaphore(%arg9 : memref<!tpu.dma_semaphore, #tpu.memory_space<semaphore_mem>>)
      %dma_wait3A_412 = arith.constant 3 : i32
      %dma_wait3A_413 = arith.constant 0 : i32
      %dma_wait3A_414 = arith.constant 0 : i32
      %dma_wait3A_415 = tpu.memref_slice %arg5[%dma_wait3A_412, %dma_wait3A_413, %dma_wait3A_414] : memref<4x2x128xi32, #tpu.memory_space<vmem>> -> memref<1x1x128xi32, #tpu.memory_space<vmem>>
      %dma_wait3A_416 = tpu.memref_squeeze %dma_wait3A_415 : memref<1x1x128xi32, #tpu.memory_space<vmem>> -> memref<128xi32, #tpu.memory_space<vmem>>
      %dma_wait3A_417 = arith.constant 0 : i32
      %dma_wait3A_418 = arith.constant 0 : i32
      %dma_wait3A_419 = tpu.memref_slice %arg2[%dma_wait3A_417, %dma_wait3A_418] : memref<10240x128xf32, #tpu.memory_space<hbm>> -> memref<10240x128xf32, #tpu.memory_space<hbm>>
      tpu.wait_indirect_dma semaphore(%arg10 : memref<!tpu.dma_semaphore, #tpu.memory_space<semaphore_mem>>) src(%dma_wait3A_419 : memref<10240x128xf32, #tpu.memory_space<hbm>>) dst(%arg7 : memref<128x128xf32, #tpu.memory_space<vmem>>)
      %run_scoped3A_420 = arith.constant 3 : i32
      %run_scoped3A_421 = arith.constant 1 : i32
      "tpu.region"() ({
        %run_scoped3A_441 = tpu.sem_alloc : memref<!tpu.dma_semaphore, #tpu.memory_space<semaphore_mem>>
        %dma_start3A_442 = arith.constant 0 : i32
        %dma_start3A_443 = tpu.memref_slice %arg5[%run_scoped3A_420, %run_scoped3A_421, %dma_start3A_442] : memref<4x2x128xi32, #tpu.memory_space<vmem>> -> memref<1x1x128xi32, #tpu.memory_space<vmem>>
        %dma_start3A_444 = tpu.memref_squeeze %dma_start3A_443 : memref<1x1x128xi32, #tpu.memory_space<vmem>> -> memref<128xi32, #tpu.memory_space<vmem>>
        %dma_start3A_445 = arith.constant 0 : i32
        %dma_start3A_446 = arith.constant 0 : i32
        %dma_start3A_447 = tpu.memref_slice %arg8[%dma_start3A_445, %dma_start3A_446] : memref<10240x128xf32, #tpu.memory_space<vmem_shared>> -> memref<10240x128xf32, #tpu.memory_space<vmem_shared>>
        tpu.enqueue_indirect_dma source(%arg7 : memref<128x128xf32, #tpu.memory_space<vmem>>) target(%dma_start3A_447 : memref<10240x128xf32, #tpu.memory_space<vmem_shared>>) offsets(%dma_start3A_444 : memref<128xi32, #tpu.memory_space<vmem>>) semaphore(%run_scoped3A_441 : memref<!tpu.dma_semaphore, #tpu.memory_space<semaphore_mem>>) {add = true}
        %dma_wait3A_448 = arith.constant 0 : i32
        %dma_wait3A_449 = tpu.memref_slice %arg5[%run_scoped3A_420, %run_scoped3A_421, %dma_wait3A_448] : memref<4x2x128xi32, #tpu.memory_space<vmem>> -> memref<1x1x128xi32, #tpu.memory_space<vmem>>
        %dma_wait3A_450 = tpu.memref_squeeze %dma_wait3A_449 : memref<1x1x128xi32, #tpu.memory_space<vmem>> -> memref<128xi32, #tpu.memory_space<vmem>>
        %dma_wait3A_451 = arith.constant 0 : i32
        %dma_wait3A_452 = arith.constant 0 : i32
        %dma_wait3A_453 = tpu.memref_slice %arg8[%dma_wait3A_451, %dma_wait3A_452] : memref<10240x128xf32, #tpu.memory_space<vmem_shared>> -> memref<10240x128xf32, #tpu.memory_space<vmem_shared>>
        tpu.wait_indirect_dma semaphore(%run_scoped3A_441 : memref<!tpu.dma_semaphore, #tpu.memory_space<semaphore_mem>>) src(%arg7 : memref<128x128xf32, #tpu.memory_space<vmem>>) dst(%dma_wait3A_453 : memref<10240x128xf32, #tpu.memory_space<vmem_shared>>)
        tpu.yield
      }) : () -> ()
      %add3A_422 = arith.constant 4 : i32
      %add3A_423 = arith.addi %add3A_384, %add3A_422 : i32
      %dma_start3A_424 = arith.constant 3 : i32
      %dma_start3A_425 = arith.constant 0 : i32
      %dma_start3A_426 = arith.constant 0 : i32
      %dma_start3A_427 = tpu.memref_slice %arg5[%dma_start3A_424, %dma_start3A_425, %dma_start3A_426] : memref<4x2x128xi32, #tpu.memory_space<vmem>> -> memref<1x2x128xi32, #tpu.memory_space<vmem>>
      %dma_start3A_428 = tpu.memref_squeeze %dma_start3A_427 : memref<1x2x128xi32, #tpu.memory_space<vmem>> -> memref<2x128xi32, #tpu.memory_space<vmem>>
      %dma_start3A_429 = arith.constant 0 : i32
      %dma_start3A_430 = arith.constant 0 : i32
      %dma_start3A_431 = tpu.memref_slice %arg3[%add3A, %add3A_423, %dma_start3A_429, %dma_start3A_430] : memref<32x84x2x128xi32, #tpu.memory_space<hbm>> -> memref<1x1x2x128xi32, #tpu.memory_space<hbm>>
      %dma_start3A_432 = tpu.memref_squeeze %dma_start3A_431 : memref<1x1x2x128xi32, #tpu.memory_space<hbm>> -> memref<2x128xi32, #tpu.memory_space<hbm>>
      %dma_start3A_433 = arith.constant 0 : i32
      %dma_start3A_434 = arith.constant 0 : i32
      %dma_start3A_435 = tpu.memref_slice %arg5[%dma_start3A_424, %dma_start3A_433, %dma_start3A_434] : memref<4x2x128xi32, #tpu.memory_space<vmem>> -> memref<1x2x128xi32, #tpu.memory_space<vmem>>
      %dma_start3A_436 = tpu.memref_squeeze %dma_start3A_435 : memref<1x2x128xi32, #tpu.memory_space<vmem>> -> memref<2x128xi32, #tpu.memory_space<vmem>>
      %dma_start3A_437 = arith.constant 0 : i32
      %dma_start3A_438 = arith.constant 0 : i32
      %dma_start3A_439 = tpu.memref_slice %arg3[%add3A, %add3A_423, %dma_start3A_437, %dma_start3A_438] : memref<32x84x2x128xi32, #tpu.memory_space<hbm>> -> memref<1x1x2x128xi32, #tpu.memory_space<hbm>>
      %dma_start3A_440 = tpu.memref_squeeze %dma_start3A_439 : memref<1x1x2x128xi32, #tpu.memory_space<hbm>> -> memref<2x128xi32, #tpu.memory_space<hbm>>
      tpu.enqueue_dma source(%dma_start3A_440 : memref<2x128xi32, #tpu.memory_space<hbm>>) target(%dma_start3A_436 : memref<2x128xi32, #tpu.memory_space<vmem>>) target_semaphore(%arg14 : memref<!tpu.dma_semaphore, #tpu.memory_space<semaphore_mem>>)
    }
    %scan3A_117 = arith.constant 20 : i32
    %dma_wait3A_118 = arith.constant 0 : i32
    %dma_wait3A_119 = arith.constant 0 : i32
    %dma_wait3A_120 = arith.constant 0 : i32
    %dma_wait3A_121 = tpu.memref_slice %arg5[%dma_wait3A_118, %dma_wait3A_119, %dma_wait3A_120] : memref<4x2x128xi32, #tpu.memory_space<vmem>> -> memref<1x1x128xi32, #tpu.memory_space<vmem>>
    %dma_wait3A_122 = tpu.memref_squeeze %dma_wait3A_121 : memref<1x1x128xi32, #tpu.memory_space<vmem>> -> memref<128xi32, #tpu.memory_space<vmem>>
    %dma_wait3A_123 = arith.constant 0 : i32
    %dma_wait3A_124 = arith.constant 0 : i32
    %dma_wait3A_125 = tpu.memref_slice %arg2[%dma_wait3A_123, %dma_wait3A_124] : memref<10240x128xf32, #tpu.memory_space<hbm>> -> memref<10240x128xf32, #tpu.memory_space<hbm>>
    tpu.wait_indirect_dma semaphore(%arg9 : memref<!tpu.dma_semaphore, #tpu.memory_space<semaphore_mem>>) src(%dma_wait3A_125 : memref<10240x128xf32, #tpu.memory_space<hbm>>) dst(%arg6 : memref<128x128xf32, #tpu.memory_space<vmem>>)
    %dma_wait3A_126 = arith.constant 81 : i32
    %dma_wait3A_127 = arith.constant 1 : i32
    %dma_wait3A_128 = arith.constant 0 : i32
    %dma_wait3A_129 = arith.constant 0 : i32
    %dma_wait3A_130 = tpu.memref_slice %arg5[%dma_wait3A_127, %dma_wait3A_128, %dma_wait3A_129] : memref<4x2x128xi32, #tpu.memory_space<vmem>> -> memref<1x2x128xi32, #tpu.memory_space<vmem>>
    %dma_wait3A_131 = tpu.memref_squeeze %dma_wait3A_130 : memref<1x2x128xi32, #tpu.memory_space<vmem>> -> memref<2x128xi32, #tpu.memory_space<vmem>>
    %dma_wait3A_132 = arith.constant 0 : i32
    %dma_wait3A_133 = arith.constant 0 : i32
    %dma_wait3A_134 = tpu.memref_slice %arg3[%add3A, %dma_wait3A_126, %dma_wait3A_132, %dma_wait3A_133] : memref<32x84x2x128xi32, #tpu.memory_space<hbm>> -> memref<1x1x2x128xi32, #tpu.memory_space<hbm>>
    %dma_wait3A_135 = tpu.memref_squeeze %dma_wait3A_134 : memref<1x1x2x128xi32, #tpu.memory_space<hbm>> -> memref<2x128xi32, #tpu.memory_space<hbm>>
    %dma_wait3A_136 = arith.constant 0 : i32
    %dma_wait3A_137 = arith.constant 0 : i32
    %dma_wait3A_138 = tpu.memref_slice %arg5[%dma_wait3A_127, %dma_wait3A_136, %dma_wait3A_137] : memref<4x2x128xi32, #tpu.memory_space<vmem>> -> memref<1x2x128xi32, #tpu.memory_space<vmem>>
    %dma_wait3A_139 = tpu.memref_squeeze %dma_wait3A_138 : memref<1x2x128xi32, #tpu.memory_space<vmem>> -> memref<2x128xi32, #tpu.memory_space<vmem>>
    %dma_wait3A_140 = arith.constant 0 : i32
    %dma_wait3A_141 = arith.constant 0 : i32
    %dma_wait3A_142 = tpu.memref_slice %arg3[%add3A, %dma_wait3A_126, %dma_wait3A_140, %dma_wait3A_141] : memref<32x84x2x128xi32, #tpu.memory_space<hbm>> -> memref<1x1x2x128xi32, #tpu.memory_space<hbm>>
    %dma_wait3A_143 = tpu.memref_squeeze %dma_wait3A_142 : memref<1x1x2x128xi32, #tpu.memory_space<hbm>> -> memref<2x128xi32, #tpu.memory_space<hbm>>
    tpu.wait_dma2 semaphore(%arg12 : memref<!tpu.dma_semaphore, #tpu.memory_space<semaphore_mem>>) src(%dma_wait3A_143 : memref<2x128xi32, #tpu.memory_space<hbm>>) dst(%dma_wait3A_139 : memref<2x128xi32, #tpu.memory_space<vmem>>)
    %dma_wait3A_144 = arith.constant 82 : i32
    %dma_wait3A_145 = arith.constant 2 : i32
    %dma_wait3A_146 = arith.constant 0 : i32
    %dma_wait3A_147 = arith.constant 0 : i32
    %dma_wait3A_148 = tpu.memref_slice %arg5[%dma_wait3A_145, %dma_wait3A_146, %dma_wait3A_147] : memref<4x2x128xi32, #tpu.memory_space<vmem>> -> memref<1x2x128xi32, #tpu.memory_space<vmem>>
    %dma_wait3A_149 = tpu.memref_squeeze %dma_wait3A_148 : memref<1x2x128xi32, #tpu.memory_space<vmem>> -> memref<2x128xi32, #tpu.memory_space<vmem>>
    %dma_wait3A_150 = arith.constant 0 : i32
    %dma_wait3A_151 = arith.constant 0 : i32
    %dma_wait3A_152 = tpu.memref_slice %arg3[%add3A, %dma_wait3A_144, %dma_wait3A_150, %dma_wait3A_151] : memref<32x84x2x128xi32, #tpu.memory_space<hbm>> -> memref<1x1x2x128xi32, #tpu.memory_space<hbm>>
    %dma_wait3A_153 = tpu.memref_squeeze %dma_wait3A_152 : memref<1x1x2x128xi32, #tpu.memory_space<hbm>> -> memref<2x128xi32, #tpu.memory_space<hbm>>
    %dma_wait3A_154 = arith.constant 0 : i32
    %dma_wait3A_155 = arith.constant 0 : i32
    %dma_wait3A_156 = tpu.memref_slice %arg5[%dma_wait3A_145, %dma_wait3A_154, %dma_wait3A_155] : memref<4x2x128xi32, #tpu.memory_space<vmem>> -> memref<1x2x128xi32, #tpu.memory_space<vmem>>
    %dma_wait3A_157 = tpu.memref_squeeze %dma_wait3A_156 : memref<1x2x128xi32, #tpu.memory_space<vmem>> -> memref<2x128xi32, #tpu.memory_space<vmem>>
    %dma_wait3A_158 = arith.constant 0 : i32
    %dma_wait3A_159 = arith.constant 0 : i32
    %dma_wait3A_160 = tpu.memref_slice %arg3[%add3A, %dma_wait3A_144, %dma_wait3A_158, %dma_wait3A_159] : memref<32x84x2x128xi32, #tpu.memory_space<hbm>> -> memref<1x1x2x128xi32, #tpu.memory_space<hbm>>
    %dma_wait3A_161 = tpu.memref_squeeze %dma_wait3A_160 : memref<1x1x2x128xi32, #tpu.memory_space<hbm>> -> memref<2x128xi32, #tpu.memory_space<hbm>>
    tpu.wait_dma2 semaphore(%arg13 : memref<!tpu.dma_semaphore, #tpu.memory_space<semaphore_mem>>) src(%dma_wait3A_161 : memref<2x128xi32, #tpu.memory_space<hbm>>) dst(%dma_wait3A_157 : memref<2x128xi32, #tpu.memory_space<vmem>>)
    %dma_wait3A_162 = arith.constant 83 : i32
    %dma_wait3A_163 = arith.constant 3 : i32
    %dma_wait3A_164 = arith.constant 0 : i32
    %dma_wait3A_165 = arith.constant 0 : i32
    %dma_wait3A_166 = tpu.memref_slice %arg5[%dma_wait3A_163, %dma_wait3A_164, %dma_wait3A_165] : memref<4x2x128xi32, #tpu.memory_space<vmem>> -> memref<1x2x128xi32, #tpu.memory_space<vmem>>
    %dma_wait3A_167 = tpu.memref_squeeze %dma_wait3A_166 : memref<1x2x128xi32, #tpu.memory_space<vmem>> -> memref<2x128xi32, #tpu.memory_space<vmem>>
    %dma_wait3A_168 = arith.constant 0 : i32
    %dma_wait3A_169 = arith.constant 0 : i32
    %dma_wait3A_170 = tpu.memref_slice %arg3[%add3A, %dma_wait3A_162, %dma_wait3A_168, %dma_wait3A_169] : memref<32x84x2x128xi32, #tpu.memory_space<hbm>> -> memref<1x1x2x128xi32, #tpu.memory_space<hbm>>
    %dma_wait3A_171 = tpu.memref_squeeze %dma_wait3A_170 : memref<1x1x2x128xi32, #tpu.memory_space<hbm>> -> memref<2x128xi32, #tpu.memory_space<hbm>>
    %dma_wait3A_172 = arith.constant 0 : i32
    %dma_wait3A_173 = arith.constant 0 : i32
    %dma_wait3A_174 = tpu.memref_slice %arg5[%dma_wait3A_163, %dma_wait3A_172, %dma_wait3A_173] : memref<4x2x128xi32, #tpu.memory_space<vmem>> -> memref<1x2x128xi32, #tpu.memory_space<vmem>>
    %dma_wait3A_175 = tpu.memref_squeeze %dma_wait3A_174 : memref<1x2x128xi32, #tpu.memory_space<vmem>> -> memref<2x128xi32, #tpu.memory_space<vmem>>
    %dma_wait3A_176 = arith.constant 0 : i32
    %dma_wait3A_177 = arith.constant 0 : i32
    %dma_wait3A_178 = tpu.memref_slice %arg3[%add3A, %dma_wait3A_162, %dma_wait3A_176, %dma_wait3A_177] : memref<32x84x2x128xi32, #tpu.memory_space<hbm>> -> memref<1x1x2x128xi32, #tpu.memory_space<hbm>>
    %dma_wait3A_179 = tpu.memref_squeeze %dma_wait3A_178 : memref<1x1x2x128xi32, #tpu.memory_space<hbm>> -> memref<2x128xi32, #tpu.memory_space<hbm>>
    tpu.wait_dma2 semaphore(%arg14 : memref<!tpu.dma_semaphore, #tpu.memory_space<semaphore_mem>>) src(%dma_wait3A_179 : memref<2x128xi32, #tpu.memory_space<hbm>>) dst(%dma_wait3A_175 : memref<2x128xi32, #tpu.memory_space<vmem>>)
    %barrier3A_180 = arith.constant 0 : index
    tpu.barrier barrier_id(%barrier3A_180)
    %add3A_181 = arith.constant 0 : i32
    %add3A_182 = arith.addi %mul3A_6, %add3A_181 : i32
    %add3A_183 = arith.constant 0 : i32
    %add3A_184 = arith.addi %mul3A_6, %add3A_183 : i32
    "tpu.region"() ({
      %run_scoped3A = tpu.sem_alloc : memref<!tpu.dma_semaphore, #tpu.memory_space<semaphore_mem>>
      %dma_start3A_201 = arith.constant 0 : i32
      %dma_start3A_202 = tpu.memref_slice %arg4[%arg0, %add3A_184, %dma_start3A_201] : memref<2x10240x128xf32, #tpu.memory_space<hbm>> -> memref<1x128x128xf32, #tpu.memory_space<hbm>>
      %dma_start3A_203 = tpu.memref_squeeze %dma_start3A_202 : memref<1x128x128xf32, #tpu.memory_space<hbm>> -> memref<128x128xf32, #tpu.memory_space<hbm>>
      %dma_start3A_204 = arith.constant 0 : i32
      %dma_start3A_205 = tpu.memref_slice %arg8[%add3A_182, %dma_start3A_204] : memref<10240x128xf32, #tpu.memory_space<vmem_shared>> -> memref<128x128xf32, #tpu.memory_space<vmem_shared>>
      tpu.enqueue_dma source(%dma_start3A_205 : memref<128x128xf32, #tpu.memory_space<vmem_shared>>) target(%dma_start3A_203 : memref<128x128xf32, #tpu.memory_space<hbm>>) target_semaphore(%run_scoped3A : memref<!tpu.dma_semaphore, #tpu.memory_space<semaphore_mem>>)
      %dma_wait3A_206 = arith.constant 0 : i32
      %dma_wait3A_207 = tpu.memref_slice %arg4[%arg0, %add3A_184, %dma_wait3A_206] : memref<2x10240x128xf32, #tpu.memory_space<hbm>> -> memref<1x128x128xf32, #tpu.memory_space<hbm>>
      %dma_wait3A_208 = tpu.memref_squeeze %dma_wait3A_207 : memref<1x128x128xf32, #tpu.memory_space<hbm>> -> memref<128x128xf32, #tpu.memory_space<hbm>>
      %dma_wait3A_209 = arith.constant 0 : i32
      %dma_wait3A_210 = tpu.memref_slice %arg8[%add3A_182, %dma_wait3A_209] : memref<10240x128xf32, #tpu.memory_space<vmem_shared>> -> memref<128x128xf32, #tpu.memory_space<vmem_shared>>
      tpu.wait_dma2 semaphore(%run_scoped3A : memref<!tpu.dma_semaphore, #tpu.memory_space<semaphore_mem>>) src(%dma_wait3A_210 : memref<128x128xf32, #tpu.memory_space<vmem_shared>>) dst(%dma_wait3A_208 : memref<128x128xf32, #tpu.memory_space<hbm>>)
      tpu.yield
    }) : () -> ()
    %add3A_185 = arith.constant 128 : i32
    %add3A_186 = arith.addi %mul3A_6, %add3A_185 : i32
    %add3A_187 = arith.constant 128 : i32
    %add3A_188 = arith.addi %mul3A_6, %add3A_187 : i32
    "tpu.region"() ({
      %run_scoped3A = tpu.sem_alloc : memref<!tpu.dma_semaphore, #tpu.memory_space<semaphore_mem>>
      %dma_start3A_201 = arith.constant 0 : i32
      %dma_start3A_202 = tpu.memref_slice %arg4[%arg0, %add3A_188, %dma_start3A_201] : memref<2x10240x128xf32, #tpu.memory_space<hbm>> -> memref<1x128x128xf32, #tpu.memory_space<hbm>>
      %dma_start3A_203 = tpu.memref_squeeze %dma_start3A_202 : memref<1x128x128xf32, #tpu.memory_space<hbm>> -> memref<128x128xf32, #tpu.memory_space<hbm>>
      %dma_start3A_204 = arith.constant 0 : i32
      %dma_start3A_205 = tpu.memref_slice %arg8[%add3A_186, %dma_start3A_204] : memref<10240x128xf32, #tpu.memory_space<vmem_shared>> -> memref<128x128xf32, #tpu.memory_space<vmem_shared>>
      tpu.enqueue_dma source(%dma_start3A_205 : memref<128x128xf32, #tpu.memory_space<vmem_shared>>) target(%dma_start3A_203 : memref<128x128xf32, #tpu.memory_space<hbm>>) target_semaphore(%run_scoped3A : memref<!tpu.dma_semaphore, #tpu.memory_space<semaphore_mem>>)
      %dma_wait3A_206 = arith.constant 0 : i32
      %dma_wait3A_207 = tpu.memref_slice %arg4[%arg0, %add3A_188, %dma_wait3A_206] : memref<2x10240x128xf32, #tpu.memory_space<hbm>> -> memref<1x128x128xf32, #tpu.memory_space<hbm>>
      %dma_wait3A_208 = tpu.memref_squeeze %dma_wait3A_207 : memref<1x128x128xf32, #tpu.memory_space<hbm>> -> memref<128x128xf32, #tpu.memory_space<hbm>>
      %dma_wait3A_209 = arith.constant 0 : i32
      %dma_wait3A_210 = tpu.memref_slice %arg8[%add3A_186, %dma_wait3A_209] : memref<10240x128xf32, #tpu.memory_space<vmem_shared>> -> memref<128x128xf32, #tpu.memory_space<vmem_shared>>
      tpu.wait_dma2 semaphore(%run_scoped3A : memref<!tpu.dma_semaphore, #tpu.memory_space<semaphore_mem>>) src(%dma_wait3A_210 : memref<128x128xf32, #tpu.memory_space<vmem_shared>>) dst(%dma_wait3A_208 : memref<128x128xf32, #tpu.memory_space<hbm>>)
      tpu.yield
    }) : () -> ()
    %add3A_189 = arith.constant 256 : i32
    %add3A_190 = arith.addi %mul3A_6, %add3A_189 : i32
    %add3A_191 = arith.constant 256 : i32
    %add3A_192 = arith.addi %mul3A_6, %add3A_191 : i32
    "tpu.region"() ({
      %run_scoped3A = tpu.sem_alloc : memref<!tpu.dma_semaphore, #tpu.memory_space<semaphore_mem>>
      %dma_start3A_201 = arith.constant 0 : i32
      %dma_start3A_202 = tpu.memref_slice %arg4[%arg0, %add3A_192, %dma_start3A_201] : memref<2x10240x128xf32, #tpu.memory_space<hbm>> -> memref<1x128x128xf32, #tpu.memory_space<hbm>>
      %dma_start3A_203 = tpu.memref_squeeze %dma_start3A_202 : memref<1x128x128xf32, #tpu.memory_space<hbm>> -> memref<128x128xf32, #tpu.memory_space<hbm>>
      %dma_start3A_204 = arith.constant 0 : i32
      %dma_start3A_205 = tpu.memref_slice %arg8[%add3A_190, %dma_start3A_204] : memref<10240x128xf32, #tpu.memory_space<vmem_shared>> -> memref<128x128xf32, #tpu.memory_space<vmem_shared>>
      tpu.enqueue_dma source(%dma_start3A_205 : memref<128x128xf32, #tpu.memory_space<vmem_shared>>) target(%dma_start3A_203 : memref<128x128xf32, #tpu.memory_space<hbm>>) target_semaphore(%run_scoped3A : memref<!tpu.dma_semaphore, #tpu.memory_space<semaphore_mem>>)
      %dma_wait3A_206 = arith.constant 0 : i32
      %dma_wait3A_207 = tpu.memref_slice %arg4[%arg0, %add3A_192, %dma_wait3A_206] : memref<2x10240x128xf32, #tpu.memory_space<hbm>> -> memref<1x128x128xf32, #tpu.memory_space<hbm>>
      %dma_wait3A_208 = tpu.memref_squeeze %dma_wait3A_207 : memref<1x128x128xf32, #tpu.memory_space<hbm>> -> memref<128x128xf32, #tpu.memory_space<hbm>>
      %dma_wait3A_209 = arith.constant 0 : i32
      %dma_wait3A_210 = tpu.memref_slice %arg8[%add3A_190, %dma_wait3A_209] : memref<10240x128xf32, #tpu.memory_space<vmem_shared>> -> memref<128x128xf32, #tpu.memory_space<vmem_shared>>
      tpu.wait_dma2 semaphore(%run_scoped3A : memref<!tpu.dma_semaphore, #tpu.memory_space<semaphore_mem>>) src(%dma_wait3A_210 : memref<128x128xf32, #tpu.memory_space<vmem_shared>>) dst(%dma_wait3A_208 : memref<128x128xf32, #tpu.memory_space<hbm>>)
      tpu.yield
    }) : () -> ()
    %add3A_193 = arith.constant 384 : i32
    %add3A_194 = arith.addi %mul3A_6, %add3A_193 : i32
    %add3A_195 = arith.constant 384 : i32
    %add3A_196 = arith.addi %mul3A_6, %add3A_195 : i32
    "tpu.region"() ({
      %run_scoped3A = tpu.sem_alloc : memref<!tpu.dma_semaphore, #tpu.memory_space<semaphore_mem>>
      %dma_start3A_201 = arith.constant 0 : i32
      %dma_start3A_202 = tpu.memref_slice %arg4[%arg0, %add3A_196, %dma_start3A_201] : memref<2x10240x128xf32, #tpu.memory_space<hbm>> -> memref<1x128x128xf32, #tpu.memory_space<hbm>>
      %dma_start3A_203 = tpu.memref_squeeze %dma_start3A_202 : memref<1x128x128xf32, #tpu.memory_space<hbm>> -> memref<128x128xf32, #tpu.memory_space<hbm>>
      %dma_start3A_204 = arith.constant 0 : i32
      %dma_start3A_205 = tpu.memref_slice %arg8[%add3A_194, %dma_start3A_204] : memref<10240x128xf32, #tpu.memory_space<vmem_shared>> -> memref<128x128xf32, #tpu.memory_space<vmem_shared>>
      tpu.enqueue_dma source(%dma_start3A_205 : memref<128x128xf32, #tpu.memory_space<vmem_shared>>) target(%dma_start3A_203 : memref<128x128xf32, #tpu.memory_space<hbm>>) target_semaphore(%run_scoped3A : memref<!tpu.dma_semaphore, #tpu.memory_space<semaphore_mem>>)
      %dma_wait3A_206 = arith.constant 0 : i32
      %dma_wait3A_207 = tpu.memref_slice %arg4[%arg0, %add3A_196, %dma_wait3A_206] : memref<2x10240x128xf32, #tpu.memory_space<hbm>> -> memref<1x128x128xf32, #tpu.memory_space<hbm>>
      %dma_wait3A_208 = tpu.memref_squeeze %dma_wait3A_207 : memref<1x128x128xf32, #tpu.memory_space<hbm>> -> memref<128x128xf32, #tpu.memory_space<hbm>>
      %dma_wait3A_209 = arith.constant 0 : i32
      %dma_wait3A_210 = tpu.memref_slice %arg8[%add3A_194, %dma_wait3A_209] : memref<10240x128xf32, #tpu.memory_space<vmem_shared>> -> memref<128x128xf32, #tpu.memory_space<vmem_shared>>
      tpu.wait_dma2 semaphore(%run_scoped3A : memref<!tpu.dma_semaphore, #tpu.memory_space<semaphore_mem>>) src(%dma_wait3A_210 : memref<128x128xf32, #tpu.memory_space<vmem_shared>>) dst(%dma_wait3A_208 : memref<128x128xf32, #tpu.memory_space<hbm>>)
      tpu.yield
    }) : () -> ()
    %add3A_197 = arith.constant 512 : i32
    %add3A_198 = arith.addi %mul3A_6, %add3A_197 : i32
    %add3A_199 = arith.constant 512 : i32
    %add3A_200 = arith.addi %mul3A_6, %add3A_199 : i32
    "tpu.region"() ({
      %run_scoped3A = tpu.sem_alloc : memref<!tpu.dma_semaphore, #tpu.memory_space<semaphore_mem>>
      %dma_start3A_201 = arith.constant 0 : i32
      %dma_start3A_202 = tpu.memref_slice %arg4[%arg0, %add3A_200, %dma_start3A_201] : memref<2x10240x128xf32, #tpu.memory_space<hbm>> -> memref<1x128x128xf32, #tpu.memory_space<hbm>>
      %dma_start3A_203 = tpu.memref_squeeze %dma_start3A_202 : memref<1x128x128xf32, #tpu.memory_space<hbm>> -> memref<128x128xf32, #tpu.memory_space<hbm>>
      %dma_start3A_204 = arith.constant 0 : i32
      %dma_start3A_205 = tpu.memref_slice %arg8[%add3A_198, %dma_start3A_204] : memref<10240x128xf32, #tpu.memory_space<vmem_shared>> -> memref<128x128xf32, #tpu.memory_space<vmem_shared>>
      tpu.enqueue_dma source(%dma_start3A_205 : memref<128x128xf32, #tpu.memory_space<vmem_shared>>) target(%dma_start3A_203 : memref<128x128xf32, #tpu.memory_space<hbm>>) target_semaphore(%run_scoped3A : memref<!tpu.dma_semaphore, #tpu.memory_space<semaphore_mem>>)
      %dma_wait3A_206 = arith.constant 0 : i32
      %dma_wait3A_207 = tpu.memref_slice %arg4[%arg0, %add3A_200, %dma_wait3A_206] : memref<2x10240x128xf32, #tpu.memory_space<hbm>> -> memref<1x128x128xf32, #tpu.memory_space<hbm>>
      %dma_wait3A_208 = tpu.memref_squeeze %dma_wait3A_207 : memref<1x128x128xf32, #tpu.memory_space<hbm>> -> memref<128x128xf32, #tpu.memory_space<hbm>>
      %dma_wait3A_209 = arith.constant 0 : i32
      %dma_wait3A_210 = tpu.memref_slice %arg8[%add3A_198, %dma_wait3A_209] : memref<10240x128xf32, #tpu.memory_space<vmem_shared>> -> memref<128x128xf32, #tpu.memory_space<vmem_shared>>
      tpu.wait_dma2 semaphore(%run_scoped3A : memref<!tpu.dma_semaphore, #tpu.memory_space<semaphore_mem>>) src(%dma_wait3A_210 : memref<128x128xf32, #tpu.memory_space<vmem_shared>>) dst(%dma_wait3A_208 : memref<128x128xf32, #tpu.memory_space<hbm>>)
      tpu.yield
    }) : () -> ()
    return
  }
}

module attributes {stable_mosaic.version = 14 : i64} {
  func.func @_tc1_body(%arg0: memref<2x10240x1xf32, #tpu.memory_space<vmem>>, %arg1: memref<10240x128xf32, #tpu.memory_space<vmem>>, %arg2: memref<10240x1xf32, #tpu.memory_space<vmem>>, %arg3: memref<10240x128xf32, #tpu.memory_space<vmem>>) attributes {dimension_semantics = [], scalar_prefetch = 0 : i64, scratch_operands = 0 : i64, tpu.core_type = #tpu.core_type<tc>} {
    %get3A = arith.constant 0 : index
    %get3A_0 = arith.constant 0 : index
    %get3A_1 = arith.constant 0 : index
    %get3A_2 = vector.load %arg0[%get3A, %get3A_0, %get3A_1] : memref<2x10240x1xf32, #tpu.memory_space<vmem>>, vector<1x10240x1xf32>
    %get3A_3 = vector.shape_cast %get3A_2 : vector<1x10240x1xf32> to vector<10240x1xf32>
    %get3A_4 = arith.constant 1 : index
    %get3A_5 = arith.constant 0 : index
    %get3A_6 = arith.constant 0 : index
    %get3A_7 = vector.load %arg0[%get3A_4, %get3A_5, %get3A_6] : memref<2x10240x1xf32, #tpu.memory_space<vmem>>, vector<1x10240x1xf32>
    %get3A_8 = vector.shape_cast %get3A_7 : vector<1x10240x1xf32> to vector<10240x1xf32>
    %add3A = arith.addf %get3A_3, %get3A_8 : vector<10240x1xf32>
    %add3A_9 = arith.constant 1.000000e+00 : f32
    %add3A_10 = vector.broadcast %add3A_9 : f32 to vector<10240x1xf32>
    %add3A_11 = arith.addf %add3A, %add3A_10 : vector<10240x1xf32>
    %rsqrt3A = math.rsqrt %add3A_11 : vector<10240x1xf32>
    %swap3A = arith.constant 0 : index
    %swap3A_12 = arith.constant 0 : index
    %swap3A_13 = vector.load %arg2[%swap3A, %swap3A_12] : memref<10240x1xf32, #tpu.memory_space<vmem>>, vector<10240x1xf32>
    tpu.vector_store %arg2[%swap3A, %swap3A_12], %rsqrt3A {strides = array<i32>} : memref<10240x1xf32, #tpu.memory_space<vmem>>, vector<10240x1xf32>,
    %get3A_14 = arith.constant 0 : index
    %get3A_15 = arith.constant 0 : index
    %get3A_16 = vector.load %arg1[%get3A_14, %get3A_15] : memref<10240x128xf32, #tpu.memory_space<vmem>>, vector<10240x128xf32>
    %mul3A = vector.broadcast %rsqrt3A : vector<10240x1xf32> to vector<10240x128xf32>
    %mul3A_17 = arith.mulf %get3A_16, %mul3A : vector<10240x128xf32>
    %swap3A_18 = arith.constant 0 : index
    %swap3A_19 = arith.constant 0 : index
    %swap3A_20 = vector.load %arg3[%swap3A_18, %swap3A_19] : memref<10240x128xf32, #tpu.memory_space<vmem>>, vector<10240x128xf32>
    tpu.vector_store %arg3[%swap3A_18, %swap3A_19], %mul3A_17 {strides = array<i32>} : memref<10240x128xf32, #tpu.memory_space<vmem>>, vector<10240x128xf32>,
    return
  }
}

module attributes {stable_mosaic.version = 14 : i64} {
  func.func @_tc2_body(%arg0: i32, %arg1: memref<2x1024x128xf32, #tpu.memory_space<vmem>>, %arg2: memref<1024x128xf32, #tpu.memory_space<vmem>>, %arg3: memref<1024x1xf32, #tpu.memory_space<vmem>>, %arg4: memref<128x256xf32, #tpu.memory_space<vmem>>, %arg5: memref<1x256xf32, #tpu.memory_space<vmem>>, %arg6: memref<256x64xf32, #tpu.memory_space<vmem>>, %arg7: memref<1024x64xf32, #tpu.memory_space<vmem>>) attributes {dimension_semantics = [#tpu.dimension_semantics<arbitrary>], iteration_bounds = array<i64: 10>, scalar_prefetch = 0 : i64, scratch_operands = 0 : i64, tpu.core_type = #tpu.core_type<tc>, window_params = [{transform_indices = @transform_0, window_bounds = array<i64: 2, 1024, 128>}, {transform_indices = @transform_1, window_bounds = array<i64: 1024, 128>}, {transform_indices = @transform_2, window_bounds = array<i64: 1024, 1>}, {pipeline_mode = #tpu.pipeline_mode<synchronous>, transform_indices = @transform_3, window_bounds = array<i64: 128, 256>}, {pipeline_mode = #tpu.pipeline_mode<synchronous>, transform_indices = @transform_4, window_bounds = array<i64: 1, 256>}, {pipeline_mode = #tpu.pipeline_mode<synchronous>, transform_indices = @transform_5, window_bounds = array<i64: 256, 64>}, {transform_indices = @transform_6, window_bounds = array<i64: 1024, 64>}]} {
    %get3A = arith.constant 0 : index
    %get3A_0 = arith.constant 0 : index
    %get3A_1 = vector.load %arg3[%get3A, %get3A_0] : memref<1024x1xf32, #tpu.memory_space<vmem>>, vector<1024x1xf32>
    %get3A_2 = arith.constant 0 : index
    %get3A_3 = arith.constant 0 : index
    %get3A_4 = arith.constant 0 : index
    %get3A_5 = vector.load %arg1[%get3A_2, %get3A_3, %get3A_4] : memref<2x1024x128xf32, #tpu.memory_space<vmem>>, vector<1x1024x128xf32>
    %get3A_6 = vector.shape_cast %get3A_5 : vector<1x1024x128xf32> to vector<1024x128xf32>
    %get3A_7 = arith.constant 1 : index
    %get3A_8 = arith.constant 0 : index
    %get3A_9 = arith.constant 0 : index
    %get3A_10 = vector.load %arg1[%get3A_7, %get3A_8, %get3A_9] : memref<2x1024x128xf32, #tpu.memory_space<vmem>>, vector<1x1024x128xf32>
    %get3A_11 = vector.shape_cast %get3A_10 : vector<1x1024x128xf32> to vector<1024x128xf32>
    %add3A = arith.addf %get3A_6, %get3A_11 : vector<1024x128xf32>
    %get3A_12 = arith.constant 0 : index
    %get3A_13 = arith.constant 0 : index
    %get3A_14 = vector.load %arg2[%get3A_12, %get3A_13] : memref<1024x128xf32, #tpu.memory_space<vmem>>, vector<1024x128xf32>
    %add3A_15 = arith.addf %add3A, %get3A_14 : vector<1024x128xf32>
    %mul3A = vector.broadcast %get3A_1 : vector<1024x1xf32> to vector<1024x128xf32>
    %mul3A_16 = arith.mulf %add3A_15, %mul3A : vector<1024x128xf32>
    %get3A_17 = arith.constant 0 : index
    %get3A_18 = arith.constant 0 : index
    %get3A_19 = vector.load %arg4[%get3A_17, %get3A_18] : memref<128x256xf32, #tpu.memory_space<vmem>>, vector<128x256xf32>
    %dot_general3A = arith.constant dense<0.000000e+00> : vector<1024x256xf32>
    %dot_general3A_20 = tpu.matmul %mul3A_16, %get3A_19, %dot_general3A {dimension_numbers = #tpu.dot_dimension_numbers<[1], [0], [0], [1], [0, 0, 1, 1], [], []>, transpose_lhs_hint = false} : vector<1024x128xf32>, vector<128x256xf32>, vector<1024x256xf32> -> vector<1024x256xf32>
    %get3A_21 = arith.constant 0 : index
    %get3A_22 = arith.constant 0 : index
    %get3A_23 = vector.load %arg5[%get3A_21, %get3A_22] : memref<1x256xf32, #tpu.memory_space<vmem>>, vector<1x256xf32>
    %add3A_24 = vector.broadcast %get3A_23 : vector<1x256xf32> to vector<1024x256xf32>
    %add3A_25 = arith.addf %dot_general3A_20, %add3A_24 : vector<1024x256xf32>
    %max3A = arith.constant 0.000000e+00 : f32
    %max3A_26 = vector.broadcast %max3A : f32 to vector<1024x256xf32>
    %max3A_27 = arith.maximumf %add3A_25, %max3A_26 : vector<1024x256xf32>
    %get3A_28 = arith.constant 0 : index
    %get3A_29 = arith.constant 0 : index
    %get3A_30 = vector.load %arg6[%get3A_28, %get3A_29] : memref<256x64xf32, #tpu.memory_space<vmem>>, vector<256x64xf32>
    %dot_general3A_31 = arith.constant dense<0.000000e+00> : vector<1024x64xf32>
    %dot_general3A_32 = tpu.matmul %max3A_27, %get3A_30, %dot_general3A_31 {dimension_numbers = #tpu.dot_dimension_numbers<[1], [0], [0], [1], [0, 0, 1, 1], [], []>, transpose_lhs_hint = false} : vector<1024x256xf32>, vector<256x64xf32>, vector<1024x64xf32> -> vector<1024x64xf32>
    %mul3A_33 = vector.broadcast %get3A_1 : vector<1024x1xf32> to vector<1024x64xf32>
    %mul3A_34 = arith.mulf %dot_general3A_32, %mul3A_33 : vector<1024x64xf32>
    %swap3A = arith.constant 0 : index
    %swap3A_35 = arith.constant 0 : index
    %swap3A_36 = vector.load %arg7[%swap3A, %swap3A_35] : memref<1024x64xf32, #tpu.memory_space<vmem>>, vector<1024x64xf32>
    tpu.vector_store %arg7[%swap3A, %swap3A_35], %mul3A_34 {strides = array<i32>} : memref<1024x64xf32, #tpu.memory_space<vmem>>, vector<1024x64xf32>,
    return
  }
  func.func @transform_0(%arg0: i32) -> (i32, i32, i32) {
    %c0_i32 = arith.constant 0 : i32
    %c0_i32_0 = arith.constant 0 : i32
    %c0_i32_1 = arith.constant 0 : i32
    return %c0_i32, %arg0, %c0_i32_0 : i32, i32, i32
  }
  func.func @transform_1(%arg0: i32) -> (i32, i32) {
    %c0_i32 = arith.constant 0 : i32
    %c0_i32_0 = arith.constant 0 : i32
    return %arg0, %c0_i32 : i32, i32
  }
  func.func @transform_2(%arg0: i32) -> (i32, i32) {
    %c0_i32 = arith.constant 0 : i32
    %c0_i32_0 = arith.constant 0 : i32
    return %arg0, %c0_i32 : i32, i32
  }
  func.func @transform_3(%arg0: i32) -> (i32, i32) {
    %c0_i32 = arith.constant 0 : i32
    %c0_i32_0 = arith.constant 0 : i32
    %c0_i32_1 = arith.constant 0 : i32
    return %c0_i32, %c0_i32_0 : i32, i32
  }
  func.func @transform_4(%arg0: i32) -> (i32, i32) {
    %c0_i32 = arith.constant 0 : i32
    %c0_i32_0 = arith.constant 0 : i32
    %c0_i32_1 = arith.constant 0 : i32
    return %c0_i32, %c0_i32_0 : i32, i32
  }
  func.func @transform_5(%arg0: i32) -> (i32, i32) {
    %c0_i32 = arith.constant 0 : i32
    %c0_i32_0 = arith.constant 0 : i32
    %c0_i32_1 = arith.constant 0 : i32
    return %c0_i32, %c0_i32_0 : i32, i32
  }
  func.func @transform_6(%arg0: i32) -> (i32, i32) {
    %c0_i32 = arith.constant 0 : i32
    %c0_i32_0 = arith.constant 0 : i32
    return %arg0, %c0_i32 : i32, i32
  }
}

module attributes {stable_mosaic.version = 14 : i64} {
  func.func @_tc3_body(%arg0: i32, %arg1: memref<2x400x64xf32, #tpu.memory_space<vmem>>, %arg2: memref<400x64xf32, #tpu.memory_space<vmem>>, %arg3: memref<400x1xf32, #tpu.memory_space<vmem>>, %arg4: memref<1x64xf32, #tpu.memory_space<vmem>>, %arg5: memref<400x64xf32, #tpu.memory_space<vmem>>) attributes {dimension_semantics = [#tpu.dimension_semantics<arbitrary>], iteration_bounds = array<i64: 25>, scalar_prefetch = 0 : i64, scratch_operands = 0 : i64, tpu.core_type = #tpu.core_type<tc>, window_params = [{transform_indices = @transform_0, window_bounds = array<i64: 2, 400, 64>}, {transform_indices = @transform_1, window_bounds = array<i64: 400, 64>}, {transform_indices = @transform_2, window_bounds = array<i64: 400, 1>}, {pipeline_mode = #tpu.pipeline_mode<synchronous>, transform_indices = @transform_3, window_bounds = array<i64: 1, 64>}, {transform_indices = @transform_4, window_bounds = array<i64: 400, 64>}]} {
    %get3A = arith.constant 0 : index
    %get3A_0 = arith.constant 0 : index
    %get3A_1 = arith.constant 0 : index
    %get3A_2 = vector.load %arg1[%get3A, %get3A_0, %get3A_1] : memref<2x400x64xf32, #tpu.memory_space<vmem>>, vector<1x400x64xf32>
    %get3A_3 = vector.shape_cast %get3A_2 : vector<1x400x64xf32> to vector<400x64xf32>
    %get3A_4 = arith.constant 1 : index
    %get3A_5 = arith.constant 0 : index
    %get3A_6 = arith.constant 0 : index
    %get3A_7 = vector.load %arg1[%get3A_4, %get3A_5, %get3A_6] : memref<2x400x64xf32, #tpu.memory_space<vmem>>, vector<1x400x64xf32>
    %get3A_8 = vector.shape_cast %get3A_7 : vector<1x400x64xf32> to vector<400x64xf32>
    %add3A = arith.addf %get3A_3, %get3A_8 : vector<400x64xf32>
    %get3A_9 = arith.constant 0 : index
    %get3A_10 = arith.constant 0 : index
    %get3A_11 = vector.load %arg2[%get3A_9, %get3A_10] : memref<400x64xf32, #tpu.memory_space<vmem>>, vector<400x64xf32>
    %add3A_12 = arith.addf %add3A, %get3A_11 : vector<400x64xf32>
    %get3A_13 = arith.constant 0 : index
    %get3A_14 = arith.constant 0 : index
    %get3A_15 = vector.load %arg3[%get3A_13, %get3A_14] : memref<400x1xf32, #tpu.memory_space<vmem>>, vector<400x1xf32>
    %mul3A = vector.broadcast %get3A_15 : vector<400x1xf32> to vector<400x64xf32>
    %mul3A_16 = arith.mulf %add3A_12, %mul3A : vector<400x64xf32>
    %get3A_17 = arith.constant 0 : index
    %get3A_18 = arith.constant 0 : index
    %get3A_19 = vector.load %arg4[%get3A_17, %get3A_18] : memref<1x64xf32, #tpu.memory_space<vmem>>, vector<1x64xf32>
    %add3A_20 = vector.broadcast %get3A_19 : vector<1x64xf32> to vector<400x64xf32>
    %add3A_21 = arith.addf %mul3A_16, %add3A_20 : vector<400x64xf32>
    %swap3A = arith.constant 0 : index
    %swap3A_22 = arith.constant 0 : index
    %swap3A_23 = vector.load %arg5[%swap3A, %swap3A_22] : memref<400x64xf32, #tpu.memory_space<vmem>>, vector<400x64xf32>
    tpu.vector_store %arg5[%swap3A, %swap3A_22], %add3A_21 {strides = array<i32>} : memref<400x64xf32, #tpu.memory_space<vmem>>, vector<400x64xf32>,
    return
  }
  func.func @transform_0(%arg0: i32) -> (i32, i32, i32) {
    %c0_i32 = arith.constant 0 : i32
    %c0_i32_0 = arith.constant 0 : i32
    %c0_i32_1 = arith.constant 0 : i32
    return %c0_i32, %arg0, %c0_i32_0 : i32, i32, i32
  }
  func.func @transform_1(%arg0: i32) -> (i32, i32) {
    %c0_i32 = arith.constant 0 : i32
    %c0_i32_0 = arith.constant 0 : i32
    return %arg0, %c0_i32 : i32, i32
  }
  func.func @transform_2(%arg0: i32) -> (i32, i32) {
    %c0_i32 = arith.constant 0 : i32
    %c0_i32_0 = arith.constant 0 : i32
    return %arg0, %c0_i32 : i32, i32
  }
  func.func @transform_3(%arg0: i32) -> (i32, i32) {
    %c0_i32 = arith.constant 0 : i32
    %c0_i32_0 = arith.constant 0 : i32
    %c0_i32_1 = arith.constant 0 : i32
    return %c0_i32, %c0_i32_0 : i32, i32
  }
  func.func @transform_4(%arg0: i32) -> (i32, i32) {
    %c0_i32 = arith.constant 0 : i32
    %c0_i32_0 = arith.constant 0 : i32
    return %arg0, %c0_i32 : i32, i32
  }
}

</mosaic_0001>

<sc_bundles>
// kernel: kernel.11.cloned.1.call-start
scs
__scs_entry_jumppad:
0x0: {  	(pc) =	sbr.rel $0x88, $3  }
0x1: {  	(tag) =	ssettag $0x0;
	lr =	simm.s32 $0x1  }
0x2: {  	[smem:$0x3F9B] =	sst lr;
	_ =	strace $0xD0000000  }
0x3: {  	_ = 	snop  }
0x4: {  	_ = 	snop  }
0x5: {  	_ = 	snop  }
0x6: {  	_ = 	snop  }
0x7: {  	_ = 	snop  }
__scs_overlays_trampoline_lowered:
0x8: {  	[smem:$0x3FAA] =	sst s0  }
0x9: {  	[smem:$0x3FAB] =	sst s1  }
0xa: {  	[smem:$0x3FAC] =	sst s2  }
0xb: {  	[smem:$0x3FAD] =	sst s3  }
0xc: {  	[smem:$0x3FAE] =	sst s4  }
0xd: {  	[smem:$0x3FAF] =	sst s5  }
0xe: {  	[smem:$0x3FB0] =	sst s6  }
0xf: {  	[smem:$0x3FB1] =	sst s7  }
0x10: {  	[smem:$0x3FB2] =	sst s8  }
0x11: {  	[smem:$0x3FB3] =	sst s9;
	s0 =	simm.s32 @!p0 $0x0  }
0x12: {  	s1 =	sld [smem:$0x3F99];
	s0 =	simm.s32 @p0 $0x1  }
0x13: {  	[smem:$0x3FB4] =	sst s0;
	s0 =	simm.s32 @!p1 $0x0  }
0x14: {  	s2 =	sld [smem:$0x3F98];
	s0 =	simm.s32 @p1 $0x1  }
0x15: {  	[smem:$0x3FB5] =	sst s0;
	s0 =	simm.s32 @!p2 $0x0  }
0x16: {  	s3 =	sld [smem:$0x3FDB];
	s0 =	simm.s32 @p2 $0x1  }
0x17: {  	s4 =	simm.s32 $0x1BF5;
	[smem:$0x3FB7] =	sst s0  }
0x18: {  	s0 =	sld [smem:$0x3F9A];
	_ =	swait.ge [sflag:s4], $0x0  }
0x19: {  	s7 =	sld [smem:$0x3F9B]  }
0x1a: {  	s8 =	sadd.s32 $0xFFFFE003, lr  }
0x1b: {  	s9 =	sadd.s32 $0xFFFFFEF7, lr;
	s5 =	simm.s32 $0xFFFFFFFF;
	p2 =	slt.u32 s8, $0xFFFFF086  }
0x1c: {  	p1 =	slt.u32 s9, $0xF7A;
	s5 =	simm.s32 @!p2 $0x0  }
0x1d: {  	s5 =	simm.s32 @p1 $0x1;
	p0 =	seq.s32 s7, s2  }
0x1e: {  	s7 =	smul.u32 @!p0 $0xF7A, s2;
	p2 =	seq.s32 @!p0 s5, $0x0  }
0x1f: {  	s9 =	smul.u32 $0xF7A, s1;
	s8 =	simm.s32 @!p0 $0x1BF5;
	p2 =	por !p2, p0  }
0x20: {  	[sflag:s8] =	ssyncset.s32 @!p0 $0xFFFFF086;
	s6 =	sadd.s32 @!p0 s3, s7;
	s7 =	simm.s32 @!p0 $0x108  }
0x21: {  	s3 =	sadd.s32 s3, s9;
	s6 =	sadd.s32 @!p0 $0x88, s6;
	s7 =	simm.s32 @p2 $0x1082  }
0x22: {  	[simem:s7], [sflag:s8] =	dma.local @!p0 [hbm:s6], $0xF7A  }
0x23: {  	s9 =	sor.u32 $0xD0000000, s2;
	s6 =	simm.s32 $0x108;
	_ =	swait.ge @!p0 [sflag:s8], $0x0  }
0x24: {  	s3 =	sadd.s32 $0x88, s3;
	s6 =	simm.s32 @!p1 $0x1082;
	[sflag:s4] =	ssyncset.s32 $0xFFFFF086  }
0x25: {  	[simem:s6], [sflag:s4] =	dma.local [hbm:s3], $0xF7A  }
0x26: {  	[smem:$0x3F9B] =	sst s1;
	(tag) =	ssettag s2;
	_ =	strace s9  }
0x27: {  	s1 =	sld [smem:$0x3FAB]  }
0x28: {  	s2 =	sld [smem:$0x3FAC]  }
0x29: {  	s4 =	sld [smem:$0x3FAE]  }
0x2a: {  	p0 =	seq.s32 s5, $0x0;
	s5 =	sld [smem:$0x3FAF]  }
0x2b: {  	s6 =	sld [smem:$0x3FB0]  }
0x2c: {  	s7 =	sld [smem:$0x3FB1]  }
0x2d: {  	s3 =	simm.s32 $0x108;
	s8 =	sld [smem:$0x3FB2]  }
0x2e: {  	s3 =	simm.s32 @!p0 $0x1082;
	s9 =	sld [smem:$0x3FB3]  }
0x2f: {  	lr =	sadd.s32 s0, s3;
	s0 =	sld [smem:$0x3FAA]  }
0x30: {  	s3 =	sld [smem:$0x3FAD]  }
0x31: {  	[smem:$0x3FB6] =	sst s10  }
0x32: {  	s10 =	sld [smem:$0x3FB4];
	_ =	sdelay $0x3  }
0x33: {  	p0 =	seq.s32 s10, $0x1;
	s10 =	sld [smem:$0x3FB6];
	_ =	sdelay $0x3  }
0x34: {  	[smem:$0x3FB6] =	sst s10  }
0x35: {  	s10 =	sld [smem:$0x3FB5];
	_ =	sdelay $0x3  }
0x36: {  	p1 =	seq.s32 s10, $0x1;
	s10 =	sld [smem:$0x3FB6];
	_ =	sdelay $0x3  }
0x37: {  	[smem:$0x3FB6] =	sst s10  }
0x38: {  	s10 =	sld [smem:$0x3FB7]  }
0x39: {  	_ = 	snop;
	(pc) =	sbr.ind lr, $3  }
0x3a: {  	_ = 	snop  }
0x3b: {  	_ = 	snop  }
0x3c: {  	p2 =	seq.s32 s10, $0x1;
	s10 =	sld [smem:$0x3FB6]  }
0x3d: {  	_ =	shalt  }
0x3e: {  	_ =	shalt  }
0x3f: {  	_ =	shalt  }
0x40: {  	_ =	shalt  }
0x41: {  	_ =	shalt  }
0x42: {  	_ =	shalt  }
0x43: {  	_ =	shalt  }
0x44: {  	_ =	shalt  }
0x45: {  	_ =	shalt  }
0x46: {  	_ =	shalt  }
0x47: {  	_ =	shalt  }
0x48: {  	_ =	shalt  }
0x49: {  	_ =	shalt  }
0x4a: {  	_ =	shalt  }
0x4b: {  	_ =	shalt  }
0x4c: {  	_ =	shalt  }
0x4d: {  	_ =	shalt  }
0x4e: {  	_ =	shalt  }
0x4f: {  	_ =	shalt  }
0x50: {  	_ =	shalt  }
0x51: {  	_ =	shalt  }
0x52: {  	_ =	shalt  }
0x53: {  	_ =	shalt  }
0x54: {  	_ =	shalt  }
0x55: {  	_ =	shalt  }
0x56: {  	_ =	shalt  }
0x57: {  	_ =	shalt  }
0x58: {  	_ =	shalt  }
0x59: {  	_ =	shalt  }
0x5a: {  	_ =	shalt  }
0x5b: {  	_ =	shalt  }
0x5c: {  	_ =	shalt  }
0x5d: {  	_ =	shalt  }
0x5e: {  	_ =	shalt  }
0x5f: {  	_ =	shalt  }
0x60: {  	_ =	shalt  }
0x61: {  	_ =	shalt  }
0x62: {  	_ =	shalt  }
0x63: {  	_ =	shalt  }
0x64: {  	_ =	shalt  }
0x65: {  	_ =	shalt  }
0x66: {  	_ =	shalt  }
0x67: {  	_ =	shalt  }
0x68: {  	_ =	shalt  }
0x69: {  	_ =	shalt  }
0x6a: {  	_ =	shalt  }
0x6b: {  	_ =	shalt  }
0x6c: {  	_ =	shalt  }
0x6d: {  	_ =	shalt  }
0x6e: {  	_ =	shalt  }
0x6f: {  	_ =	shalt  }
0x70: {  	_ =	shalt  }
0x71: {  	_ =	shalt  }
0x72: {  	_ =	shalt  }
0x73: {  	_ =	shalt  }
0x74: {  	_ =	shalt  }
0x75: {  	_ =	shalt  }
0x76: {  	_ =	shalt  }
0x77: {  	_ =	shalt  }
0x78: {  	_ =	shalt  }
0x79: {  	_ =	shalt  }
0x7a: {  	_ =	shalt  }
0x7b: {  	_ =	shalt  }
0x7c: {  	_ =	shalt  }
0x7d: {  	_ =	shalt  }
0x7e: {  	_ =	shalt  }
0x7f: {  	_ =	shalt  }
0x80: {  	_ =	shalt  }
0x81: {  	_ =	shalt  }
0x82: {  	_ =	shalt  }
0x83: {  	_ =	shalt  }
0x84: {  	_ =	shalt  }
0x85: {  	_ =	shalt  }
0x86: {  	_ =	shalt  }
0x87: {  	_ =	shalt  }
.Lfunc_end0:
.L_simem_size_0:
called_computation.1_lowered:
.L_overlay_start_0:
0x88: {  	s2 =	sld [smem:$0x3FD9]  }
0x89: {  	s3 =	sld [smem:$0x3FFE];
	_ =	sdelay $0x1  }
0x8a: {  	s1 =	srdreg.scid  }
0x8b: {  	s0 =	sand.u32 $0x1, s1  }
0x8c: {  	s16 =	sshll.u32 s0, $0xA;
	s2 =	sadd.s32 s3, s2  }
0x8d: {  	s2 =	sadd.s32 s2, s16  }
0x8e: {  	[smem:$0x3FC2] =	sst s2  }
0x8f: {  	_ = 	snop  }
0x90: {  	(tm) =	ssettm $0x1  }
0x91: {  	s17 =	sld [smem:$0x3FFB];
	_ =	sdelay $0x3  }
0x92: {  	_ =	strace s17  }
0x93: {  	s2 =	sld [smem:$0x3FFC];
	_ =	sdelay $0x3  }
0x94: {  	_ =	strace s2  }
0x95: {  	s2 =	sld [smem:$0x3FFD];
	_ =	sdelay $0x3  }
0x96: {  	_ =	strace s2  }
0x97: {  	_ =	strace $0x8FFFFFFF  }
0x98: {  	s18 =	sld [smem:$0x3FDB];
	_ =	sdelay $0x1  }
0x99: {  	s19 =	simm.s32 $_scs_section_size  }
0x9a: {  	s4 =	simm.s32 $_size__tile_overlayer_lowered;
	s5 =	simm.s32 $_tile_overlayer_lowered  }
0x9b: {  	s22 =	simm.s32 $0x1BFF;
	s21 =	sshll.u32 s5, $0x1;
	s2 =	sadd.s32 s19, s18  }
0x9c: {  	s6 =	simm.s32 $0x0;
	s20 =	sshll.u32 s4, $0x1;
	s4 =	sadd.s32 s21, s2  }
0x9d: {  	[timem:s6], [sflag:s22] =	dma.local [hbm:s4], s20  }
0x9e: {  	_ =	swait.ge [sflag:s22], s20  }
0x9f: {  	s3 =	ssub.s32 $0x0, s20;
	[sflag:s22] =	ssyncset.done $0x0  }
0xa0: {  	[sflag:s22] =	ssyncadd.s32 s3;
	_ =	sdelay $0x1  }
0xa1: {  	s23 =	simm.s32 $0x1B8B  }
0xa2: {  	_ =	swait.ge [sflag:s23], $0x1  }
0xa3: {  	[sflag:s23] =	ssyncset.done $0x0  }
0xa4: {  	s25 =	simm.s32 $0x1B8E;
	s24 =	sld [smem:$0x3FFE];
	[sflag:s23] =	ssyncadd.s32 $0xFFFFFFFF  }
0xa5: {  	s26 =	simm.s32 $execute0_lowered;
	[smem:$0x3FD2] =	sst s25  }
0xa6: {  	s4 =	sshll.u32 s26, $0x1;
	_ =	strace $0x80000049;
	[dreg:$0x1] =	wrdreg $0xFFFFFFFF  }
0xa7: {  	s28 =	simm.s32 $_size_execute0_lowered;
	s2 =	sadd.s32 s2, s4;
	[dreg:$0x0] =	wrdreg $0x0  }
0xa8: {  	s4 =	sshll.u32 s28, $0x1;
	[dreg:$0x2] =	wrdreg s2  }
0xa9: {  	[dreg:$0x3] =	wrdreg s4  }
0xaa: {  	[dreg:$0x4] =	wrdreg $0xC0  }
0xab: {  	_ =	task [dreg:s6], $0x5FFFF  }
0xac: {  	[dreg:$0x1] =	wrdreg $0xFFFFFFFF  }
0xad: {  	[dreg:$0x0] =	wrdreg $0x60  }
0xae: {  	[dreg:$0x2] =	wrdreg s24  }
0xaf: {  	[dreg:$0x3] =	wrdreg $0x84000  }
0xb0: {  	[dreg:$0x4] =	wrdreg $0x9  }
0xb1: {  	_ =	task.clear_ibuf [dreg:s6], $0x5FFFF;
	_ =	strace $0x90000049  }
0xb2: {  	s29 =	simm.s32 $0x9;
	_ =	strace $0x8000004B  }
0xb3: {  	_ =	swait.ge [sflag:s29], $0x1  }
0xb4: {  	[sflag:s29] =	ssyncadd.s32 $0xFFFFFFFF  }
0xb5: {  	_ =	strace $0x9000004B  }
0xb6: {  	_ =	sfence  }
0xb7: {  	s30 =	sld [smem:$0x0];
	_ =	sdelay $0x2  }
0xb8: {  	s31 =	sshll.u32 s1, $0xD;
	s1 =	sshrl.u32 s1, $0x2  }
0xb9: {  	s3 =	sand.u32 $0x4000, s31;
	s1 =	sadd.s32 s1, s30  }
0xba: {  	s0 =	sor.u32 s3, s0;
	s1 =	sshll.u32 s1, $0x11  }
0xbb: {  	s0 =	sor.u32 s1, s0  }
0xbc: {  	s0 =	sadd.s32 $0x8F2B, s0  }
0xbd: {  	[sflag:s0] =	ssyncadd.remote.s32 $0x1  }
0xbe: {  	_ =	sfence.sel $0xFFFF  }
0xbf: {  	[dreg:$0x0] =	wrdreg $0xFFFFFFFF;
	(pc) =	sbr.abs _section_cstart, $3  }
0xc0: {  	[dreg:$0x1] =	wrdreg $0xFFFFFFFF  }
0xc1: {  	_ =	task.clear_ibuf [dreg:s6], $0x2FFFF;
	_ =	strace $0x9FFFFFFF  }
0xc2: {  	(tm) =	ssettm $0x7FFFFFFF  }
0xc3: {  	_ =	shalt  }
tec
execute0_lowered:
.L_overlay_start_1:
0x0: {  	(tag) =	ssettag $0x1  }
0x1: {  	s0 =	rddreg [dreg:$0x0]  }
0x2: {  	s1 =	rddreg [dreg:$0x1];
	s2 =	simm.s32 $0x0;
	s3 =	srdreg.scid  }
0x3: {  	s17 =	stileid.u32;
	s28 =	simm.s32 $0x200;
	s29 =	simm.s32 $0x300  }
0x4: {  	s30 =	simm.s32 $0x3;
	s31 =	simm.s32 $0x80;
	[smem:$0x7FF] =	sst s2  }
0x5: {  	s4 =	sadd.s32 $0x17E00, s0;
	s5 =	sadd.s32 $0x2E00, s0;
	s7 =	smul.u32 $0x50000, s17  }
0x6: {  	s3 =	sand.u32 $0x1, s3;
	s0 =	sadd.s32 $0x3FE00, s0;
	s10 =	smul.u32 $0x14000, s17  }
0x7: {  	s9 =	sshll.u32 s17, $0x1;
	_ =	strace $0x8000004A;
	s15 =	smul.u32 $0x140000, s3  }
0x8: {  	s6 =	ssub.s32 $0x2, s3;
	s16 =	sor.u32 s3, s9;
	s3 =	smul.u32 $0x5400, s3  }
0x9: {  	s8 =	sshrl.u32 s6, $0x1;
	s7 =	sshrl.u32 s7, $0x2;
	s12 =	sadd.s32 $0x4000, s10  }
0xa: {  	s13 =	sadd.s32 $0x8000, s10;
	s9 =	smul.u32 $0x5400, s16;
	s14 =	sadd.s32 $0xC000, s10  }
0xb: {  	s16 =	sadd.s32 $0x10000, s10;
	s6 =	ssub.s32 s6, s8;
	s20 =	sadd.s32 s7, s1  }
0xc: {  	s18 =	sadd.s32 s12, s1;
	s19 =	sadd.s32 s13, s1;
	s10 =	sadd.s32 s10, s15  }
0xd: {  	s12 =	sadd.s32 s15, s12;
	s8 =	smul.u32 $0xA800, s17;
	[dreg:$0x4] =	wrdreg s18  }
0xe: {  	[dreg:$0x5] =	wrdreg s19;
	s11 =	sshrl.u32 s9, $0x3;
	s9 =	sadd.s32 s14, s1  }
0xf: {  	s10 =	sshrl.u32 s10, $0x3;
	s25 =	sshrl.u32 s12, $0x3;
	s14 =	sadd.s32 s15, s14  }
0x10: {  	s19 =	sadd.s32 s15, s16;
	s12 =	simm.s32 $0x1;
	s21 =	sadd.s32 s5, s11  }
0x11: {  	s11 =	sadd.s32 s16, s1;
	s24 =	sadd.s32 s0, s10;
	s26 =	sadd.s32 s0, s25  }
0x12: {  	s18 =	sshrl.u32 s14, $0x3;
	s3 =	sadd.s32 s3, s8;
	[dreg:$0x6] =	wrdreg s21  }
0x13: {  	s14 =	simm.s32 $0x2;
	s16 =	simm.s32 $0x6;
	[dreg:$0xa] =	wrdreg s24  }
0x14: {  	s22 =	sadd.s32 $0x20, s21;
	s23 =	sadd.s32 $0x40, s21;
	[dreg:$0xb] =	wrdreg s26  }
0x15: {  	s7 =	sadd.s32 $0x60, s21;
	s21 =	sadd.s32 s0, s18;
	[dreg:$0x7] =	wrdreg s22  }
0x16: {  	s24 =	sadd.s32 $0x700, s3;
	s25 =	sadd.s32 $0x600, s3;
	[dreg:$0x8] =	wrdreg s23  }
0x17: {  	s26 =	sadd.s32 $0x500, s3;
	s18 =	simm.s32 $0x380;
	[dreg:$0x9] =	wrdreg s7  }
0x18: {  	s7 =	sadd.s32 s15, s13;
	[dreg:$0xd] =	wrdreg s21;
	s22 =	sshrl.u32 s19, $0x3  }
0x19: {  	s23 =	smax.u32 s6, $0x1;
	s6 =	sshrl.u32 s25, $0x3;
	s25 =	simm.s32 $0x7  }
0x1a: {  	s13 =	simm.s32 $0x5;
	s15 =	simm.s32 $0x180;
	s19 =	simm.s32 $0x0  }
0x1b: {  	s10 =	sshrl.u32 s7, $0x3;
	[dreg:$0xf] =	wrdreg s23;
	s21 =	sadd.s32 s6, s5  }
0x1c: {  	s23 =	sadd.s32 $0x400, s3;
	s3 =	simm.s32 $0x4400;
	s17 =	sadd.s32 s0, s10  }
0x1d: {  	s0 =	sadd.s32 s0, s22;
	s10 =	sshrl.u32 s26, $0x3;
	[dreg:$0xc] =	wrdreg s17  }
0x1e: {  	s26 =	simm.s32 $0x100;
	[dreg:$0xe] =	wrdreg s0;
	s0 =	sshrl.u32 s24, $0x3  }
0x1f: {  	s22 =	sadd.s32 s10, s5;
	s24 =	simm.s32 $0x400;
	s0 =	sadd.s32 s0, s5  }
0x20: {  	v0 =	vimm.f32 $0.0e+00;
	s17 =	simm.s32 $0x280;
	[dreg:$0x3] =	wrdreg s0;
	s0 =	simm.s32 $0x4  }
.LBB2_1:
0x21: {  	s6 =	simm.s32 $0x0;
	s10 =	simm.s32 $0x200  }
.LBB2_2:
0x22: {  	p0 =	sne.s32 s10, $0xFE00;
	[tilespmem:s6+$0x470] =	vst v0  }
0x23: {  	[tilespmem:s6+$0x400] =	vst v0  }
0x24: {  	[tilespmem:s6+$0x410] =	vst v0  }
.Ltmp0:
0x25: {  	[tilespmem:s6+$0x420] =	vst v0;
	(pc) =	sbr.rel @p0 .LBB2_2-.Ltmp0, $4  }
0x26: {  	[tilespmem:s6+$0x430] =	vst v0  }
0x27: {  	[tilespmem:s6+$0x440] =	vst v0  }
0x28: {  	[tilespmem:s6+$0x450] =	vst v0  }
0x29: {  	[tilespmem:s6+$0x460] =	vst v0;
	s6 =	sshra.s32 s10, $0x2;
	s10 =	sadd.s32 $0x200, s10  }
0x2a: {  	[tilespmem:s6+$0x470] =	vst v0  }
0x2b: {  	[tilespmem:s6+$0x400] =	vst v0  }
0x2c: {  	[tilespmem:s6+$0x410] =	vst v0  }
0x2d: {  	[tilespmem:s6+$0x420] =	vst v0  }
0x2e: {  	[tilespmem:s6+$0x430] =	vst v0  }
0x2f: {  	[tilespmem:s6+$0x440] =	vst v0  }
0x30: {  	[tilespmem:s6+$0x450] =	vst v0  }
0x31: {  	[tilespmem:s6+$0x460] =	vst v0  }
0x32: {  	[spmem:s20] =	stream.linear.scatter [tilespmem:s24], [sflag:$0x7], $0x4000, $0x38;
	[tilespmem:$0x1C400] =	vst v63  }
0x33: {  	_ =	swait.ge [sflag:s25], $0x4000  }
0x34: {  	[sflag:s25] =	ssyncset.done $0x0  }
0x35: {  	s7 =	rddreg [dreg:$0x4];
	[sflag:s25] =	ssyncadd.s32 $0xFFFFC000  }
0x36: {  	[spmem:s7] =	stream.linear.scatter [tilespmem:s24], [sflag:$0x7], $0x4000, $0x38;
	[tilespmem:$0x1C400] =	vst v63  }
0x37: {  	_ =	swait.ge [sflag:s25], $0x4000  }
0x38: {  	[sflag:s25] =	ssyncset.done $0x0  }
0x39: {  	s10 =	rddreg [dreg:$0x5];
	[sflag:s25] =	ssyncadd.s32 $0xFFFFC000  }
0x3a: {  	[spmem:s10] =	stream.linear.scatter [tilespmem:s24], [sflag:$0x7], $0x4000, $0x38;
	[tilespmem:$0x1C400] =	vst v63  }
0x3b: {  	_ =	swait.ge [sflag:s25], $0x4000  }
0x3c: {  	[sflag:s25] =	ssyncset.done $0x0  }
0x3d: {  	[sflag:s25] =	ssyncadd.s32 $0xFFFFC000  }
0x3e: {  	[spmem:s9] =	stream.linear.scatter [tilespmem:s24], [sflag:$0x7], $0x4000, $0x38;
	[tilespmem:$0x1C400] =	vst v63  }
0x3f: {  	_ =	swait.ge [sflag:s25], $0x4000  }
0x40: {  	[sflag:s25] =	ssyncset.done $0x0  }
0x41: {  	[sflag:s25] =	ssyncadd.s32 $0xFFFFC000  }
0x42: {  	[spmem:s11] =	stream.linear.scatter [tilespmem:s24], [sflag:$0x7], $0x4000, $0x38;
	[tilespmem:$0x1C400] =	vst v63  }
0x43: {  	_ =	swait.ge [sflag:s25], $0x4000  }
0x44: {  	[sflag:s25] =	ssyncset.done $0x0  }
0x45: {  	[sflag:s25] =	ssyncadd.s32 $0xFFFFC000  }
0x46: {  	[bflag:$0x0] =	sbarrier.arrive $0xFFFF  }
0x47: {  	s6 =	simm.s32 $0x0;
	s7 =	rddreg [dreg:$0x6]  }
0x48: {  	[tilespmem:s6], [sflag:$0x3] =	stream.linear.gather [hbm4b:s7+s6], $0x100, $0x38;
	[tilespmem:$0x1C400] =	vst v63  }
0x49: {  	s8 =	smov.u32 s20;
	s20 =	rddreg [dreg:$0x7]  }
0x4a: {  	[tilespmem:s26], [sflag:$0x4] =	stream.linear.gather [hbm4b:s20+s6], $0x100, $0x38;
	[tilespmem:$0x1C400] =	vst v63  }
0x4b: {  	s10 =	rddreg [dreg:$0x8]  }
0x4c: {  	[tilespmem:s28], [sflag:$0x5] =	stream.linear.gather [hbm4b:s10+s6], $0x100, $0x38;
	[tilespmem:$0x1C400] =	vst v63  }
0x4d: {  	s20 =	rddreg [dreg:$0x9]  }
0x4e: {  	[tilespmem:s29], [sflag:$0x6] =	stream.linear.gather [hbm4b:s20+s6], $0x100, $0x38;
	[tilespmem:$0x1C400] =	vst v63  }
0x4f: {  	_ =	swait.ge [sflag:s30], $0x100  }
0x50: {  	[sflag:s30] =	ssyncset.done $0x0  }
0x51: {  	[sflag:s30] =	ssyncadd.s32 $0xFFFFFF00  }
0x52: {  	[tilespmem:s24], [sflag:$0x1] =	stream.indirect.gather [hbm4b:s4+s31], $0x80, s6, s31, $0xb8;
	[tilespmem:$0x1C400] =	vst v63  }
0x53: {  	_ =	swait.ge [sflag:s0], $0x100  }
0x54: {  	[sflag:s0] =	ssyncset.done $0x0  }
0x55: {  	[sflag:s0] =	ssyncadd.s32 $0xFFFFFF00  }
0x56: {  	[tilespmem:s3], [sflag:$0x2] =	stream.indirect.gather [hbm4b:s4+s31], $0x80, s26, s31, $0xb8;
	[tilespmem:$0x1C400] =	vst v63  }
0x57: {  	_ =	swait.ge [sflag:s12], $0x4000  }
0x58: {  	[sflag:s12] =	ssyncset.done $0x0  }
0x59: {  	[sflag:s12] =	ssyncadd.s32 $0xFFFFC000  }
0x5a: {  	[spmem:s1] =	stream.indirect.scatter.add.f32 [tilespmem:s24], [sflag:$0x7], $0x80, s31, s31, $0xb8;
	[tilespmem:$0x1C400] =	vst v63  }
0x5b: {  	_ =	swait.ge [sflag:s25], $0x4000  }
0x5c: {  	s10 =	sshrl.u32 s23, $0x3;
	[sflag:s25] =	ssyncset.done $0x0  }
0x5d: {  	s6 =	sadd.s32 s5, s10;
	[sflag:s25] =	ssyncadd.s32 $0xFFFFC000  }
0x5e: {  	[tilespmem:s2], [sflag:$0x3] =	stream.linear.gather [hbm4b:s6+s2], $0x100, $0x38;
	[tilespmem:$0x1C400] =	vst v63  }
0x5f: {  	_ =	swait.ge [sflag:s13], $0x100  }
0x60: {  	[sflag:s13] =	ssyncset.done $0x0  }
0x61: {  	[sflag:s13] =	ssyncadd.s32 $0xFFFFFF00  }
0x62: {  	[tilespmem:s24], [sflag:$0x1] =	stream.indirect.gather [hbm4b:s4+s31], $0x80, s28, s31, $0xb8;
	[tilespmem:$0x1C400] =	vst v63  }
0x63: {  	_ =	swait.ge [sflag:s14], $0x4000  }
0x64: {  	[sflag:s14] =	ssyncset.done $0x0  }
0x65: {  	[sflag:s14] =	ssyncadd.s32 $0xFFFFC000  }
0x66: {  	[spmem:s1] =	stream.indirect.scatter.add.f32 [tilespmem:s3], [sflag:$0x7], $0x80, s15, s31, $0xb8;
	[tilespmem:$0x1C400] =	vst v63  }
0x67: {  	_ =	swait.ge [sflag:s25], $0x4000  }
0x68: {  	[sflag:s25] =	ssyncset.done $0x0  }
0x69: {  	s20 =	sadd.s32 $0x0, s22;
	[sflag:s25] =	ssyncadd.s32 $0xFFFFC000  }
0x6a: {  	[tilespmem:s26], [sflag:$0x4] =	stream.linear.gather [hbm4b:s20+s2], $0x100, $0x38;
	[tilespmem:$0x1C400] =	vst v63  }
0x6b: {  	_ =	swait.ge [sflag:s16], $0x100  }
0x6c: {  	[sflag:s16] =	ssyncset.done $0x0  }
0x6d: {  	[sflag:s16] =	ssyncadd.s32 $0xFFFFFF00  }
0x6e: {  	[tilespmem:s3], [sflag:$0x2] =	stream.indirect.gather [hbm4b:s4+s31], $0x80, s29, s31, $0xb8;
	[tilespmem:$0x1C400] =	vst v63  }
0x6f: {  	_ =	swait.ge [sflag:s12], $0x4000  }
0x70: {  	[sflag:s12] =	ssyncset.done $0x0  }
0x71: {  	[sflag:s12] =	ssyncadd.s32 $0xFFFFC000  }
0x72: {  	[spmem:s1] =	stream.indirect.scatter.add.f32 [tilespmem:s24], [sflag:$0x7], $0x80, s17, s31, $0xb8;
	[tilespmem:$0x1C400] =	vst v63  }
0x73: {  	_ =	swait.ge [sflag:s25], $0x4000  }
0x74: {  	[sflag:s25] =	ssyncset.done $0x0  }
0x75: {  	s7 =	sadd.s32 $0x0, s21;
	[sflag:s25] =	ssyncadd.s32 $0xFFFFC000  }
0x76: {  	[tilespmem:s28], [sflag:$0x5] =	stream.linear.gather [hbm4b:s7+s2], $0x100, $0x38;
	[tilespmem:$0x1C400] =	vst v63  }
0x77: {  	_ =	swait.ge [sflag:s30], $0x100  }
0x78: {  	[sflag:s30] =	ssyncset.done $0x0  }
0x79: {  	[sflag:s30] =	ssyncadd.s32 $0xFFFFFF00  }
0x7a: {  	[tilespmem:s24], [sflag:$0x1] =	stream.indirect.gather [hbm4b:s4+s31], $0x80, s2, s31, $0xb8;
	[tilespmem:$0x1C400] =	vst v63  }
0x7b: {  	_ =	swait.ge [sflag:s14], $0x4000  }
0x7c: {  	[sflag:s14] =	ssyncset.done $0x0  }
0x7d: {  	[sflag:s14] =	ssyncadd.s32 $0xFFFFC000  }
0x7e: {  	[spmem:s1] =	stream.indirect.scatter.add.f32 [tilespmem:s3], [sflag:$0x7], $0x80, s18, s31, $0xb8;
	[tilespmem:$0x1C400] =	vst v63  }
0x7f: {  	_ =	swait.ge [sflag:s25], $0x4000  }
0x80: {  	s20 =	simm.s32 $0x80;
	s10 =	rddreg [dreg:$0x3];
	[sflag:s25] =	ssyncset.done $0x0  }
0x81: {  	[sflag:s25] =	ssyncadd.s32 $0xFFFFC000;
	s6 =	sadd.s32 $0x0, s10;
	s10 =	sadd.s32 $0x400, s23  }
.LBB2_4:
0x82: {  	[tilespmem:s29], [sflag:$0x6] =	stream.linear.gather [hbm4b:s6+s2], $0x100, $0x38;
	[tilespmem:$0x1C400] =	vst v63  }
0x83: {  	_ =	swait.ge [sflag:s0], $0x100  }
0x84: {  	[sflag:s0] =	ssyncset.done $0x0  }
0x85: {  	[sflag:s0] =	ssyncadd.s32 $0xFFFFFF00  }
0x86: {  	[tilespmem:s3], [sflag:$0x2] =	stream.indirect.gather [hbm4b:s4+s31], $0x80, s26, s31, $0xb8;
	[tilespmem:$0x1C400] =	vst v63  }
0x87: {  	_ =	swait.ge [sflag:s12], $0x4000  }
0x88: {  	[sflag:s12] =	ssyncset.done $0x0  }
0x89: {  	[sflag:s12] =	ssyncadd.s32 $0xFFFFC000  }
0x8a: {  	[spmem:s1] =	stream.indirect.scatter.add.f32 [tilespmem:s24], [sflag:$0x7], $0x80, s31, s31, $0xb8;
	[tilespmem:$0x1C400] =	vst v63  }
0x8b: {  	_ =	swait.ge [sflag:s25], $0x4000  }
0x8c: {  	s7 =	sshrl.u32 s10, $0x3;
	[sflag:s25] =	ssyncset.done $0x0  }
0x8d: {  	s7 =	sadd.s32 s5, s7;
	[sflag:s25] =	ssyncadd.s32 $0xFFFFC000  }
0x8e: {  	[tilespmem:s2], [sflag:$0x3] =	stream.linear.gather [hbm4b:s7+s2], $0x100, $0x38;
	[tilespmem:$0x1C400] =	vst v63  }
0x8f: {  	_ =	swait.ge [sflag:s13], $0x100  }
0x90: {  	[sflag:s13] =	ssyncset.done $0x0  }
0x91: {  	[sflag:s13] =	ssyncadd.s32 $0xFFFFFF00  }
0x92: {  	[tilespmem:s24], [sflag:$0x1] =	stream.indirect.gather [hbm4b:s4+s31], $0x80, s28, s31, $0xb8;
	[tilespmem:$0x1C400] =	vst v63  }
0x93: {  	_ =	swait.ge [sflag:s14], $0x4000  }
0x94: {  	[sflag:s14] =	ssyncset.done $0x0  }
0x95: {  	[sflag:s14] =	ssyncadd.s32 $0xFFFFC000  }
0x96: {  	[spmem:s1] =	stream.indirect.scatter.add.f32 [tilespmem:s3], [sflag:$0x7], $0x80, s15, s31, $0xb8;
	[tilespmem:$0x1C400] =	vst v63  }
0x97: {  	_ =	swait.ge [sflag:s25], $0x4000  }
0x98: {  	s6 =	smov.u32 s20;
	[sflag:s25] =	ssyncset.done $0x0  }
0x99: {  	s7 =	sadd.s32 s6, s22;
	[sflag:s25] =	ssyncadd.s32 $0xFFFFC000  }
0x9a: {  	[tilespmem:s26], [sflag:$0x4] =	stream.linear.gather [hbm4b:s7+s2], $0x100, $0x38;
	[tilespmem:$0x1C400] =	vst v63  }
0x9b: {  	_ =	swait.ge [sflag:s16], $0x100  }
0x9c: {  	[sflag:s16] =	ssyncset.done $0x0  }
0x9d: {  	[sflag:s16] =	ssyncadd.s32 $0xFFFFFF00  }
0x9e: {  	[tilespmem:s3], [sflag:$0x2] =	stream.indirect.gather [hbm4b:s4+s31], $0x80, s29, s31, $0xb8;
	[tilespmem:$0x1C400] =	vst v63  }
0x9f: {  	_ =	swait.ge [sflag:s12], $0x4000  }
0xa0: {  	[sflag:s12] =	ssyncset.done $0x0  }
0xa1: {  	[sflag:s12] =	ssyncadd.s32 $0xFFFFC000  }
0xa2: {  	[spmem:s1] =	stream.indirect.scatter.add.f32 [tilespmem:s24], [sflag:$0x7], $0x80, s17, s31, $0xb8;
	[tilespmem:$0x1C400] =	vst v63  }
0xa3: {  	_ =	swait.ge [sflag:s25], $0x4000  }
0xa4: {  	[sflag:s25] =	ssyncset.done $0x0  }
0xa5: {  	s7 =	sadd.s32 s6, s21;
	[sflag:s25] =	ssyncadd.s32 $0xFFFFC000  }
0xa6: {  	[tilespmem:s28], [sflag:$0x5] =	stream.linear.gather [hbm4b:s7+s2], $0x100, $0x38;
	[tilespmem:$0x1C400] =	vst v63  }
0xa7: {  	_ =	swait.ge [sflag:s30], $0x100  }
0xa8: {  	[sflag:s30] =	ssyncset.done $0x0  }
0xa9: {  	[sflag:s30] =	ssyncadd.s32 $0xFFFFFF00  }
0xaa: {  	[tilespmem:s24], [sflag:$0x1] =	stream.indirect.gather [hbm4b:s4+s31], $0x80, s2, s31, $0xb8;
	[tilespmem:$0x1C400] =	vst v63  }
0xab: {  	_ =	swait.ge [sflag:s14], $0x4000  }
0xac: {  	p0 =	sne.s32 s20, $0x980;
	[sflag:s14] =	ssyncset.done $0x0  }
.Ltmp1:
0xad: {  	[sflag:s14] =	ssyncadd.s32 $0xFFFFC000;
	(pc) =	sbr.rel @p0 .LBB2_4-.Ltmp1, $4  }
0xae: {  	[spmem:s1] =	stream.indirect.scatter.add.f32 [tilespmem:s3], [sflag:$0x7], $0x80, s18, s31, $0xb8;
	[tilespmem:$0x1C400] =	vst v63  }
0xaf: {  	_ =	swait.ge [sflag:s25], $0x4000  }
0xb0: {  	s20 =	sadd.s32 $0x80, s20;
	[sflag:s25] =	ssyncset.done $0x0;
	s7 =	rddreg [dreg:$0x3]  }
0xb1: {  	s10 =	sadd.s32 $0x400, s10;
	[sflag:s25] =	ssyncadd.s32 $0xFFFFC000;
	s6 =	sadd.s32 s6, s7  }
0xb2: {  	[tilespmem:s29], [sflag:$0x6] =	stream.linear.gather [hbm4b:s6+s2], $0x100, $0x38;
	[tilespmem:$0x1C400] =	vst v63  }
0xb3: {  	_ =	swait.ge [sflag:s12], $0x4000  }
0xb4: {  	[sflag:s12] =	ssyncset.done $0x0  }
0xb5: {  	[sflag:s12] =	ssyncadd.s32 $0xFFFFC000  }
0xb6: {  	_ =	swait.ge [sflag:s0], $0x100  }
0xb7: {  	[sflag:s0] =	ssyncset.done $0x0  }
0xb8: {  	[sflag:s0] =	ssyncadd.s32 $0xFFFFFF00  }
0xb9: {  	_ =	swait.ge [sflag:s13], $0x100  }
0xba: {  	[sflag:s13] =	ssyncset.done $0x0  }
0xbb: {  	[sflag:s13] =	ssyncadd.s32 $0xFFFFFF00  }
0xbc: {  	_ =	swait.ge [sflag:s16], $0x100  }
0xbd: {  	[sflag:s16] =	ssyncset.done $0x0  }
0xbe: {  	s7 =	stileid.u32;
	[sflag:s16] =	ssyncadd.s32 $0xFFFFFF00  }
0xbf: {  	s6 =	sshll.u32 s7, $0x6;
	[bflag:$0x0] =	sbarrier.arrive $0xFFFF  }
0xc0: {  	s7 =	sshrl.u32 s8, $0x3;
	s6 =	sor.u32 $0x1C07, s6;
	s10 =	rddreg [dreg:$0xa]  }
0xc1: {  	[hbm:s10], [sflag:s6] =	dma.local [spmem:s7], $0x800  }
0xc2: {  	_ =	swait.ge [sflag:s25], $0x800  }
0xc3: {  	s20 =	smov.u32 s8;
	[sflag:s25] =	ssyncset.done $0x0;
	s8 =	rddreg [dreg:$0x4]  }
0xc4: {  	s10 =	rddreg [dreg:$0xb];
	[sflag:s25] =	ssyncadd.s32 $0xFFFFF800;
	s7 =	sshrl.u32 s8, $0x3  }
0xc5: {  	[hbm:s10], [sflag:s6] =	dma.local [spmem:s7], $0x800  }
0xc6: {  	_ =	swait.ge [sflag:s25], $0x800  }
0xc7: {  	[sflag:s25] =	ssyncset.done $0x0;
	s8 =	rddreg [dreg:$0x5]  }
0xc8: {  	s10 =	rddreg [dreg:$0xc];
	[sflag:s25] =	ssyncadd.s32 $0xFFFFF800;
	s7 =	sshrl.u32 s8, $0x3  }
0xc9: {  	[hbm:s10], [sflag:s6] =	dma.local [spmem:s7], $0x800  }
0xca: {  	_ =	swait.ge [sflag:s25], $0x800  }
0xcb: {  	[sflag:s25] =	ssyncset.done $0x0  }
0xcc: {  	s8 =	sshrl.u32 s9, $0x3;
	s10 =	rddreg [dreg:$0xd];
	[sflag:s25] =	ssyncadd.s32 $0xFFFFF800  }
0xcd: {  	[hbm:s10], [sflag:s6] =	dma.local [spmem:s8], $0x800  }
0xce: {  	_ =	swait.ge [sflag:s25], $0x800  }
0xcf: {  	[sflag:s25] =	ssyncset.done $0x0  }
0xd0: {  	s8 =	sshrl.u32 s11, $0x3;
	s10 =	rddreg [dreg:$0xe];
	[sflag:s25] =	ssyncadd.s32 $0xFFFFF800  }
0xd1: {  	[hbm:s10], [sflag:s6] =	dma.local [spmem:s8], $0x800  }
0xd2: {  	_ =	swait.ge [sflag:s25], $0x800  }
0xd3: {  	s19 =	sadd.s32 $0x1, s19;
	s10 =	rddreg [dreg:$0xf]  }
0xd4: {  	p0 =	sne.s32 s19, s10  }
.Ltmp2:
0xd5: {  	_ = 	snop;
	(pc) =	sbr.rel @p0 .LBB2_1-.Ltmp2, $3  }
0xd6: {  	_ =	sdelay $0x1  }
0xd7: {  	[sflag:s25] =	ssyncset.done $0x0  }
0xd8: {  	[sflag:s25] =	ssyncadd.s32 $0xFFFFF800  }
0xd9: {  	_ =	sfence.sel $0x180000  }
0xda: {  	[bflag:$0x0] =	sbarrier.arrive $0xFFFF  }
0xdb: {  	_ =	strace $0x9000004A  }
0xdc: {  	s0 =	stileid.u32;
	[bflag:$0x2] =	sbarrier.arrive $0xFFFF  }
0xdd: {  	p0 =	sne.s32 s0, $0x0;
	s0 =	rddreg [dreg:$0x2]  }
0xde: {  	s0 =	sadd.s32 @!p0 $0x100000, s0  }
0xdf: {  	[sflag:s0] =	ssyncadd.tile.s32 @!p0 $0x1;
	_ =	shalt  }
.Lfunc_end2:
_tile_overlayer_lowered:
.L_overlay_start_2:
0xe0: {  	(tag) =	ssettag $0x2  }
0xe1: {  	s0 =	rddreg [dreg:$0x0];
	s2 =	stileid.u32  }
0xe2: {  	s1 =	rddreg [dreg:$0x1];
	p0 =	sne.s32 s2, $0x0  }
0xe3: {  	s3 =	rddreg [dreg:$0x2];
	[bflag:$0x3] =	sbarrier.arrive $0xFFFF;
	s2 =	simm.s32 @!p0 $0x1C07  }
0xe4: {  	[timem:s3], [sflag:s2] =	dma.local @!p0 [hbm:s0], s1  }
0xe5: {  	s0 =	simm.s32 @!p0 $0x7  }
0xe6: {  	_ =	swait.ge @!p0 [sflag:s0], s1  }
0xe7: {  	s1 =	ssub.s32 @!p0 $0x0, s1;
	[sflag:s0] =	ssyncset.done @!p0 $0x0  }
0xe8: {  	[sflag:s0] =	ssyncadd.s32 @!p0 s1  }
0xe9: {  	[bflag:$0x3] =	sbarrier.arrive $0xFFFF  }
0xea: {  	_ =	shalt  }

// kernel: kernel.14.cloned.1.call-start
scs
__scs_entry_jumppad:
0x0: {  	(pc) =	sbr.rel $0x88, $3  }
0x1: {  	(tag) =	ssettag $0x0;
	lr =	simm.s32 $0x1  }
0x2: {  	[smem:$0x3F9B] =	sst lr;
	_ =	strace $0xD0000000  }
0x3: {  	_ = 	snop  }
0x4: {  	_ = 	snop  }
0x5: {  	_ = 	snop  }
0x6: {  	_ = 	snop  }
0x7: {  	_ = 	snop  }
__scs_overlays_trampoline_lowered:
0x8: {  	[smem:$0x3FAA] =	sst s0  }
0x9: {  	[smem:$0x3FAB] =	sst s1  }
0xa: {  	[smem:$0x3FAC] =	sst s2  }
0xb: {  	[smem:$0x3FAD] =	sst s3  }
0xc: {  	[smem:$0x3FAE] =	sst s4  }
0xd: {  	[smem:$0x3FAF] =	sst s5  }
0xe: {  	[smem:$0x3FB0] =	sst s6  }
0xf: {  	[smem:$0x3FB1] =	sst s7  }
0x10: {  	[smem:$0x3FB2] =	sst s8  }
0x11: {  	[smem:$0x3FB3] =	sst s9;
	s0 =	simm.s32 @!p0 $0x0  }
0x12: {  	s1 =	sld [smem:$0x3F99];
	s0 =	simm.s32 @p0 $0x1  }
0x13: {  	[smem:$0x3FB4] =	sst s0;
	s0 =	simm.s32 @!p1 $0x0  }
0x14: {  	s2 =	sld [smem:$0x3F98];
	s0 =	simm.s32 @p1 $0x1  }
0x15: {  	[smem:$0x3FB5] =	sst s0;
	s0 =	simm.s32 @!p2 $0x0  }
0x16: {  	s3 =	sld [smem:$0x3FDB];
	s0 =	simm.s32 @p2 $0x1  }
0x17: {  	s4 =	simm.s32 $0x1BF5;
	[smem:$0x3FB7] =	sst s0  }
0x18: {  	s0 =	sld [smem:$0x3F9A];
	_ =	swait.ge [sflag:s4], $0x0  }
0x19: {  	s7 =	sld [smem:$0x3F9B]  }
0x1a: {  	s8 =	sadd.s32 $0xFFFFE003, lr  }
0x1b: {  	s9 =	sadd.s32 $0xFFFFFEF7, lr;
	s5 =	simm.s32 $0xFFFFFFFF;
	p2 =	slt.u32 s8, $0xFFFFF086  }
0x1c: {  	p1 =	slt.u32 s9, $0xF7A;
	s5 =	simm.s32 @!p2 $0x0  }
0x1d: {  	s5 =	simm.s32 @p1 $0x1;
	p0 =	seq.s32 s7, s2  }
0x1e: {  	s7 =	smul.u32 @!p0 $0xF7A, s2;
	p2 =	seq.s32 @!p0 s5, $0x0  }
0x1f: {  	s9 =	smul.u32 $0xF7A, s1;
	s8 =	simm.s32 @!p0 $0x1BF5;
	p2 =	por !p2, p0  }
0x20: {  	[sflag:s8] =	ssyncset.s32 @!p0 $0xFFFFF086;
	s6 =	sadd.s32 @!p0 s3, s7;
	s7 =	simm.s32 @!p0 $0x108  }
0x21: {  	s3 =	sadd.s32 s3, s9;
	s6 =	sadd.s32 @!p0 $0x88, s6;
	s7 =	simm.s32 @p2 $0x1082  }
0x22: {  	[simem:s7], [sflag:s8] =	dma.local @!p0 [hbm:s6], $0xF7A  }
0x23: {  	s9 =	sor.u32 $0xD0000000, s2;
	s6 =	simm.s32 $0x108;
	_ =	swait.ge @!p0 [sflag:s8], $0x0  }
0x24: {  	s3 =	sadd.s32 $0x88, s3;
	s6 =	simm.s32 @!p1 $0x1082;
	[sflag:s4] =	ssyncset.s32 $0xFFFFF086  }
0x25: {  	[simem:s6], [sflag:s4] =	dma.local [hbm:s3], $0xF7A  }
0x26: {  	[smem:$0x3F9B] =	sst s1;
	(tag) =	ssettag s2;
	_ =	strace s9  }
0x27: {  	s1 =	sld [smem:$0x3FAB]  }
0x28: {  	s2 =	sld [smem:$0x3FAC]  }
0x29: {  	s4 =	sld [smem:$0x3FAE]  }
0x2a: {  	p0 =	seq.s32 s5, $0x0;
	s5 =	sld [smem:$0x3FAF]  }
0x2b: {  	s6 =	sld [smem:$0x3FB0]  }
0x2c: {  	s7 =	sld [smem:$0x3FB1]  }
0x2d: {  	s3 =	simm.s32 $0x108;
	s8 =	sld [smem:$0x3FB2]  }
0x2e: {  	s3 =	simm.s32 @!p0 $0x1082;
	s9 =	sld [smem:$0x3FB3]  }
0x2f: {  	lr =	sadd.s32 s0, s3;
	s0 =	sld [smem:$0x3FAA]  }
0x30: {  	s3 =	sld [smem:$0x3FAD]  }
0x31: {  	[smem:$0x3FB6] =	sst s10  }
0x32: {  	s10 =	sld [smem:$0x3FB4];
	_ =	sdelay $0x3  }
0x33: {  	p0 =	seq.s32 s10, $0x1;
	s10 =	sld [smem:$0x3FB6];
	_ =	sdelay $0x3  }
0x34: {  	[smem:$0x3FB6] =	sst s10  }
0x35: {  	s10 =	sld [smem:$0x3FB5];
	_ =	sdelay $0x3  }
0x36: {  	p1 =	seq.s32 s10, $0x1;
	s10 =	sld [smem:$0x3FB6];
	_ =	sdelay $0x3  }
0x37: {  	[smem:$0x3FB6] =	sst s10  }
0x38: {  	s10 =	sld [smem:$0x3FB7]  }
0x39: {  	_ = 	snop;
	(pc) =	sbr.ind lr, $3  }
0x3a: {  	_ = 	snop  }
0x3b: {  	_ = 	snop  }
0x3c: {  	p2 =	seq.s32 s10, $0x1;
	s10 =	sld [smem:$0x3FB6]  }
0x3d: {  	_ =	shalt  }
0x3e: {  	_ =	shalt  }
0x3f: {  	_ =	shalt  }
0x40: {  	_ =	shalt  }
0x41: {  	_ =	shalt  }
0x42: {  	_ =	shalt  }
0x43: {  	_ =	shalt  }
0x44: {  	_ =	shalt  }
0x45: {  	_ =	shalt  }
0x46: {  	_ =	shalt  }
0x47: {  	_ =	shalt  }
0x48: {  	_ =	shalt  }
0x49: {  	_ =	shalt  }
0x4a: {  	_ =	shalt  }
0x4b: {  	_ =	shalt  }
0x4c: {  	_ =	shalt  }
0x4d: {  	_ =	shalt  }
0x4e: {  	_ =	shalt  }
0x4f: {  	_ =	shalt  }
0x50: {  	_ =	shalt  }
0x51: {  	_ =	shalt  }
0x52: {  	_ =	shalt  }
0x53: {  	_ =	shalt  }
0x54: {  	_ =	shalt  }
0x55: {  	_ =	shalt  }
0x56: {  	_ =	shalt  }
0x57: {  	_ =	shalt  }
0x58: {  	_ =	shalt  }
0x59: {  	_ =	shalt  }
0x5a: {  	_ =	shalt  }
0x5b: {  	_ =	shalt  }
0x5c: {  	_ =	shalt  }
0x5d: {  	_ =	shalt  }
0x5e: {  	_ =	shalt  }
0x5f: {  	_ =	shalt  }
0x60: {  	_ =	shalt  }
0x61: {  	_ =	shalt  }
0x62: {  	_ =	shalt  }
0x63: {  	_ =	shalt  }
0x64: {  	_ =	shalt  }
0x65: {  	_ =	shalt  }
0x66: {  	_ =	shalt  }
0x67: {  	_ =	shalt  }
0x68: {  	_ =	shalt  }
0x69: {  	_ =	shalt  }
0x6a: {  	_ =	shalt  }
0x6b: {  	_ =	shalt  }
0x6c: {  	_ =	shalt  }
0x6d: {  	_ =	shalt  }
0x6e: {  	_ =	shalt  }
0x6f: {  	_ =	shalt  }
0x70: {  	_ =	shalt  }
0x71: {  	_ =	shalt  }
0x72: {  	_ =	shalt  }
0x73: {  	_ =	shalt  }
0x74: {  	_ =	shalt  }
0x75: {  	_ =	shalt  }
0x76: {  	_ =	shalt  }
0x77: {  	_ =	shalt  }
0x78: {  	_ =	shalt  }
0x79: {  	_ =	shalt  }
0x7a: {  	_ =	shalt  }
0x7b: {  	_ =	shalt  }
0x7c: {  	_ =	shalt  }
0x7d: {  	_ =	shalt  }
0x7e: {  	_ =	shalt  }
0x7f: {  	_ =	shalt  }
0x80: {  	_ =	shalt  }
0x81: {  	_ =	shalt  }
0x82: {  	_ =	shalt  }
0x83: {  	_ =	shalt  }
0x84: {  	_ =	shalt  }
0x85: {  	_ =	shalt  }
0x86: {  	_ =	shalt  }
0x87: {  	_ =	shalt  }
.Lfunc_end0:
.L_simem_size_0:
called_computation.2_lowered:
.L_overlay_start_0:
0x88: {  	s2 =	sld [smem:$0x3FD9]  }
0x89: {  	s3 =	sld [smem:$0x3FFE];
	_ =	sdelay $0x1  }
0x8a: {  	s1 =	srdreg.scid  }
0x8b: {  	s0 =	sand.u32 $0x1, s1  }
0x8c: {  	s16 =	sshll.u32 s0, $0xA;
	s2 =	sadd.s32 s3, s2  }
0x8d: {  	s2 =	sadd.s32 s2, s16  }
0x8e: {  	[smem:$0x3FC2] =	sst s2  }
0x8f: {  	_ = 	snop  }
0x90: {  	(tm) =	ssettm $0x1  }
0x91: {  	s17 =	sld [smem:$0x3FFB];
	_ =	sdelay $0x3  }
0x92: {  	_ =	strace s17  }
0x93: {  	s2 =	sld [smem:$0x3FFC];
	_ =	sdelay $0x3  }
0x94: {  	_ =	strace s2  }
0x95: {  	s2 =	sld [smem:$0x3FFD];
	_ =	sdelay $0x3  }
0x96: {  	_ =	strace s2  }
0x97: {  	_ =	strace $0x8FFFFFFF  }
0x98: {  	s18 =	sld [smem:$0x3FDB];
	_ =	sdelay $0x1  }
0x99: {  	s19 =	simm.s32 $_scs_section_size  }
0x9a: {  	s4 =	simm.s32 $_size__tile_overlayer_lowered;
	s5 =	simm.s32 $_tile_overlayer_lowered  }
0x9b: {  	s22 =	simm.s32 $0x1BFF;
	s21 =	sshll.u32 s5, $0x1;
	s2 =	sadd.s32 s19, s18  }
0x9c: {  	s6 =	simm.s32 $0x0;
	s20 =	sshll.u32 s4, $0x1;
	s4 =	sadd.s32 s21, s2  }
0x9d: {  	[timem:s6], [sflag:s22] =	dma.local [hbm:s4], s20  }
0x9e: {  	_ =	swait.ge [sflag:s22], s20  }
0x9f: {  	s3 =	ssub.s32 $0x0, s20;
	[sflag:s22] =	ssyncset.done $0x0  }
0xa0: {  	[sflag:s22] =	ssyncadd.s32 s3;
	_ =	sdelay $0x1  }
0xa1: {  	s23 =	simm.s32 $0x1B8B  }
0xa2: {  	_ =	swait.ge [sflag:s23], $0x1  }
0xa3: {  	[sflag:s23] =	ssyncset.done $0x0  }
0xa4: {  	s25 =	simm.s32 $0x1B8E;
	s24 =	sld [smem:$0x3FFE];
	[sflag:s23] =	ssyncadd.s32 $0xFFFFFFFF  }
0xa5: {  	s26 =	simm.s32 $execute0_lowered;
	[smem:$0x3FD2] =	sst s25  }
0xa6: {  	s4 =	sshll.u32 s26, $0x1;
	_ =	strace $0x8000004C;
	[dreg:$0x1] =	wrdreg $0xFFFFFFFF  }
0xa7: {  	s28 =	simm.s32 $_size_execute0_lowered;
	s2 =	sadd.s32 s2, s4;
	[dreg:$0x0] =	wrdreg $0x0  }
0xa8: {  	s4 =	sshll.u32 s28, $0x1;
	[dreg:$0x2] =	wrdreg s2  }
0xa9: {  	[dreg:$0x3] =	wrdreg s4  }
0xaa: {  	[dreg:$0x4] =	wrdreg $0xC0  }
0xab: {  	_ =	task [dreg:s6], $0x5FFFF  }
0xac: {  	[dreg:$0x1] =	wrdreg $0xFFFFFFFF  }
0xad: {  	[dreg:$0x0] =	wrdreg $0x60  }
0xae: {  	[dreg:$0x2] =	wrdreg s24  }
0xaf: {  	[dreg:$0x3] =	wrdreg $0x44000  }
0xb0: {  	[dreg:$0x4] =	wrdreg $0x9  }
0xb1: {  	_ =	task.clear_ibuf [dreg:s6], $0x5FFFF;
	_ =	strace $0x9000004C  }
0xb2: {  	s29 =	simm.s32 $0x9;
	_ =	strace $0x8000004E  }
0xb3: {  	_ =	swait.ge [sflag:s29], $0x1  }
0xb4: {  	[sflag:s29] =	ssyncadd.s32 $0xFFFFFFFF  }
0xb5: {  	_ =	strace $0x9000004E  }
0xb6: {  	_ =	sfence  }
0xb7: {  	s30 =	sld [smem:$0x0];
	_ =	sdelay $0x2  }
0xb8: {  	s31 =	sshll.u32 s1, $0xD;
	s1 =	sshrl.u32 s1, $0x2  }
0xb9: {  	s3 =	sand.u32 $0x4000, s31;
	s1 =	sadd.s32 s1, s30  }
0xba: {  	s0 =	sor.u32 s3, s0;
	s1 =	sshll.u32 s1, $0x11  }
0xbb: {  	s0 =	sor.u32 s1, s0  }
0xbc: {  	s0 =	sadd.s32 $0x8F2B, s0  }
0xbd: {  	[sflag:s0] =	ssyncadd.remote.s32 $0x1  }
0xbe: {  	_ =	sfence.sel $0xFFFF  }
0xbf: {  	[dreg:$0x0] =	wrdreg $0xFFFFFFFF;
	(pc) =	sbr.abs _section_cstart, $3  }
0xc0: {  	[dreg:$0x1] =	wrdreg $0xFFFFFFFF  }
0xc1: {  	_ =	task.clear_ibuf [dreg:s6], $0x2FFFF;
	_ =	strace $0x9FFFFFFF  }
0xc2: {  	(tm) =	ssettm $0x7FFFFFFF  }
0xc3: {  	_ =	shalt  }
tec
execute0_lowered:
.L_overlay_start_1:
0x0: {  	(tag) =	ssettag $0x1  }
0x1: {  	s0 =	rddreg [dreg:$0x0]  }
0x2: {  	s1 =	rddreg [dreg:$0x1]  }
0x3: {  	s2 =	simm.s32 $0x0;
	s3 =	srdreg.scid;
	s17 =	stileid.u32  }
0x4: {  	s28 =	simm.s32 $0x200;
	s29 =	simm.s32 $0x300;
	s30 =	simm.s32 $0x3  }
0x5: {  	s31 =	simm.s32 $0x80;
	[smem:$0x7FF] =	sst s2;
	s4 =	sadd.s32 $0x17E00, s0  }
0x6: {  	s3 =	sand.u32 $0x1, s3;
	s5 =	sadd.s32 $0x2E00, s0;
	s10 =	smul.u32 $0xA000, s17  }
0x7: {  	s8 =	sshll.u32 s17, $0x1;
	s0 =	sadd.s32 $0x2BE00, s0;
	s26 =	smul.u32 $0xA800, s17  }
0x8: {  	_ =	strace $0x8000004D;
	s6 =	ssub.s32 $0x2, s3;
	s15 =	smul.u32 $0xA0000, s3  }
0x9: {  	s16 =	sor.u32 s3, s8;
	s3 =	smul.u32 $0x5400, s3;
	s7 =	sshrl.u32 s6, $0x1  }
0xa: {  	s12 =	sadd.s32 $0x2000, s10;
	s13 =	sadd.s32 $0x4000, s10;
	s9 =	smul.u32 $0x5400, s16  }
0xb: {  	s18 =	sadd.s32 s10, s1;
	s14 =	sadd.s32 $0x6000, s10;
	s16 =	sadd.s32 $0x8000, s10  }
0xc: {  	s6 =	ssub.s32 s6, s7;
	[dreg:$0x4] =	wrdreg s18;
	s19 =	sadd.s32 s12, s1  }
0xd: {  	s8 =	sadd.s32 s13, s1;
	s10 =	sadd.s32 s10, s15;
	s12 =	sadd.s32 s15, s12  }
0xe: {  	s25 =	sadd.s32 s15, s13;
	s17 =	sadd.s32 s15, s14;
	s3 =	sadd.s32 s3, s26  }
0xf: {  	s13 =	simm.s32 $0x5;
	[dreg:$0x5] =	wrdreg s19;
	s11 =	sshrl.u32 s9, $0x3  }
0x10: {  	s9 =	sadd.s32 s14, s1;
	s10 =	sshrl.u32 s10, $0x3;
	s23 =	sshrl.u32 s12, $0x3  }
0x11: {  	s19 =	sshrl.u32 s17, $0x3;
	s26 =	sadd.s32 $0x500, s3;
	s12 =	simm.s32 $0x1  }
0x12: {  	s14 =	simm.s32 $0x2;
	s17 =	simm.s32 $0x280;
	s20 =	sadd.s32 s5, s11  }
0x13: {  	s11 =	sadd.s32 s16, s1;
	s22 =	sadd.s32 s0, s10;
	s24 =	sadd.s32 s0, s23  }
0x14: {  	s10 =	sshrl.u32 s25, $0x3;
	s23 =	smax.u32 s6, $0x1;
	[dreg:$0x6] =	wrdreg s20  }
0x15: {  	s25 =	sadd.s32 $0x600, s3;
	s18 =	sadd.s32 $0x20, s20;
	[dreg:$0xa] =	wrdreg s22  }
0x16: {  	s21 =	sadd.s32 $0x40, s20;
	s7 =	sadd.s32 $0x60, s20;
	[dreg:$0xb] =	wrdreg s24  }
0x17: {  	s20 =	sadd.s32 s15, s16;
	[dreg:$0xf] =	wrdreg s23;
	s24 =	sadd.s32 $0x700, s3  }
0x18: {  	s6 =	sshrl.u32 s25, $0x3;
	s23 =	sadd.s32 $0x400, s3;
	[dreg:$0x7] =	wrdreg s18  }
0x19: {  	s25 =	simm.s32 $0x7;
	s3 =	simm.s32 $0x2400;
	[dreg:$0x8] =	wrdreg s21  }
0x1a: {  	s15 =	simm.s32 $0x180;
	s16 =	simm.s32 $0x6;
	[dreg:$0x9] =	wrdreg s7  }
0x1b: {  	s18 =	sadd.s32 s0, s10;
	s21 =	sadd.s32 s0, s19;
	s22 =	sshrl.u32 s20, $0x3  }
0x1c: {  	s10 =	sshrl.u32 s26, $0x3;
	s26 =	simm.s32 $0x100;
	[dreg:$0xc] =	wrdreg s18  }
0x1d: {  	s19 =	simm.s32 $0x0;
	[dreg:$0xd] =	wrdreg s21;
	s0 =	sadd.s32 s0, s22  }
0x1e: {  	s21 =	sadd.s32 s6, s5;
	[dreg:$0xe] =	wrdreg s0;
	s0 =	sshrl.u32 s24, $0x3  }
0x1f: {  	s22 =	sadd.s32 s10, s5;
	s18 =	simm.s32 $0x380;
	s0 =	sadd.s32 s0, s5  }
0x20: {  	v0 =	vimm.f32 $0.0e+00;
	s24 =	simm.s32 $0x400;
	[dreg:$0x3] =	wrdreg s0;
	s0 =	simm.s32 $0x4  }
.LBB2_1:
0x21: {  	s10 =	simm.s32 $0x100;
	s6 =	simm.s32 $0x0  }
.LBB2_2:
0x22: {  	p0 =	sne.s32 s10, $0x7F00;
	[tilespmem:s6+$0x430] =	vst v0;
	s20 =	smov.u32 s10;
	s10 =	sadd.s32 $0x100, s10  }
.Ltmp0:
0x23: {  	[tilespmem:s6+$0x420] =	vst v0;
	(pc) =	sbr.rel @p0 .LBB2_2-.Ltmp0, $3  }
0x24: {  	[tilespmem:s6+$0x400] =	vst v0  }
0x25: {  	[tilespmem:s6+$0x410] =	vst v0;
	_ =	sdelay $0x1  }
0x26: {  	s6 =	sshra.s32 s20, $0x2  }
0x27: {  	[tilespmem:s6+$0x430] =	vst v0  }
0x28: {  	[tilespmem:s6+$0x420] =	vst v0  }
0x29: {  	[tilespmem:s6+$0x400] =	vst v0  }
0x2a: {  	[tilespmem:s6+$0x410] =	vst v0;
	s7 =	rddreg [dreg:$0x4]  }
0x2b: {  	[spmem:s7] =	stream.linear.scatter [tilespmem:s24], [sflag:$0x7], $0x2000, $0x38;
	[tilespmem:$0xE400] =	vst v63  }
0x2c: {  	_ =	swait.ge [sflag:s25], $0x2000  }
0x2d: {  	[sflag:s25] =	ssyncset.done $0x0  }
0x2e: {  	s10 =	rddreg [dreg:$0x5];
	[sflag:s25] =	ssyncadd.s32 $0xFFFFE000  }
0x2f: {  	[spmem:s10] =	stream.linear.scatter [tilespmem:s24], [sflag:$0x7], $0x2000, $0x38;
	[tilespmem:$0xE400] =	vst v63  }
0x30: {  	_ =	swait.ge [sflag:s25], $0x2000  }
0x31: {  	[sflag:s25] =	ssyncset.done $0x0  }
0x32: {  	[sflag:s25] =	ssyncadd.s32 $0xFFFFE000  }
0x33: {  	[spmem:s8] =	stream.linear.scatter [tilespmem:s24], [sflag:$0x7], $0x2000, $0x38;
	[tilespmem:$0xE400] =	vst v63  }
0x34: {  	_ =	swait.ge [sflag:s25], $0x2000  }
0x35: {  	[sflag:s25] =	ssyncset.done $0x0  }
0x36: {  	[sflag:s25] =	ssyncadd.s32 $0xFFFFE000  }
0x37: {  	[spmem:s9] =	stream.linear.scatter [tilespmem:s24], [sflag:$0x7], $0x2000, $0x38;
	[tilespmem:$0xE400] =	vst v63  }
0x38: {  	_ =	swait.ge [sflag:s25], $0x2000  }
0x39: {  	[sflag:s25] =	ssyncset.done $0x0  }
0x3a: {  	[sflag:s25] =	ssyncadd.s32 $0xFFFFE000  }
0x3b: {  	[spmem:s11] =	stream.linear.scatter [tilespmem:s24], [sflag:$0x7], $0x2000, $0x38;
	[tilespmem:$0xE400] =	vst v63  }
0x3c: {  	_ =	swait.ge [sflag:s25], $0x2000  }
0x3d: {  	[sflag:s25] =	ssyncset.done $0x0  }
0x3e: {  	[sflag:s25] =	ssyncadd.s32 $0xFFFFE000  }
0x3f: {  	[bflag:$0x0] =	sbarrier.arrive $0xFFFF  }
0x40: {  	s6 =	simm.s32 $0x0;
	s7 =	rddreg [dreg:$0x6]  }
0x41: {  	[tilespmem:s6], [sflag:$0x3] =	stream.linear.gather [hbm4b:s7+s6], $0x100, $0x38;
	[tilespmem:$0xE400] =	vst v63  }
0x42: {  	s20 =	rddreg [dreg:$0x7]  }
0x43: {  	[tilespmem:s26], [sflag:$0x4] =	stream.linear.gather [hbm4b:s20+s6], $0x100, $0x38;
	[tilespmem:$0xE400] =	vst v63  }
0x44: {  	s10 =	rddreg [dreg:$0x8]  }
0x45: {  	[tilespmem:s28], [sflag:$0x5] =	stream.linear.gather [hbm4b:s10+s6], $0x100, $0x38;
	[tilespmem:$0xE400] =	vst v63  }
0x46: {  	s20 =	rddreg [dreg:$0x9]  }
0x47: {  	[tilespmem:s29], [sflag:$0x6] =	stream.linear.gather [hbm4b:s20+s6], $0x100, $0x38;
	[tilespmem:$0xE400] =	vst v63  }
0x48: {  	_ =	swait.ge [sflag:s30], $0x100  }
0x49: {  	[sflag:s30] =	ssyncset.done $0x0  }
0x4a: {  	[sflag:s30] =	ssyncadd.s32 $0xFFFFFF00  }
0x4b: {  	[tilespmem:s24], [sflag:$0x1] =	stream.indirect.gather [hbm4b:s4+s31], $0x40, s6, s31, $0xb8;
	[tilespmem:$0xE400] =	vst v63  }
0x4c: {  	_ =	swait.ge [sflag:s0], $0x100  }
0x4d: {  	[sflag:s0] =	ssyncset.done $0x0  }
0x4e: {  	[sflag:s0] =	ssyncadd.s32 $0xFFFFFF00  }
0x4f: {  	[tilespmem:s3], [sflag:$0x2] =	stream.indirect.gather [hbm4b:s4+s31], $0x40, s26, s31, $0xb8;
	[tilespmem:$0xE400] =	vst v63  }
0x50: {  	_ =	swait.ge [sflag:s12], $0x2000  }
0x51: {  	[sflag:s12] =	ssyncset.done $0x0  }
0x52: {  	[sflag:s12] =	ssyncadd.s32 $0xFFFFE000  }
0x53: {  	[spmem:s1] =	stream.indirect.scatter.add.f32 [tilespmem:s24], [sflag:$0x7], $0x40, s31, s31, $0xb8;
	[tilespmem:$0xE400] =	vst v63  }
0x54: {  	_ =	swait.ge [sflag:s25], $0x2000  }
0x55: {  	s10 =	sshrl.u32 s23, $0x3;
	[sflag:s25] =	ssyncset.done $0x0  }
0x56: {  	s6 =	sadd.s32 s5, s10;
	[sflag:s25] =	ssyncadd.s32 $0xFFFFE000  }
0x57: {  	[tilespmem:s2], [sflag:$0x3] =	stream.linear.gather [hbm4b:s6+s2], $0x100, $0x38;
	[tilespmem:$0xE400] =	vst v63  }
0x58: {  	_ =	swait.ge [sflag:s13], $0x100  }
0x59: {  	[sflag:s13] =	ssyncset.done $0x0  }
0x5a: {  	[sflag:s13] =	ssyncadd.s32 $0xFFFFFF00  }
0x5b: {  	[tilespmem:s24], [sflag:$0x1] =	stream.indirect.gather [hbm4b:s4+s31], $0x40, s28, s31, $0xb8;
	[tilespmem:$0xE400] =	vst v63  }
0x5c: {  	_ =	swait.ge [sflag:s14], $0x2000  }
0x5d: {  	[sflag:s14] =	ssyncset.done $0x0  }
0x5e: {  	[sflag:s14] =	ssyncadd.s32 $0xFFFFE000  }
0x5f: {  	[spmem:s1] =	stream.indirect.scatter.add.f32 [tilespmem:s3], [sflag:$0x7], $0x40, s15, s31, $0xb8;
	[tilespmem:$0xE400] =	vst v63  }
0x60: {  	_ =	swait.ge [sflag:s25], $0x2000  }
0x61: {  	[sflag:s25] =	ssyncset.done $0x0  }
0x62: {  	s20 =	sadd.s32 $0x0, s22;
	[sflag:s25] =	ssyncadd.s32 $0xFFFFE000  }
0x63: {  	[tilespmem:s26], [sflag:$0x4] =	stream.linear.gather [hbm4b:s20+s2], $0x100, $0x38;
	[tilespmem:$0xE400] =	vst v63  }
0x64: {  	_ =	swait.ge [sflag:s16], $0x100  }
0x65: {  	[sflag:s16] =	ssyncset.done $0x0  }
0x66: {  	[sflag:s16] =	ssyncadd.s32 $0xFFFFFF00  }
0x67: {  	[tilespmem:s3], [sflag:$0x2] =	stream.indirect.gather [hbm4b:s4+s31], $0x40, s29, s31, $0xb8;
	[tilespmem:$0xE400] =	vst v63  }
0x68: {  	_ =	swait.ge [sflag:s12], $0x2000  }
0x69: {  	[sflag:s12] =	ssyncset.done $0x0  }
0x6a: {  	[sflag:s12] =	ssyncadd.s32 $0xFFFFE000  }
0x6b: {  	[spmem:s1] =	stream.indirect.scatter.add.f32 [tilespmem:s24], [sflag:$0x7], $0x40, s17, s31, $0xb8;
	[tilespmem:$0xE400] =	vst v63  }
0x6c: {  	_ =	swait.ge [sflag:s25], $0x2000  }
0x6d: {  	[sflag:s25] =	ssyncset.done $0x0  }
0x6e: {  	s7 =	sadd.s32 $0x0, s21;
	[sflag:s25] =	ssyncadd.s32 $0xFFFFE000  }
0x6f: {  	[tilespmem:s28], [sflag:$0x5] =	stream.linear.gather [hbm4b:s7+s2], $0x100, $0x38;
	[tilespmem:$0xE400] =	vst v63  }
0x70: {  	_ =	swait.ge [sflag:s30], $0x100  }
0x71: {  	[sflag:s30] =	ssyncset.done $0x0  }
0x72: {  	[sflag:s30] =	ssyncadd.s32 $0xFFFFFF00  }
0x73: {  	[tilespmem:s24], [sflag:$0x1] =	stream.indirect.gather [hbm4b:s4+s31], $0x40, s2, s31, $0xb8;
	[tilespmem:$0xE400] =	vst v63  }
0x74: {  	_ =	swait.ge [sflag:s14], $0x2000  }
0x75: {  	[sflag:s14] =	ssyncset.done $0x0  }
0x76: {  	[sflag:s14] =	ssyncadd.s32 $0xFFFFE000  }
0x77: {  	[spmem:s1] =	stream.indirect.scatter.add.f32 [tilespmem:s3], [sflag:$0x7], $0x40, s18, s31, $0xb8;
	[tilespmem:$0xE400] =	vst v63  }
0x78: {  	_ =	swait.ge [sflag:s25], $0x2000  }
0x79: {  	s20 =	simm.s32 $0x80;
	s10 =	rddreg [dreg:$0x3];
	[sflag:s25] =	ssyncset.done $0x0  }
0x7a: {  	[sflag:s25] =	ssyncadd.s32 $0xFFFFE000;
	s6 =	sadd.s32 $0x0, s10;
	s10 =	sadd.s32 $0x400, s23  }
.LBB2_4:
0x7b: {  	[tilespmem:s29], [sflag:$0x6] =	stream.linear.gather [hbm4b:s6+s2], $0x100, $0x38;
	[tilespmem:$0xE400] =	vst v63  }
0x7c: {  	_ =	swait.ge [sflag:s0], $0x100  }
0x7d: {  	[sflag:s0] =	ssyncset.done $0x0  }
0x7e: {  	[sflag:s0] =	ssyncadd.s32 $0xFFFFFF00  }
0x7f: {  	[tilespmem:s3], [sflag:$0x2] =	stream.indirect.gather [hbm4b:s4+s31], $0x40, s26, s31, $0xb8;
	[tilespmem:$0xE400] =	vst v63  }
0x80: {  	_ =	swait.ge [sflag:s12], $0x2000  }
0x81: {  	[sflag:s12] =	ssyncset.done $0x0  }
0x82: {  	[sflag:s12] =	ssyncadd.s32 $0xFFFFE000  }
0x83: {  	[spmem:s1] =	stream.indirect.scatter.add.f32 [tilespmem:s24], [sflag:$0x7], $0x40, s31, s31, $0xb8;
	[tilespmem:$0xE400] =	vst v63  }
0x84: {  	_ =	swait.ge [sflag:s25], $0x2000  }
0x85: {  	s7 =	sshrl.u32 s10, $0x3;
	[sflag:s25] =	ssyncset.done $0x0  }
0x86: {  	s7 =	sadd.s32 s5, s7;
	[sflag:s25] =	ssyncadd.s32 $0xFFFFE000  }
0x87: {  	[tilespmem:s2], [sflag:$0x3] =	stream.linear.gather [hbm4b:s7+s2], $0x100, $0x38;
	[tilespmem:$0xE400] =	vst v63  }
0x88: {  	_ =	swait.ge [sflag:s13], $0x100  }
0x89: {  	[sflag:s13] =	ssyncset.done $0x0  }
0x8a: {  	[sflag:s13] =	ssyncadd.s32 $0xFFFFFF00  }
0x8b: {  	[tilespmem:s24], [sflag:$0x1] =	stream.indirect.gather [hbm4b:s4+s31], $0x40, s28, s31, $0xb8;
	[tilespmem:$0xE400] =	vst v63  }
0x8c: {  	_ =	swait.ge [sflag:s14], $0x2000  }
0x8d: {  	[sflag:s14] =	ssyncset.done $0x0  }
0x8e: {  	[sflag:s14] =	ssyncadd.s32 $0xFFFFE000  }
0x8f: {  	[spmem:s1] =	stream.indirect.scatter.add.f32 [tilespmem:s3], [sflag:$0x7], $0x40, s15, s31, $0xb8;
	[tilespmem:$0xE400] =	vst v63  }
0x90: {  	_ =	swait.ge [sflag:s25], $0x2000  }
0x91: {  	s6 =	smov.u32 s20;
	[sflag:s25] =	ssyncset.done $0x0  }
0x92: {  	s7 =	sadd.s32 s6, s22;
	[sflag:s25] =	ssyncadd.s32 $0xFFFFE000  }
0x93: {  	[tilespmem:s26], [sflag:$0x4] =	stream.linear.gather [hbm4b:s7+s2], $0x100, $0x38;
	[tilespmem:$0xE400] =	vst v63  }
0x94: {  	_ =	swait.ge [sflag:s16], $0x100  }
0x95: {  	[sflag:s16] =	ssyncset.done $0x0  }
0x96: {  	[sflag:s16] =	ssyncadd.s32 $0xFFFFFF00  }
0x97: {  	[tilespmem:s3], [sflag:$0x2] =	stream.indirect.gather [hbm4b:s4+s31], $0x40, s29, s31, $0xb8;
	[tilespmem:$0xE400] =	vst v63  }
0x98: {  	_ =	swait.ge [sflag:s12], $0x2000  }
0x99: {  	[sflag:s12] =	ssyncset.done $0x0  }
0x9a: {  	[sflag:s12] =	ssyncadd.s32 $0xFFFFE000  }
0x9b: {  	[spmem:s1] =	stream.indirect.scatter.add.f32 [tilespmem:s24], [sflag:$0x7], $0x40, s17, s31, $0xb8;
	[tilespmem:$0xE400] =	vst v63  }
0x9c: {  	_ =	swait.ge [sflag:s25], $0x2000  }
0x9d: {  	[sflag:s25] =	ssyncset.done $0x0  }
0x9e: {  	s7 =	sadd.s32 s6, s21;
	[sflag:s25] =	ssyncadd.s32 $0xFFFFE000  }
0x9f: {  	[tilespmem:s28], [sflag:$0x5] =	stream.linear.gather [hbm4b:s7+s2], $0x100, $0x38;
	[tilespmem:$0xE400] =	vst v63  }
0xa0: {  	_ =	swait.ge [sflag:s30], $0x100  }
0xa1: {  	[sflag:s30] =	ssyncset.done $0x0  }
0xa2: {  	[sflag:s30] =	ssyncadd.s32 $0xFFFFFF00  }
0xa3: {  	[tilespmem:s24], [sflag:$0x1] =	stream.indirect.gather [hbm4b:s4+s31], $0x40, s2, s31, $0xb8;
	[tilespmem:$0xE400] =	vst v63  }
0xa4: {  	_ =	swait.ge [sflag:s14], $0x2000  }
0xa5: {  	p0 =	sne.s32 s20, $0x980;
	[sflag:s14] =	ssyncset.done $0x0  }
.Ltmp1:
0xa6: {  	[sflag:s14] =	ssyncadd.s32 $0xFFFFE000;
	(pc) =	sbr.rel @p0 .LBB2_4-.Ltmp1, $4  }
0xa7: {  	[spmem:s1] =	stream.indirect.scatter.add.f32 [tilespmem:s3], [sflag:$0x7], $0x40, s18, s31, $0xb8;
	[tilespmem:$0xE400] =	vst v63  }
0xa8: {  	_ =	swait.ge [sflag:s25], $0x2000  }
0xa9: {  	s20 =	sadd.s32 $0x80, s20;
	[sflag:s25] =	ssyncset.done $0x0;
	s7 =	rddreg [dreg:$0x3]  }
0xaa: {  	s10 =	sadd.s32 $0x400, s10;
	[sflag:s25] =	ssyncadd.s32 $0xFFFFE000;
	s6 =	sadd.s32 s6, s7  }
0xab: {  	[tilespmem:s29], [sflag:$0x6] =	stream.linear.gather [hbm4b:s6+s2], $0x100, $0x38;
	[tilespmem:$0xE400] =	vst v63  }
0xac: {  	_ =	swait.ge [sflag:s12], $0x2000  }
0xad: {  	[sflag:s12] =	ssyncset.done $0x0  }
0xae: {  	[sflag:s12] =	ssyncadd.s32 $0xFFFFE000  }
0xaf: {  	_ =	swait.ge [sflag:s0], $0x100  }
0xb0: {  	[sflag:s0] =	ssyncset.done $0x0  }
0xb1: {  	[sflag:s0] =	ssyncadd.s32 $0xFFFFFF00  }
0xb2: {  	_ =	swait.ge [sflag:s13], $0x100  }
0xb3: {  	[sflag:s13] =	ssyncset.done $0x0  }
0xb4: {  	[sflag:s13] =	ssyncadd.s32 $0xFFFFFF00  }
0xb5: {  	_ =	swait.ge [sflag:s16], $0x100  }
0xb6: {  	[sflag:s16] =	ssyncset.done $0x0  }
0xb7: {  	[sflag:s16] =	ssyncadd.s32 $0xFFFFFF00  }
0xb8: {  	s7 =	stileid.u32;
	[bflag:$0x0] =	sbarrier.arrive $0xFFFF  }
0xb9: {  	s6 =	sshll.u32 s7, $0x6;
	s7 =	rddreg [dreg:$0x4]  }
0xba: {  	s6 =	sor.u32 $0x1C07, s6;
	s10 =	rddreg [dreg:$0xa];
	s7 =	sshrl.u32 s7, $0x3  }
0xbb: {  	[hbm:s10], [sflag:s6] =	dma.local [spmem:s7], $0x400  }
0xbc: {  	_ =	swait.ge [sflag:s25], $0x400  }
0xbd: {  	[sflag:s25] =	ssyncset.done $0x0;
	s10 =	rddreg [dreg:$0x5]  }
0xbe: {  	s20 =	rddreg [dreg:$0xb];
	[sflag:s25] =	ssyncadd.s32 $0xFFFFFC00;
	s7 =	sshrl.u32 s10, $0x3  }
0xbf: {  	[hbm:s20], [sflag:s6] =	dma.local [spmem:s7], $0x400  }
0xc0: {  	_ =	swait.ge [sflag:s25], $0x400  }
0xc1: {  	[sflag:s25] =	ssyncset.done $0x0  }
0xc2: {  	s10 =	sshrl.u32 s8, $0x3;
	s20 =	rddreg [dreg:$0xc];
	[sflag:s25] =	ssyncadd.s32 $0xFFFFFC00  }
0xc3: {  	[hbm:s20], [sflag:s6] =	dma.local [spmem:s10], $0x400  }
0xc4: {  	_ =	swait.ge [sflag:s25], $0x400  }
0xc5: {  	[sflag:s25] =	ssyncset.done $0x0  }
0xc6: {  	s10 =	sshrl.u32 s9, $0x3;
	s20 =	rddreg [dreg:$0xd];
	[sflag:s25] =	ssyncadd.s32 $0xFFFFFC00  }
0xc7: {  	[hbm:s20], [sflag:s6] =	dma.local [spmem:s10], $0x400  }
0xc8: {  	_ =	swait.ge [sflag:s25], $0x400  }
0xc9: {  	[sflag:s25] =	ssyncset.done $0x0  }
0xca: {  	s10 =	sshrl.u32 s11, $0x3;
	s20 =	rddreg [dreg:$0xe];
	[sflag:s25] =	ssyncadd.s32 $0xFFFFFC00  }
0xcb: {  	[hbm:s20], [sflag:s6] =	dma.local [spmem:s10], $0x400  }
0xcc: {  	_ =	swait.ge [sflag:s25], $0x400  }
0xcd: {  	s19 =	sadd.s32 $0x1, s19;
	s20 =	rddreg [dreg:$0xf]  }
0xce: {  	p0 =	sne.s32 s19, s20  }
.Ltmp2:
0xcf: {  	_ = 	snop;
	(pc) =	sbr.rel @p0 .LBB2_1-.Ltmp2, $3  }
0xd0: {  	_ =	sdelay $0x1  }
0xd1: {  	[sflag:s25] =	ssyncset.done $0x0  }
0xd2: {  	[sflag:s25] =	ssyncadd.s32 $0xFFFFFC00  }
0xd3: {  	_ =	sfence.sel $0x180000  }
0xd4: {  	[bflag:$0x0] =	sbarrier.arrive $0xFFFF  }
0xd5: {  	_ =	strace $0x9000004D  }
0xd6: {  	s0 =	stileid.u32;
	[bflag:$0x2] =	sbarrier.arrive $0xFFFF  }
0xd7: {  	p0 =	sne.s32 s0, $0x0;
	s0 =	rddreg [dreg:$0x2]  }
0xd8: {  	s0 =	sadd.s32 @!p0 $0x100000, s0  }
0xd9: {  	[sflag:s0] =	ssyncadd.tile.s32 @!p0 $0x1;
	_ =	shalt  }
.Lfunc_end2:
_tile_overlayer_lowered:
.L_overlay_start_2:
0xda: {  	(tag) =	ssettag $0x2  }
0xdb: {  	s0 =	rddreg [dreg:$0x0];
	s2 =	stileid.u32  }
0xdc: {  	s1 =	rddreg [dreg:$0x1];
	p0 =	sne.s32 s2, $0x0  }
0xdd: {  	s3 =	rddreg [dreg:$0x2];
	[bflag:$0x3] =	sbarrier.arrive $0xFFFF;
	s2 =	simm.s32 @!p0 $0x1C07  }
0xde: {  	[timem:s3], [sflag:s2] =	dma.local @!p0 [hbm:s0], s1  }
0xdf: {  	s0 =	simm.s32 @!p0 $0x7  }
0xe0: {  	_ =	swait.ge @!p0 [sflag:s0], s1  }
0xe1: {  	s1 =	ssub.s32 @!p0 $0x0, s1;
	[sflag:s0] =	ssyncset.done @!p0 $0x0  }
0xe2: {  	[sflag:s0] =	ssyncadd.s32 @!p0 s1  }
0xe3: {  	[bflag:$0x3] =	sbarrier.arrive $0xFFFF  }
0xe4: {  	_ =	shalt  }

// kernel: kernel.8.cloned.1.call-start
scs
__scs_entry_jumppad:
0x0: {  	(pc) =	sbr.rel $0x88, $3  }
0x1: {  	(tag) =	ssettag $0x0;
	lr =	simm.s32 $0x1  }
0x2: {  	[smem:$0x3F9B] =	sst lr;
	_ =	strace $0xD0000000  }
0x3: {  	_ = 	snop  }
0x4: {  	_ = 	snop  }
0x5: {  	_ = 	snop  }
0x6: {  	_ = 	snop  }
0x7: {  	_ = 	snop  }
__scs_overlays_trampoline_lowered:
0x8: {  	[smem:$0x3FAA] =	sst s0  }
0x9: {  	[smem:$0x3FAB] =	sst s1  }
0xa: {  	[smem:$0x3FAC] =	sst s2  }
0xb: {  	[smem:$0x3FAD] =	sst s3  }
0xc: {  	[smem:$0x3FAE] =	sst s4  }
0xd: {  	[smem:$0x3FAF] =	sst s5  }
0xe: {  	[smem:$0x3FB0] =	sst s6  }
0xf: {  	[smem:$0x3FB1] =	sst s7  }
0x10: {  	[smem:$0x3FB2] =	sst s8  }
0x11: {  	[smem:$0x3FB3] =	sst s9;
	s0 =	simm.s32 @!p0 $0x0  }
0x12: {  	s1 =	sld [smem:$0x3F99];
	s0 =	simm.s32 @p0 $0x1  }
0x13: {  	[smem:$0x3FB4] =	sst s0;
	s0 =	simm.s32 @!p1 $0x0  }
0x14: {  	s2 =	sld [smem:$0x3F98];
	s0 =	simm.s32 @p1 $0x1  }
0x15: {  	[smem:$0x3FB5] =	sst s0;
	s0 =	simm.s32 @!p2 $0x0  }
0x16: {  	s3 =	sld [smem:$0x3FDB];
	s0 =	simm.s32 @p2 $0x1  }
0x17: {  	s4 =	simm.s32 $0x1BF5;
	[smem:$0x3FB7] =	sst s0  }
0x18: {  	s0 =	sld [smem:$0x3F9A];
	_ =	swait.ge [sflag:s4], $0x0  }
0x19: {  	s7 =	sld [smem:$0x3F9B]  }
0x1a: {  	s8 =	sadd.s32 $0xFFFFE003, lr  }
0x1b: {  	s9 =	sadd.s32 $0xFFFFFEF7, lr;
	s5 =	simm.s32 $0xFFFFFFFF;
	p2 =	slt.u32 s8, $0xFFFFF086  }
0x1c: {  	p1 =	slt.u32 s9, $0xF7A;
	s5 =	simm.s32 @!p2 $0x0  }
0x1d: {  	s5 =	simm.s32 @p1 $0x1;
	p0 =	seq.s32 s7, s2  }
0x1e: {  	s7 =	smul.u32 @!p0 $0xF7A, s2;
	p2 =	seq.s32 @!p0 s5, $0x0  }
0x1f: {  	s9 =	smul.u32 $0xF7A, s1;
	s8 =	simm.s32 @!p0 $0x1BF5;
	p2 =	por !p2, p0  }
0x20: {  	[sflag:s8] =	ssyncset.s32 @!p0 $0xFFFFF086;
	s6 =	sadd.s32 @!p0 s3, s7;
	s7 =	simm.s32 @!p0 $0x108  }
0x21: {  	s3 =	sadd.s32 s3, s9;
	s6 =	sadd.s32 @!p0 $0x88, s6;
	s7 =	simm.s32 @p2 $0x1082  }
0x22: {  	[simem:s7], [sflag:s8] =	dma.local @!p0 [hbm:s6], $0xF7A  }
0x23: {  	s9 =	sor.u32 $0xD0000000, s2;
	s6 =	simm.s32 $0x108;
	_ =	swait.ge @!p0 [sflag:s8], $0x0  }
0x24: {  	s3 =	sadd.s32 $0x88, s3;
	s6 =	simm.s32 @!p1 $0x1082;
	[sflag:s4] =	ssyncset.s32 $0xFFFFF086  }
0x25: {  	[simem:s6], [sflag:s4] =	dma.local [hbm:s3], $0xF7A  }
0x26: {  	[smem:$0x3F9B] =	sst s1;
	(tag) =	ssettag s2;
	_ =	strace s9  }
0x27: {  	s1 =	sld [smem:$0x3FAB]  }
0x28: {  	s2 =	sld [smem:$0x3FAC]  }
0x29: {  	s4 =	sld [smem:$0x3FAE]  }
0x2a: {  	p0 =	seq.s32 s5, $0x0;
	s5 =	sld [smem:$0x3FAF]  }
0x2b: {  	s6 =	sld [smem:$0x3FB0]  }
0x2c: {  	s7 =	sld [smem:$0x3FB1]  }
0x2d: {  	s3 =	simm.s32 $0x108;
	s8 =	sld [smem:$0x3FB2]  }
0x2e: {  	s3 =	simm.s32 @!p0 $0x1082;
	s9 =	sld [smem:$0x3FB3]  }
0x2f: {  	lr =	sadd.s32 s0, s3;
	s0 =	sld [smem:$0x3FAA]  }
0x30: {  	s3 =	sld [smem:$0x3FAD]  }
0x31: {  	[smem:$0x3FB6] =	sst s10  }
0x32: {  	s10 =	sld [smem:$0x3FB4];
	_ =	sdelay $0x3  }
0x33: {  	p0 =	seq.s32 s10, $0x1;
	s10 =	sld [smem:$0x3FB6];
	_ =	sdelay $0x3  }
0x34: {  	[smem:$0x3FB6] =	sst s10  }
0x35: {  	s10 =	sld [smem:$0x3FB5];
	_ =	sdelay $0x3  }
0x36: {  	p1 =	seq.s32 s10, $0x1;
	s10 =	sld [smem:$0x3FB6];
	_ =	sdelay $0x3  }
0x37: {  	[smem:$0x3FB6] =	sst s10  }
0x38: {  	s10 =	sld [smem:$0x3FB7]  }
0x39: {  	_ = 	snop;
	(pc) =	sbr.ind lr, $3  }
0x3a: {  	_ = 	snop  }
0x3b: {  	_ = 	snop  }
0x3c: {  	p2 =	seq.s32 s10, $0x1;
	s10 =	sld [smem:$0x3FB6]  }
0x3d: {  	_ =	shalt  }
0x3e: {  	_ =	shalt  }
0x3f: {  	_ =	shalt  }
0x40: {  	_ =	shalt  }
0x41: {  	_ =	shalt  }
0x42: {  	_ =	shalt  }
0x43: {  	_ =	shalt  }
0x44: {  	_ =	shalt  }
0x45: {  	_ =	shalt  }
0x46: {  	_ =	shalt  }
0x47: {  	_ =	shalt  }
0x48: {  	_ =	shalt  }
0x49: {  	_ =	shalt  }
0x4a: {  	_ =	shalt  }
0x4b: {  	_ =	shalt  }
0x4c: {  	_ =	shalt  }
0x4d: {  	_ =	shalt  }
0x4e: {  	_ =	shalt  }
0x4f: {  	_ =	shalt  }
0x50: {  	_ =	shalt  }
0x51: {  	_ =	shalt  }
0x52: {  	_ =	shalt  }
0x53: {  	_ =	shalt  }
0x54: {  	_ =	shalt  }
0x55: {  	_ =	shalt  }
0x56: {  	_ =	shalt  }
0x57: {  	_ =	shalt  }
0x58: {  	_ =	shalt  }
0x59: {  	_ =	shalt  }
0x5a: {  	_ =	shalt  }
0x5b: {  	_ =	shalt  }
0x5c: {  	_ =	shalt  }
0x5d: {  	_ =	shalt  }
0x5e: {  	_ =	shalt  }
0x5f: {  	_ =	shalt  }
0x60: {  	_ =	shalt  }
0x61: {  	_ =	shalt  }
0x62: {  	_ =	shalt  }
0x63: {  	_ =	shalt  }
0x64: {  	_ =	shalt  }
0x65: {  	_ =	shalt  }
0x66: {  	_ =	shalt  }
0x67: {  	_ =	shalt  }
0x68: {  	_ =	shalt  }
0x69: {  	_ =	shalt  }
0x6a: {  	_ =	shalt  }
0x6b: {  	_ =	shalt  }
0x6c: {  	_ =	shalt  }
0x6d: {  	_ =	shalt  }
0x6e: {  	_ =	shalt  }
0x6f: {  	_ =	shalt  }
0x70: {  	_ =	shalt  }
0x71: {  	_ =	shalt  }
0x72: {  	_ =	shalt  }
0x73: {  	_ =	shalt  }
0x74: {  	_ =	shalt  }
0x75: {  	_ =	shalt  }
0x76: {  	_ =	shalt  }
0x77: {  	_ =	shalt  }
0x78: {  	_ =	shalt  }
0x79: {  	_ =	shalt  }
0x7a: {  	_ =	shalt  }
0x7b: {  	_ =	shalt  }
0x7c: {  	_ =	shalt  }
0x7d: {  	_ =	shalt  }
0x7e: {  	_ =	shalt  }
0x7f: {  	_ =	shalt  }
0x80: {  	_ =	shalt  }
0x81: {  	_ =	shalt  }
0x82: {  	_ =	shalt  }
0x83: {  	_ =	shalt  }
0x84: {  	_ =	shalt  }
0x85: {  	_ =	shalt  }
0x86: {  	_ =	shalt  }
0x87: {  	_ =	shalt  }
.Lfunc_end0:
.L_simem_size_0:
called_computation_lowered:
.L_overlay_start_0:
0x88: {  	s2 =	sld [smem:$0x3FD9]  }
0x89: {  	s3 =	sld [smem:$0x3FFE];
	_ =	sdelay $0x1  }
0x8a: {  	s1 =	srdreg.scid  }
0x8b: {  	s0 =	sand.u32 $0x1, s1  }
0x8c: {  	s17 =	sshll.u32 s0, $0xA;
	s2 =	sadd.s32 s3, s2  }
0x8d: {  	s2 =	sadd.s32 s2, s17  }
0x8e: {  	[smem:$0x3FC2] =	sst s2  }
0x8f: {  	_ = 	snop  }
0x90: {  	s2 =	sld [smem:$0x3FD0];
	(tm) =	ssettm $0x1  }
0x91: {  	s18 =	sld [smem:$0x3FFB];
	_ =	sdelay $0x3  }
0x92: {  	_ =	strace s18  }
0x93: {  	s3 =	sld [smem:$0x3FFC];
	_ =	sdelay $0x3  }
0x94: {  	_ =	strace s3  }
0x95: {  	s3 =	sld [smem:$0x3FFD];
	_ =	sdelay $0x3  }
0x96: {  	_ =	strace s3  }
0x97: {  	_ =	strace $0x8FFFFFFF  }
0x98: {  	s19 =	sld [smem:$0x3FDB];
	_ =	sdelay $0x1  }
0x99: {  	s4 =	simm.s32 $_scs_section_size  }
0x9a: {  	s5 =	simm.s32 $_size__tile_overlayer_lowered;
	s6 =	simm.s32 $_tile_overlayer_lowered  }
0x9b: {  	s22 =	simm.s32 $0x1BFF;
	s21 =	sshll.u32 s6, $0x1;
	s3 =	sadd.s32 s4, s19  }
0x9c: {  	s7 =	simm.s32 $0x0;
	s20 =	sshll.u32 s5, $0x1;
	s5 =	sadd.s32 s21, s3  }
0x9d: {  	[timem:s7], [sflag:s22] =	dma.local [hbm:s5], s20  }
0x9e: {  	_ =	swait.ge [sflag:s22], s20  }
0x9f: {  	s4 =	ssub.s32 $0x0, s20;
	[sflag:s22] =	ssyncset.done $0x0  }
0xa0: {  	[sflag:s22] =	ssyncadd.s32 s4;
	_ =	sdelay $0x1  }
0xa1: {  	s23 =	simm.s32 $0x1B8B  }
0xa2: {  	_ =	swait.ge [sflag:s23], $0x1  }
0xa3: {  	[sflag:s23] =	ssyncset.done $0x0  }
0xa4: {  	s25 =	simm.s32 $0x1B8E;
	s24 =	sld [smem:$0x3FFE];
	[sflag:s23] =	ssyncadd.s32 $0xFFFFFFFF  }
0xa5: {  	s26 =	simm.s32 $execute0_lowered;
	[smem:$0x3FD2] =	sst s25  }
0xa6: {  	s5 =	sshll.u32 s26, $0x1;
	_ =	strace $0x80000046;
	[dreg:$0x1] =	wrdreg $0xFFFFFFFF  }
0xa7: {  	s28 =	simm.s32 $_size_execute0_lowered;
	s3 =	sadd.s32 s3, s5;
	[dreg:$0x0] =	wrdreg $0x0  }
0xa8: {  	s5 =	sshll.u32 s28, $0x1;
	[dreg:$0x2] =	wrdreg s3  }
0xa9: {  	[dreg:$0x3] =	wrdreg s5  }
0xaa: {  	[dreg:$0x4] =	wrdreg $0xC0  }
0xab: {  	_ =	task [dreg:s7], $0x5FFFF  }
0xac: {  	[dreg:$0x1] =	wrdreg $0xFFFFFFFF  }
0xad: {  	[dreg:$0x0] =	wrdreg $0x60  }
0xae: {  	[dreg:$0x2] =	wrdreg s2  }
0xaf: {  	[dreg:$0x3] =	wrdreg s24  }
0xb0: {  	[dreg:$0x4] =	wrdreg $0x29000  }
0xb1: {  	[dreg:$0x5] =	wrdreg $0x9  }
0xb2: {  	_ =	task.clear_ibuf [dreg:s7], $0x6FFFF;
	_ =	strace $0x90000046  }
0xb3: {  	s29 =	simm.s32 $0x9;
	_ =	strace $0x80000048  }
0xb4: {  	_ =	swait.ge [sflag:s29], $0x1  }
0xb5: {  	[sflag:s29] =	ssyncadd.s32 $0xFFFFFFFF  }
0xb6: {  	_ =	strace $0x90000048  }
0xb7: {  	_ =	sfence  }
0xb8: {  	s30 =	sld [smem:$0x0];
	_ =	sdelay $0x2  }
0xb9: {  	s31 =	sshll.u32 s1, $0xD;
	s1 =	sshrl.u32 s1, $0x2  }
0xba: {  	s3 =	sand.u32 $0x4000, s31;
	s1 =	sadd.s32 s1, s30  }
0xbb: {  	s0 =	sor.u32 s3, s0;
	s1 =	sshll.u32 s1, $0x11  }
0xbc: {  	s0 =	sor.u32 s1, s0  }
0xbd: {  	s0 =	sadd.s32 $0x8F2B, s0  }
0xbe: {  	[sflag:s0] =	ssyncadd.remote.s32 $0x1  }
0xbf: {  	_ =	sfence.sel $0xFFFF  }
0xc0: {  	[dreg:$0x0] =	wrdreg $0xFFFFFFFF;
	(pc) =	sbr.abs _section_cstart, $3  }
0xc1: {  	[dreg:$0x1] =	wrdreg $0xFFFFFFFF  }
0xc2: {  	_ =	task.clear_ibuf [dreg:s7], $0x2FFFF;
	_ =	strace $0x9FFFFFFF  }
0xc3: {  	(tm) =	ssettm $0x7FFFFFFF  }
tec
execute0_lowered:
.L_overlay_start_1:
0x0: {  	(tag) =	ssettag $0x1  }
0x1: {  	s4 =	rddreg [dreg:$0x0]  }
0x2: {  	s5 =	rddreg [dreg:$0x1];
	s1 =	srdreg.scid  }
0x3: {  	s0 =	stileid.u32;
	s2 =	rddreg [dreg:$0x2];
	s18 =	simm.s32 $0x80  }
0x4: {  	s19 =	simm.s32 $0x2880;
	s21 =	simm.s32 $0x0;
	s8 =	sand.u32 $0x1, s1  }
0x5: {  	s3 =	sshll.u32 s0, $0x1;
	s1 =	rddreg [dreg:$0x3];
	s10 =	smul.u32 $0x280, s0  }
0x6: {  	s14 =	sadd.s32 $0x2400, s5;
	s11 =	smul.u32 $0x500, s0;
	s20 =	sshll.u32 s0, $0x6  }
0x7: {  	s6 =	sor.u32 s8, s3;
	s3 =	simm.s32 $0x0;
	s7 =	ssub.s32 $0x2, s8  }
0x8: {  	s16 =	sshll.u32 s8, $0x7;
	s20 =	sor.u32 $0x1C01, s20;
	s6 =	smul.u32 $0x500, s6  }
0x9: {  	[smem:$0x7FF] =	sst s3;
	s9 =	sshrl.u32 s7, $0x1;
	s5 =	sadd.s32 s10, s2  }
0xa: {  	s29 =	sadd.s32 $0x80, s10;
	s12 =	sadd.s32 $0x100, s10;
	s13 =	sadd.s32 $0x180, s10  }
0xb: {  	s11 =	sor.u32 s16, s11;
	s17 =	sadd.s32 $0x200, s10;
	_ =	strace $0x80000047  }
0xc: {  	s15 =	ssub.s32 s7, s9;
	s7 =	sadd.s32 s12, s2;
	s8 =	sadd.s32 s13, s2  }
0xd: {  	s9 =	sshll.u32 s29, $0x1;
	s30 =	sshrl.u32 s11, $0x3;
	s12 =	sshll.u32 s12, $0x1  }
0xe: {  	s13 =	sshll.u32 s13, $0x1;
	s4 =	sadd.s32 s4, s6;
	s6 =	sadd.s32 s29, s2  }
0xf: {  	s31 =	sor.u32 s16, s9;
	s9 =	sadd.s32 s17, s2;
	s10 =	sadd.s32 s14, s30  }
0x10: {  	s12 =	sor.u32 s16, s12;
	s13 =	sor.u32 s16, s13;
	s17 =	sshll.u32 s17, $0x1  }
0x11: {  	s15 =	smax.u32 s15, $0x1;
	s11 =	sshrl.u32 s31, $0x3;
	s12 =	sshrl.u32 s12, $0x3  }
0x12: {  	s13 =	sshrl.u32 s13, $0x3;
	s16 =	sor.u32 s16, s17;
	s17 =	simm.s32 $0x2800  }
0x13: {  	s11 =	sadd.s32 s14, s11;
	s12 =	sadd.s32 s14, s12;
	s16 =	sshrl.u32 s16, $0x3  }
0x14: {  	v0 =	vimm.f32 $0.0e+00;
	v1 =	vimm.f32 $1.000000000e+00;
	s13 =	sadd.s32 s14, s13;
	s14 =	sadd.s32 s14, s16;
	s16 =	simm.s32 $0x1  }
.LBB2_1:
0x15: {  	[tilespmem:s3], [sflag:$0x1] =	stream.linear.gather [hbm4b:s4+s3], $0x2800, $0x38;
	[tilespmem:$0x2B80] =	vst v63  }
0x16: {  	_ =	swait.ge [sflag:s16], $0x2800  }
0x17: {  	[sflag:s16] =	ssyncset.done $0x0  }
0x18: {  	[sflag:s16] =	ssyncadd.s32 $0xFFFFD800  }
0x19: {  	[tilespmem:$0x2800] =	vst v0  }
0x1a: {  	[tilespmem:$0x2810] =	vst v0  }
0x1b: {  	[tilespmem:$0x2820] =	vst v0  }
0x1c: {  	[tilespmem:$0x2830] =	vst v0  }
0x1d: {  	[tilespmem:$0x2840] =	vst v0  }
0x1e: {  	[tilespmem:$0x2850] =	vst v0  }
0x1f: {  	[tilespmem:$0x2860] =	vst v0  }
0x20: {  	[tilespmem:$0x2870] =	vst v0  }
0x21: {  	[tilespmem:$0x2880] =	vst v1  }
0x22: {  	[tilespmem:$0x2890] =	vst v1  }
0x23: {  	[tilespmem:$0x28A0] =	vst v1  }
0x24: {  	[tilespmem:$0x28B0] =	vst v1  }
0x25: {  	[tilespmem:$0x28C0] =	vst v1  }
0x26: {  	[tilespmem:$0x28D0] =	vst v1  }
0x27: {  	[tilespmem:$0x28E0] =	vst v1  }
0x28: {  	[tilespmem:$0x28F0] =	vst v1  }
0x29: {  	[spmem:s5] =	stream.linear.scatter [tilespmem:s17], [sflag:$0x1], $0x80, $0x38;
	[tilespmem:$0x2B80] =	vst v63  }
0x2a: {  	_ =	swait.ge [sflag:s16], $0x80  }
0x2b: {  	[sflag:s16] =	ssyncset.done $0x0  }
0x2c: {  	[sflag:s16] =	ssyncadd.s32 $0xFFFFFF80  }
0x2d: {  	[spmem:s6] =	stream.linear.scatter [tilespmem:s17], [sflag:$0x1], $0x80, $0x38;
	[tilespmem:$0x2B80] =	vst v63  }
0x2e: {  	_ =	swait.ge [sflag:s16], $0x80  }
0x2f: {  	[sflag:s16] =	ssyncset.done $0x0  }
0x30: {  	[sflag:s16] =	ssyncadd.s32 $0xFFFFFF80  }
0x31: {  	[spmem:s7] =	stream.linear.scatter [tilespmem:s17], [sflag:$0x1], $0x80, $0x38;
	[tilespmem:$0x2B80] =	vst v63  }
0x32: {  	_ =	swait.ge [sflag:s16], $0x80  }
0x33: {  	[sflag:s16] =	ssyncset.done $0x0  }
0x34: {  	[sflag:s16] =	ssyncadd.s32 $0xFFFFFF80  }
0x35: {  	[spmem:s8] =	stream.linear.scatter [tilespmem:s17], [sflag:$0x1], $0x80, $0x38;
	[tilespmem:$0x2B80] =	vst v63  }
0x36: {  	_ =	swait.ge [sflag:s16], $0x80  }
0x37: {  	[sflag:s16] =	ssyncset.done $0x0  }
0x38: {  	[sflag:s16] =	ssyncadd.s32 $0xFFFFFF80  }
0x39: {  	[spmem:s9] =	stream.linear.scatter [tilespmem:s17], [sflag:$0x1], $0x80, $0x38;
	[tilespmem:$0x2B80] =	vst v63  }
0x3a: {  	_ =	swait.ge [sflag:s16], $0x80  }
0x3b: {  	[sflag:s16] =	ssyncset.done $0x0  }
0x3c: {  	[sflag:s16] =	ssyncadd.s32 $0xFFFFFF80  }
0x3d: {  	s22 =	simm.s32 $0x0;
	[bflag:$0x0] =	sbarrier.arrive $0xFFFF  }
0x3e: {  	[spmem:s2] =	stream.indirect.scatter.add.f32 [tilespmem:s19], [sflag:$0x1], $0x1, s22, s18, $0xb8;
	[tilespmem:$0x2B80] =	vst v63  }
0x3f: {  	_ =	swait.ge [sflag:s16], $0x80  }
0x40: {  	s22 =	simm.s32 $0x200;
	[sflag:s16] =	ssyncset.done $0x0  }
.LBB2_2:
0x41: {  	s23 =	sshra.s32 s22, $0x2;
	[sflag:s16] =	ssyncadd.s32 $0xFFFFFF80;
	p0 =	sne.s32 s22, $0x9E00  }
0x42: {  	[spmem:s2] =	stream.indirect.scatter.add.f32 [tilespmem:s19], [sflag:$0x1], $0x1, s23, s18, $0xb8;
	[tilespmem:$0x2B80] =	vst v63  }
.Ltmp0:
0x43: {  	_ = 	snop;
	(pc) =	sbr.rel @p0 .LBB2_2-.Ltmp0, $4  }
0x44: {  	_ = 	snop  }
0x45: {  	s22 =	sadd.s32 $0x200, s22  }
0x46: {  	_ =	swait.ge [sflag:s16], $0x80  }
0x47: {  	[sflag:s16] =	ssyncset.done $0x0  }
0x48: {  	[sflag:s16] =	ssyncadd.s32 $0xFFFFFF80  }
0x49: {  	s22 =	sshrl.u32 s5, $0x3;
	[bflag:$0x0] =	sbarrier.arrive $0xFFFF  }
0x4a: {  	[hbm:s10], [sflag:s20] =	dma.local [spmem:s22], $0x10  }
0x4b: {  	_ =	swait.ge [sflag:s16], $0x10  }
0x4c: {  	[sflag:s16] =	ssyncset.done $0x0  }
0x4d: {  	s28 =	sshrl.u32 s6, $0x3;
	[sflag:s16] =	ssyncadd.s32 $0xFFFFFFF0  }
0x4e: {  	[hbm:s11], [sflag:s20] =	dma.local [spmem:s28], $0x10  }
0x4f: {  	_ =	swait.ge [sflag:s16], $0x10  }
0x50: {  	[sflag:s16] =	ssyncset.done $0x0  }
0x51: {  	s29 =	sshrl.u32 s7, $0x3;
	[sflag:s16] =	ssyncadd.s32 $0xFFFFFFF0  }
0x52: {  	[hbm:s12], [sflag:s20] =	dma.local [spmem:s29], $0x10  }
0x53: {  	_ =	swait.ge [sflag:s16], $0x10  }
0x54: {  	[sflag:s16] =	ssyncset.done $0x0  }
0x55: {  	s30 =	sshrl.u32 s8, $0x3;
	[sflag:s16] =	ssyncadd.s32 $0xFFFFFFF0  }
0x56: {  	[hbm:s13], [sflag:s20] =	dma.local [spmem:s30], $0x10  }
0x57: {  	s21 =	sadd.s32 $0x1, s21;
	_ =	swait.ge [sflag:s16], $0x10  }
0x58: {  	p0 =	sne.s32 s21, s15;
	[sflag:s16] =	ssyncset.done $0x0  }
.Ltmp1:
0x59: {  	s31 =	sshrl.u32 s9, $0x3;
	[sflag:s16] =	ssyncadd.s32 $0xFFFFFFF0;
	(pc) =	sbr.rel @p0 .LBB2_1-.Ltmp1, $4  }
0x5a: {  	[hbm:s14], [sflag:s20] =	dma.local [spmem:s31], $0x10  }
0x5b: {  	_ =	swait.ge [sflag:s16], $0x10  }
0x5c: {  	[sflag:s16] =	ssyncset.done $0x0  }
0x5d: {  	[sflag:s16] =	ssyncadd.s32 $0xFFFFFFF0  }
0x5e: {  	_ =	sfence.sel $0x180000  }
0x5f: {  	[bflag:$0x0] =	sbarrier.arrive $0xFFFF  }
0x60: {  	p0 =	sne.s32 s0, $0x0;
	_ =	strace $0x90000047  }
0x61: {  	s0 =	sadd.s32 @!p0 $0x100000, s1;
	[bflag:$0x2] =	sbarrier.arrive $0xFFFF  }
0x62: {  	[sflag:s0] =	ssyncadd.tile.s32 @!p0 $0x1;
	_ =	shalt  }
.Lfunc_end2:
_tile_overlayer_lowered:
.L_overlay_start_2:
0x63: {  	(tag) =	ssettag $0x2  }
0x64: {  	s0 =	rddreg [dreg:$0x0];
	s2 =	stileid.u32  }
0x65: {  	s1 =	rddreg [dreg:$0x1];
	p0 =	sne.s32 s2, $0x0  }
0x66: {  	s3 =	rddreg [dreg:$0x2];
	[bflag:$0x3] =	sbarrier.arrive $0xFFFF;
	s2 =	simm.s32 @!p0 $0x1C01  }
0x67: {  	[timem:s3], [sflag:s2] =	dma.local @!p0 [hbm:s0], s1  }
0x68: {  	s0 =	simm.s32 @!p0 $0x1  }
0x69: {  	_ =	swait.ge @!p0 [sflag:s0], s1  }
0x6a: {  	s1 =	ssub.s32 @!p0 $0x0, s1;
	[sflag:s0] =	ssyncset.done @!p0 $0x0  }
0x6b: {  	[sflag:s0] =	ssyncadd.s32 @!p0 s1  }
0x6c: {  	[bflag:$0x3] =	sbarrier.arrive $0xFFFF  }
0x6d: {  	_ =	shalt  }

</sc_bundles>
